<compile_context>
chip_gen: v7x
topology: tpu7x:2x2x1
jax: 0.10.2.dev20260603
libtpu: 0.0.44.dev20260713+nightly
codegen_flags: <defaults>
</compile_context>

<pallas_src>
import functools

import jax
import jax.numpy as jnp
from jax import lax
from jax.experimental import pallas as pl
from jax.experimental.pallas import tpu as pltpu
from jax.experimental.pallas import tpu_sc as plsc

B, S, D = 2, 2048, 1024
E, FF = 8, 2048
BS = B * S
CAPACITY = 640.0
TB = 1024
NTB = BS // TB
BT = 256
NBLK = (BS * 2 + 16 + E * (BT - 1)) // BT + 1
PAD = NBLK * BT
DUMMY = PAD - 1
NW = 32
SB = 64
NSUB = 5
PPAD = NW * NSUB * SB
TPT = BS // NW
CB = 64


def _router_kernel(x_ref, wr_ref, br_ref, iw_ref, w_ref, a_ref):
    t = pl.program_id(0)

    @pl.when(t == 0)
    def _():
        a_ref[...] = jnp.zeros_like(a_ref)

    prev = a_ref[...]
    prevcnt = prev[2:3, :] + prev[3:4, :]

    x = x_ref[...]
    logits = lax.dot_general(
        x, wr_ref[...], (((1,), (1,)), ((), ())), preferred_element_type=jnp.float32
    ) + br_ref[...]
    mx = jnp.max(logits, axis=1, keepdims=True)
    ex = jnp.exp(logits - mx)
    probs = ex / jnp.sum(ex, axis=1, keepdims=True)
    iota_e = lax.broadcasted_iota(jnp.int32, (TB, E), 1)
    p1 = jnp.max(probs, axis=1, keepdims=True)
    i1 = jnp.argmax(probs, axis=1).reshape(TB, 1)
    masked = jnp.where(iota_e == i1, -jnp.inf, probs)
    p2 = jnp.max(masked, axis=1, keepdims=True)
    i2 = jnp.argmax(masked, axis=1).reshape(TB, 1)
    s = p1 + p2
    w1 = p1 / s
    w2 = p2 / s

    lane = lax.broadcasted_iota(jnp.int32, (TB, 128), 1)
    o1 = (lane == i1).astype(jnp.float32)
    o2 = (lane == i2).astype(jnp.float32)
    row_i = lax.broadcasted_iota(jnp.int32, (TB, TB), 0)
    col_i = lax.broadcasted_iota(jnp.int32, (TB, TB), 1)
    ltri = (row_i > col_i).astype(jnp.bfloat16)
    c1 = lax.dot_general(
        ltri, o1.astype(jnp.bfloat16), (((1,), (0,)), ((), ())),
        preferred_element_type=jnp.float32,
    )
    c2 = lax.dot_general(
        ltri, o2.astype(jnp.bfloat16), (((1,), (0,)), ((), ())),
        preferred_element_type=jnp.float32,
    )
    s1 = jnp.sum(o1, axis=0, keepdims=True)
    s2 = jnp.sum(o2, axis=0, keepdims=True)
    pos1 = jnp.sum((c1 + prevcnt) * o1, axis=1, keepdims=True)
    pos2 = jnp.sum((c2 + prevcnt + s1) * o2, axis=1, keepdims=True)

    i1f = i1.astype(jnp.int32)
    i2f = i2.astype(jnp.int32)
    iw = (
        jnp.where(lane == 0, i1f, 0)
        + jnp.where(lane == 1, i2f, 0)
        + jnp.where(lane == 2, pos1.astype(jnp.int32), 0)
        + jnp.where(lane == 3, pos2.astype(jnp.int32), 0)
    )
    iw_ref[...] = iw
    w_ref[...] = jnp.where(lane == 0, w1, 0.0) + jnp.where(lane == 1, w2, 0.0)

    a1 = jnp.sum(w1 * o1, axis=0, keepdims=True)
    a2 = jnp.sum(w2 * o2, axis=0, keepdims=True)
    srow = lax.broadcasted_iota(jnp.int32, (8, 128), 0)
    delta = (
        jnp.where(srow == 0, a1, 0.0)
        + jnp.where(srow == 1, a2, 0.0)
        + jnp.where(srow == 2, s1, 0.0)
        + jnp.where(srow == 3, s2, 0.0)
    )
    a_ref[...] += delta


def _ffn_kernel(em_ref, rows_ref, val_ref, w1_ref, b1_ref, w2_ref, b2_ref, o_ref):
    del em_ref
    v = val_ref[...]
    xs = (rows_ref[...] * v).astype(jnp.bfloat16)
    h = lax.dot_general(
        xs, w1_ref[0], (((1,), (1,)), ((), ())), preferred_element_type=jnp.float32
    ) + b1_ref[0]
    h = 0.5 * h * (1.0 + lax.erf(h * 0.7071067811865476))
    out = lax.dot_general(
        h.astype(jnp.bfloat16), w2_ref[0], (((1,), (1,)), ((), ())),
        preferred_element_type=jnp.float32,
    ) + b2_ref[0]
    o_ref[...] = v * out


RPT = PAD // NW
GSB = 32
NGS = RPT // GSB + 1


def _sc_dispatch(x3, src, dst, val):
    info = plsc.get_sparse_core_info()
    nc = info.num_cores
    mesh = plsc.VectorSubcoreMesh(core_axis_name="c", subcore_axis_name="s")

    @functools.partial(
        pl.kernel,
        out_type=[
            jax.ShapeDtypeStruct((PAD, D), jnp.float32),
            jax.ShapeDtypeStruct((PAD,), jnp.float32),
        ],
        mesh=mesh,
        scratch_types=[
            pltpu.VMEM((PPAD,), jnp.int32),
            pltpu.VMEM((PPAD,), jnp.int32),
            pltpu.VMEM((PPAD,), jnp.float32),
            pltpu.VMEM((PAD,), jnp.int32),
            pltpu.VMEM((PAD,), jnp.float32),
            pltpu.VMEM((GSB, D), jnp.float32),
            pltpu.VMEM((GSB, D), jnp.float32),
            pltpu.SemaphoreType.DMA,
            pltpu.SemaphoreType.DMA,
        ],
        compiler_params=pltpu.CompilerParams(needs_layout_passes=False),
    )
    def k(x_hbm, src_hbm, dst_hbm, val_hbm, rows_out, vbuf_out,
          src_v, dst_v, val_v, spos_v, vpos_v, rows_a, rows_b, sem_a, sem_b):
        wid = lax.axis_index("s") * nc + lax.axis_index("c")
        pltpu.sync_copy(src_hbm, src_v)
        pltpu.sync_copy(dst_hbm, dst_v)
        pltpu.sync_copy(val_hbm, val_v)
        base = wid * RPT

        zstart = jnp.minimum((base // 16) * 16, PAD - 22 * 16)

        def zero_body(i, _):
            off = zstart + i * 16
            spos_v[pl.ds(off, 16)] = (lax.iota(jnp.int32, 16) + off) & (BS - 1)
            vpos_v[pl.ds(off, 16)] = jnp.zeros((16,), jnp.float32)
            return 0

        lax.fori_loop(0, 22, zero_body, 0)

        def inv_body(i, _):
            for u in range(4):
                o = pl.ds((i * 4 + u) * 16, 16)
                idx = dst_v[o]
                plsc.store_scatter(spos_v, [idx], src_v[o])
                plsc.store_scatter(vpos_v, [idx], val_v[o])
            return 0

        lax.fori_loop(0, PPAD // 64, inv_body, 0)

        pltpu.sync_copy(vpos_v.at[pl.ds(base, RPT)], vbuf_out.at[pl.ds(base, RPT)])
        bufs = [rows_a, rows_b]
        sems = [sem_a, sem_b]
        sizes = [GSB] * (NGS - 1) + [RPT - (NGS - 1) * GSB]

        def start(j):
            return pltpu.async_copy(
                x_hbm.at[spos_v.at[pl.ds(base + j * GSB, sizes[j])]],
                bufs[j % 2].at[pl.ds(0, sizes[j])], sems[j % 2],
            )

        cp = start(0)
        for j in range(NGS):
            cp.wait()
            if j + 1 < NGS:
                cp = start(j + 1)
            pltpu.sync_copy(
                bufs[j % 2].at[pl.ds(0, sizes[j])],
                rows_out.at[pl.ds(base + j * GSB, sizes[j])],
            )

    return k(x3, src, dst, val)


def _sc_combine(raw, g01, gx):
    info = plsc.get_sparse_core_info()
    nc = info.num_cores
    mesh = plsc.VectorSubcoreMesh(core_axis_name="c", subcore_axis_name="s")

    @functools.partial(
        pl.kernel,
        out_type=[
            jax.ShapeDtypeStruct((BS, D), jnp.float32),
            jax.ShapeDtypeStruct((BS, D), jnp.float32),
            jax.ShapeDtypeStruct((16, D), jnp.float32),
        ],
        mesh=mesh,
        scratch_types=[
            pltpu.VMEM((2, TPT), jnp.int32),
            pltpu.VMEM((2, 8), jnp.int32),
            pltpu.VMEM((CB, D), jnp.float32),
            pltpu.SemaphoreType.DMA,
        ],
    )
    def k(raw_hbm, g01_hbm, gx_hbm, out0_hbm, out1_hbm, ex_hbm,
          g_v, gx_v, buf_v, sem):
        wid = lax.axis_index("s") * nc + lax.axis_index("c")
        pltpu.sync_copy(g01_hbm.at[wid], g_v)
        for r in range(TPT // CB):
            base = wid * TPT + r * CB
            pltpu.async_copy(
                raw_hbm.at[g_v.at[0, pl.ds(r * CB, CB)]], buf_v, sem
            ).wait()
            pltpu.sync_copy(buf_v, out0_hbm.at[pl.ds(base, CB)])
            pltpu.async_copy(
                raw_hbm.at[g_v.at[1, pl.ds(r * CB, CB)]], buf_v, sem
            ).wait()
            pltpu.sync_copy(buf_v, out1_hbm.at[pl.ds(base, CB)])

        @pl.when(wid == 0)
        def _():
            pltpu.sync_copy(gx_hbm, gx_v)
            pltpu.async_copy(
                raw_hbm.at[gx_v.at[0]], buf_v.at[pl.ds(0, 8)], sem
            ).wait()
            pltpu.sync_copy(buf_v.at[pl.ds(0, 8)], ex_hbm.at[pl.ds(0, 8)])
            pltpu.async_copy(
                raw_hbm.at[gx_v.at[1]], buf_v.at[pl.ds(0, 8)], sem
            ).wait()
            pltpu.sync_copy(buf_v.at[pl.ds(0, 8)], ex_hbm.at[pl.ds(8, 8)])

    return k(raw, g01, gx)


def _fin_kernel(g0_ref, g1_ref, ex_ref, o_ref):
    blk = pl.program_id(0)
    o_ref[...] = g0_ref[...] + g1_ref[...]

    @pl.when(blk == 0)
    def _():
        o_ref[0:8, :] = o_ref[0:8, :] + (ex_ref[0:8, :] + ex_ref[8:16, :])


@jax.jit
def kernel(inputs, Wr, br, W1, b1, W2, b2):
    b, s, d = inputs.shape
    xf = inputs.reshape(BS, D)

    iw, w, a = pl.pallas_call(
        _router_kernel,
        grid=(NTB,),
        in_specs=[
            pl.BlockSpec((TB, D), lambda t: (t, 0)),
            pl.BlockSpec((E, D), lambda t: (0, 0)),
            pl.BlockSpec((1, E), lambda t: (0, 0)),
        ],
        out_specs=[
            pl.BlockSpec((TB, 128), lambda t: (t, 0)),
            pl.BlockSpec((TB, 128), lambda t: (t, 0)),
            pl.BlockSpec((8, 128), lambda t: (0, 0)),
        ],
        out_shape=[
            jax.ShapeDtypeStruct((BS, 128), jnp.int32),
            jax.ShapeDtypeStruct((BS, 128), jnp.float32),
            jax.ShapeDtypeStruct((8, 128), jnp.float32),
        ],
    )(xf, Wr, br.reshape(1, E))

    i1, i2 = iw[:, 0], iw[:, 1]
    pos1, pos2 = iw[:, 2], iw[:, 3]
    w1v, w2v = w[:, 0], w[:, 1]
    amass = a[0:2, 0:E]
    n_slots = (a[2, 0:E] + a[3, 0:E]).astype(jnp.int32)
    n_tot = n_slots + jnp.where(jnp.arange(E) < 2, 8, 0)
    padded = ((n_tot + BT - 1) // BT) * BT
    off = jnp.concatenate([jnp.zeros((1,), jnp.int32), jnp.cumsum(padded)[:-1]])
    cum_blk = jnp.cumsum(padded // BT)
    blk_expert = jnp.minimum(
        jnp.sum(
            (jnp.arange(NBLK, dtype=jnp.int32)[:, None] >= cum_blk[None, :]).astype(
                jnp.int32
            ),
            axis=1,
        ),
        E - 1,
    ).astype(jnp.int32)

    r8 = jnp.arange(8)
    i1_8, i2_8 = i1[:8], i2[:8]
    c0 = jnp.where(i1_8 < 2, amass[jnp.clip(i1_8, 0, 1), r8], 0.0)
    c1 = jnp.where(i2_8 < 2, amass[jnp.clip(i2_8, 0, 1), r8], 0.0)
    v0 = jnp.minimum(w1v.at[0:8].add(c0), CAPACITY)
    v1 = jnp.minimum(w2v.at[0:8].add(c1), CAPACITY)
    in_top = (i1_8[:, None] == jnp.arange(2)[None, :]) | (
        i2_8[:, None] == jnp.arange(2)[None, :]
    )
    vx = jnp.where(in_top, 0.0, jnp.minimum(amass.T, CAPACITY))
    dx = off[None, :2] + n_slots[None, :2] + r8[:, None]

    d0 = off[i1] + pos1
    d1 = off[i2] + pos2
    npad = PPAD - (2 * BS + 16)
    toks = jnp.arange(BS, dtype=jnp.int32)
    src = jnp.concatenate(
        [toks, toks, jnp.broadcast_to(r8[:, None], (8, 2)).reshape(-1),
         jnp.zeros((npad,), jnp.int32)]
    )
    dst = jnp.concatenate(
        [d0, d1, dx.reshape(-1), jnp.full((npad,), DUMMY, jnp.int32)]
    )
    val = jnp.concatenate(
        [v0, v1, vx.reshape(-1), jnp.zeros((npad,), jnp.float32)]
    )

    rows, vbuf = _sc_dispatch(xf, src, dst, val)

    w1b = W1.astype(jnp.bfloat16)
    w2b = W2.astype(jnp.bfloat16)
    raw = pl.pallas_call(
        _ffn_kernel,
        grid_spec=pltpu.PrefetchScalarGridSpec(
            num_scalar_prefetch=1,
            grid=(NBLK,),
            in_specs=[
                pl.BlockSpec((BT, D), lambda i, em: (i, 0)),
                pl.BlockSpec((BT, 1), lambda i, em: (i, 0)),
                pl.BlockSpec((1, FF, D), lambda i, em: (em[i], 0, 0)),
                pl.BlockSpec((1, 1, FF), lambda i, em: (em[i], 0, 0)),
                pl.BlockSpec((1, D, FF), lambda i, em: (em[i], 0, 0)),
                pl.BlockSpec((1, 1, D), lambda i, em: (em[i], 0, 0)),
            ],
            out_specs=pl.BlockSpec((BT, D), lambda i, em: (i, 0)),
        ),
        out_shape=jax.ShapeDtypeStruct((PAD, D), jnp.float32),
    )(
        blk_expert, rows, vbuf.reshape(PAD, 1), w1b, b1.reshape(E, 1, FF),
        w2b, b2.reshape(E, 1, D),
    )

    g01 = jnp.stack([d0, d1]).reshape(2, NW, TPT).transpose(1, 0, 2)
    gx = dx.T.astype(jnp.int32)

    g0rows, g1rows, exrows = _sc_combine(raw, g01, gx)
    FB = 512
    out = pl.pallas_call(
        _fin_kernel,
        grid=(BS // FB,),
        in_specs=[
            pl.BlockSpec((FB, D), lambda i: (i, 0)),
            pl.BlockSpec((FB, D), lambda i: (i, 0)),
            pl.BlockSpec((16, D), lambda i: (0, 0)),
        ],
        out_specs=pl.BlockSpec((FB, D), lambda i: (i, 0)),
        out_shape=jax.ShapeDtypeStruct((BS, D), jnp.float32),
    )(g0rows, g1rows, exrows)
    return out.reshape(b, s, d)

# --- scband reference (transcript-rebuilt; emitter-appended) ---
"""Pipeline reference for scband-mo-elayer-79706003079905 (READ-ONLY COPY).

The authoritative reference and input builder live on the scoring server;
editing this copy changes nothing except your own understanding.
"""

import jax, jax.numpy as jnp
import numpy as np

B, S, D = 2, 2048, 1024
E, FF, K = 8, 2048, 2
CAPACITY_FACTOR = 1.25
MIN_CAP = 4


def setup_inputs(seed: int = 0) -> dict:
    key = jax.random.key(seed)
    ks = jax.random.split(key, 8)
    inputs = jax.random.normal(ks[0], (B, S, D), dtype=jnp.float32)
    Wr = jax.random.normal(ks[1], (E, D), dtype=jnp.float32) * 0.02
    br = jnp.zeros((E,), dtype=jnp.float32)
    W1 = jax.random.normal(ks[2], (E, FF, D), dtype=jnp.float32) * 0.02
    b1 = jnp.zeros((E, FF), dtype=jnp.float32)
    W2 = jax.random.normal(ks[3], (E, D, FF), dtype=jnp.float32) * 0.02
    b2 = jnp.zeros((E, D), dtype=jnp.float32)
    return {"inputs": inputs, "Wr": Wr, "br": br, "W1": W1, "b1": b1, "W2": W2, "b2": b2}


def reference(inputs, Wr, br, W1, b1, W2, b2):
    b, s, d = inputs.shape
    BS = b * s
    # router
    router_logits = jnp.einsum('bsd,ed->bse', inputs, Wr) + br
    router_probs = jax.nn.softmax(router_logits, axis=-1)
    top_k_probs, top_k_indices = jax.lax.top_k(router_probs, K)
    top_k_probs = top_k_probs / jnp.sum(top_k_probs, axis=-1, keepdims=True)
    expert_capacity = max(int(BS * CAPACITY_FACTOR / E), MIN_CAP)
    topi = top_k_indices.reshape(BS, K)
    topp = top_k_probs.reshape(BS, K)
    rows = jnp.broadcast_to(jnp.arange(BS)[:, None], (BS, K))
    expert_mask = jnp.zeros((BS, E), dtype=inputs.dtype)
    # expert_mask[flat_indices, top_k_indices] = top_k_probs
    expert_mask = expert_mask.at[rows, topi].set(topp)
    # scatter_add_(0, top_k_indices, top_k_probs): rows indexed by expert ids, cols 0..K-1
    cols = jnp.broadcast_to(jnp.arange(K)[None, :], (BS, K))
    expert_mask = expert_mask.at[topi, cols].add(topp)
    expert_mask = jnp.minimum(expert_mask, expert_capacity)
    flat_inputs = inputs.reshape(BS, d)
    # dense dispatch: [BS, E, D]
    expert_inputs = jnp.einsum('be,bd->bed', expert_mask, flat_inputs)
    # all experts (batched): w2(gelu(w1(x)))
    h = jnp.einsum('bed,efd->bef', expert_inputs, W1) + b1[None, :, :]
    h = jax.nn.gelu(h, approximate=False)
    combined = jnp.einsum('bef,edf->bed', h, W2) + b2[None, :, :]
    # combine (original einsum 'be,bed->ed' is shape-inconsistent; intended 'be,bed->bd')
    final_output = jnp.einsum('be,bed->bd', expert_mask, combined)
    return final_output.reshape(b, s, d)

if __name__ == "__main__":
    import jax
    _d = setup_inputs()
    print(jax.jit(kernel)(*tuple(_d.values())))

</pallas_src>

<mosaic_0001>
#map = affine_map<(d0, d1) -> (0, 0)>
#map1 = affine_map<(d0, d1) -> (0)>
module attributes {stable_mosaic.version = 14 : i64} {
  func.func @k(%arg0: i32, %arg1: i32, %arg2: memref<4096x1024xf32, #tpu.memory_space<hbm>>, %arg3: memref<10240xi32, #tpu.memory_space<hbm>>, %arg4: memref<10240xi32, #tpu.memory_space<hbm>>, %arg5: memref<10240xf32, #tpu.memory_space<hbm>>, %arg6: memref<10496x1024xf32, #tpu.memory_space<hbm>>, %arg7: memref<10496xf32, #tpu.memory_space<hbm>>, %arg8: memref<10240xi32, #tpu.memory_space<vmem>>, %arg9: memref<10240xi32, #tpu.memory_space<vmem>>, %arg10: memref<10240xf32, #tpu.memory_space<vmem>>, %arg11: memref<10496xi32, #tpu.memory_space<vmem>>, %arg12: memref<10496xf32, #tpu.memory_space<vmem>>, %arg13: memref<32x1024xf32, #tpu.memory_space<vmem>>, %arg14: memref<32x1024xf32, #tpu.memory_space<vmem>>, %arg15: memref<!tpu.dma_semaphore, #tpu.memory_space<semaphore_mem>>, %arg16: memref<!tpu.dma_semaphore, #tpu.memory_space<semaphore_mem>>) attributes {dimension_semantics = [#tpu.dimension_semantics<core_parallel>, #tpu.dimension_semantics<subcore_parallel>], iteration_bounds = array<i64: 2, 16>, scalar_prefetch = 0 : i64, scratch_operands = 9 : i64, tpu.core_type = #tpu.core_type<sc_vector_subcore>, window_params = [{transform_indices = #map}, {transform_indices = #map1}, {transform_indices = #map1}, {transform_indices = #map1}, {transform_indices = #map}, {transform_indices = #map1}]} {
    %mul3A = arith.constant 2 : i32
    %mul3A_0 = arith.muli %arg1, %mul3A : i32
    %add3A = arith.addi %mul3A_0, %arg0 : i32
    "tpu.region"() ({
      %run_scoped3A = tpu.sem_alloc : memref<!tpu.dma_semaphore, #tpu.memory_space<semaphore_mem>>
      tpu.enqueue_dma source(%arg3 : memref<10240xi32, #tpu.memory_space<hbm>>) target(%arg8 : memref<10240xi32, #tpu.memory_space<vmem>>) target_semaphore(%run_scoped3A : memref<!tpu.dma_semaphore, #tpu.memory_space<semaphore_mem>>)
      tpu.wait_dma2 semaphore(%run_scoped3A : memref<!tpu.dma_semaphore, #tpu.memory_space<semaphore_mem>>) src(%arg3 : memref<10240xi32, #tpu.memory_space<hbm>>) dst(%arg8 : memref<10240xi32, #tpu.memory_space<vmem>>)
      tpu.yield
    }) : () -> ()
    "tpu.region"() ({
      %run_scoped3A = tpu.sem_alloc : memref<!tpu.dma_semaphore, #tpu.memory_space<semaphore_mem>>
      tpu.enqueue_dma source(%arg4 : memref<10240xi32, #tpu.memory_space<hbm>>) target(%arg9 : memref<10240xi32, #tpu.memory_space<vmem>>) target_semaphore(%run_scoped3A : memref<!tpu.dma_semaphore, #tpu.memory_space<semaphore_mem>>)
      tpu.wait_dma2 semaphore(%run_scoped3A : memref<!tpu.dma_semaphore, #tpu.memory_space<semaphore_mem>>) src(%arg4 : memref<10240xi32, #tpu.memory_space<hbm>>) dst(%arg9 : memref<10240xi32, #tpu.memory_space<vmem>>)
      tpu.yield
    }) : () -> ()
    "tpu.region"() ({
      %run_scoped3A = tpu.sem_alloc : memref<!tpu.dma_semaphore, #tpu.memory_space<semaphore_mem>>
      tpu.enqueue_dma source(%arg5 : memref<10240xf32, #tpu.memory_space<hbm>>) target(%arg10 : memref<10240xf32, #tpu.memory_space<vmem>>) target_semaphore(%run_scoped3A : memref<!tpu.dma_semaphore, #tpu.memory_space<semaphore_mem>>)
      tpu.wait_dma2 semaphore(%run_scoped3A : memref<!tpu.dma_semaphore, #tpu.memory_space<semaphore_mem>>) src(%arg5 : memref<10240xf32, #tpu.memory_space<hbm>>) dst(%arg10 : memref<10240xf32, #tpu.memory_space<vmem>>)
      tpu.yield
    }) : () -> ()
    %mul3A_1 = arith.constant 328 : i32
    %mul3A_2 = arith.muli %add3A, %mul3A_1 : i32
    %jit3A = arith.constant 16 : i32
    %div3A = arith.divsi %mul3A_2, %jit3A : i32
    %sign3A = arith.constant 0 : i32
    %sign3A_3 = arith.cmpi sgt, %mul3A_2, %sign3A : i32
    %sign3A_4 = arith.extui %sign3A_3 : i1 to i32
    %sign3A_5 = arith.constant 0 : i32
    %sign3A_6 = arith.cmpi slt, %mul3A_2, %sign3A_5 : i32
    %sign3A_7 = arith.extui %sign3A_6 : i1 to i32
    %sign3A_8 = arith.subi %sign3A_4, %sign3A_7 : i32
    %sign3A_9 = arith.constant 0 : i32
    %sign3A_10 = arith.cmpi sgt, %jit3A, %sign3A_9 : i32
    %sign3A_11 = arith.extui %sign3A_10 : i1 to i32
    %sign3A_12 = arith.constant 0 : i32
    %sign3A_13 = arith.cmpi slt, %jit3A, %sign3A_12 : i32
    %sign3A_14 = arith.extui %sign3A_13 : i1 to i32
    %sign3A_15 = arith.subi %sign3A_11, %sign3A_14 : i32
    %ne3A = arith.cmpi ne, %sign3A_8, %sign3A_15 : i32
    %rem3A = arith.remsi %mul3A_2, %jit3A : i32
    %ne3A_16 = arith.constant 0 : i32
    %ne3A_17 = arith.cmpi ne, %rem3A, %ne3A_16 : i32
    %and3A = arith.andi %ne3A, %ne3A_17 : i1
    %sub3A = arith.constant 1 : i32
    %sub3A_18 = arith.subi %div3A, %sub3A : i32
    %select_n3A = arith.select %and3A, %sub3A_18, %div3A : i32
    %mul3A_19 = arith.constant 16 : i32
    %mul3A_20 = arith.muli %select_n3A, %mul3A_19 : i32
    %min3A = arith.constant 10144 : i32
    %min3A_21 = arith.minsi %mul3A_20, %min3A : i32
    %scan3A = arith.constant 0 : i32
    %scan3A_22 = arith.constant 0 : i32
    %scan3A_23 = arith.constant 22 : i32
    %scan3A_24 = arith.addi %scan3A_22, %scan3A_23 : i32
    %scan3A_25 = arith.constant 1 : i32
    %scan3A_26 = scf.for %scan3A_231 = %scan3A_22 to %scan3A_24 step %scan3A_25 iter_args(%scan3A_232 = %scan3A) -> (i32)  : i32 {
      %mul3A_233 = arith.constant 16 : i32
      %mul3A_234 = arith.muli %scan3A_231, %mul3A_233 : i32
      %add3A_235 = arith.addi %min3A_21, %mul3A_234 : i32
      %iota3A = tpu.iota {dimensions = array<i32: 0>} : vector<16xi32>
      %add3A_236 = vector.broadcast %add3A_235 : i32 to vector<16xi32>
      %add3A_237 = arith.addi %iota3A, %add3A_236 : vector<16xi32>
      %and3A_238 = arith.constant 4095 : i32
      %and3A_239 = vector.broadcast %and3A_238 : i32 to vector<16xi32>
      %and3A_240 = arith.andi %add3A_237, %and3A_239 : vector<16xi32>
      %swap3A = arith.index_cast %add3A_235 : i32 to index
      %swap3A_241 = tpu.vector_load %arg11[%swap3A] {strides = array<i32>} : memref<10496xi32, #tpu.memory_space<vmem>>, vector<16xi32>,
      tpu.vector_store %arg11[%swap3A], %and3A_240 {strides = array<i32>} : memref<10496xi32, #tpu.memory_space<vmem>>, vector<16xi32>,
      %broadcast_in_dim3A = arith.constant 0.000000e+00 : f32
      %broadcast_in_dim3A_242 = vector.broadcast %broadcast_in_dim3A : f32 to vector<16xf32>
      %swap3A_243 = arith.index_cast %add3A_235 : i32 to index
      %swap3A_244 = tpu.vector_load %arg12[%swap3A_243] {strides = array<i32>} : memref<10496xf32, #tpu.memory_space<vmem>>, vector<16xf32>,
      tpu.vector_store %arg12[%swap3A_243], %broadcast_in_dim3A_242 {strides = array<i32>} : memref<10496xf32, #tpu.memory_space<vmem>>, vector<16xf32>,
      %scan3A_245 = arith.constant 0 : i32
      scf.yield %scan3A_245 : i32
    }
    %scan3A_27 = arith.constant 22 : i32
    %scan3A_28 = arith.constant 0 : i32
    %scan3A_29 = arith.constant 0 : i32
    %scan3A_30 = arith.constant 160 : i32
    %scan3A_31 = arith.addi %scan3A_29, %scan3A_30 : i32
    %scan3A_32 = arith.constant 1 : i32
    %scan3A_33 = scf.for %scan3A_231 = %scan3A_29 to %scan3A_31 step %scan3A_32 iter_args(%scan3A_232 = %scan3A_28) -> (i32)  : i32 {
      %mul3A_233 = arith.constant 4 : i32
      %mul3A_234 = arith.muli %scan3A_231, %mul3A_233 : i32
      %add3A_235 = arith.constant 0 : i32
      %add3A_236 = arith.addi %mul3A_234, %add3A_235 : i32
      %mul3A_237 = arith.constant 16 : i32
      %mul3A_238 = arith.muli %add3A_236, %mul3A_237 : i32
      %get3A = arith.index_cast %mul3A_238 : i32 to index
      %get3A_239 = tpu.vector_load %arg9[%get3A] {strides = array<i32>} : memref<10240xi32, #tpu.memory_space<vmem>>, vector<16xi32>,
      %get3A_240 = arith.index_cast %mul3A_238 : i32 to index
      %get3A_241 = tpu.vector_load %arg8[%get3A_240] {strides = array<i32>} : memref<10240xi32, #tpu.memory_space<vmem>>, vector<16xi32>,
      tpu.vector_store_idx %arg11[%get3A_239], %get3A_241 : memref<10496xi32, #tpu.memory_space<vmem>>[vector<16xi32>], vector<16xi32>,
      %get3A_242 = arith.index_cast %mul3A_238 : i32 to index
      %get3A_243 = tpu.vector_load %arg10[%get3A_242] {strides = array<i32>} : memref<10240xf32, #tpu.memory_space<vmem>>, vector<16xf32>,
      tpu.vector_store_idx %arg12[%get3A_239], %get3A_243 : memref<10496xf32, #tpu.memory_space<vmem>>[vector<16xi32>], vector<16xf32>,
      %mul3A_244 = arith.constant 4 : i32
      %mul3A_245 = arith.muli %scan3A_231, %mul3A_244 : i32
      %add3A_246 = arith.constant 1 : i32
      %add3A_247 = arith.addi %mul3A_245, %add3A_246 : i32
      %mul3A_248 = arith.constant 16 : i32
      %mul3A_249 = arith.muli %add3A_247, %mul3A_248 : i32
      %get3A_250 = arith.index_cast %mul3A_249 : i32 to index
      %get3A_251 = tpu.vector_load %arg9[%get3A_250] {strides = array<i32>} : memref<10240xi32, #tpu.memory_space<vmem>>, vector<16xi32>,
      %get3A_252 = arith.index_cast %mul3A_249 : i32 to index
      %get3A_253 = tpu.vector_load %arg8[%get3A_252] {strides = array<i32>} : memref<10240xi32, #tpu.memory_space<vmem>>, vector<16xi32>,
      tpu.vector_store_idx %arg11[%get3A_251], %get3A_253 : memref<10496xi32, #tpu.memory_space<vmem>>[vector<16xi32>], vector<16xi32>,
      %get3A_254 = arith.index_cast %mul3A_249 : i32 to index
      %get3A_255 = tpu.vector_load %arg10[%get3A_254] {strides = array<i32>} : memref<10240xf32, #tpu.memory_space<vmem>>, vector<16xf32>,
      tpu.vector_store_idx %arg12[%get3A_251], %get3A_255 : memref<10496xf32, #tpu.memory_space<vmem>>[vector<16xi32>], vector<16xf32>,
      %mul3A_256 = arith.constant 4 : i32
      %mul3A_257 = arith.muli %scan3A_231, %mul3A_256 : i32
      %add3A_258 = arith.constant 2 : i32
      %add3A_259 = arith.addi %mul3A_257, %add3A_258 : i32
      %mul3A_260 = arith.constant 16 : i32
      %mul3A_261 = arith.muli %add3A_259, %mul3A_260 : i32
      %get3A_262 = arith.index_cast %mul3A_261 : i32 to index
      %get3A_263 = tpu.vector_load %arg9[%get3A_262] {strides = array<i32>} : memref<10240xi32, #tpu.memory_space<vmem>>, vector<16xi32>,
      %get3A_264 = arith.index_cast %mul3A_261 : i32 to index
      %get3A_265 = tpu.vector_load %arg8[%get3A_264] {strides = array<i32>} : memref<10240xi32, #tpu.memory_space<vmem>>, vector<16xi32>,
      tpu.vector_store_idx %arg11[%get3A_263], %get3A_265 : memref<10496xi32, #tpu.memory_space<vmem>>[vector<16xi32>], vector<16xi32>,
      %get3A_266 = arith.index_cast %mul3A_261 : i32 to index
      %get3A_267 = tpu.vector_load %arg10[%get3A_266] {strides = array<i32>} : memref<10240xf32, #tpu.memory_space<vmem>>, vector<16xf32>,
      tpu.vector_store_idx %arg12[%get3A_263], %get3A_267 : memref<10496xf32, #tpu.memory_space<vmem>>[vector<16xi32>], vector<16xf32>,
      %mul3A_268 = arith.constant 4 : i32
      %mul3A_269 = arith.muli %scan3A_231, %mul3A_268 : i32
      %add3A_270 = arith.constant 3 : i32
      %add3A_271 = arith.addi %mul3A_269, %add3A_270 : i32
      %mul3A_272 = arith.constant 16 : i32
      %mul3A_273 = arith.muli %add3A_271, %mul3A_272 : i32
      %get3A_274 = arith.index_cast %mul3A_273 : i32 to index
      %get3A_275 = tpu.vector_load %arg9[%get3A_274] {strides = array<i32>} : memref<10240xi32, #tpu.memory_space<vmem>>, vector<16xi32>,
      %get3A_276 = arith.index_cast %mul3A_273 : i32 to index
      %get3A_277 = tpu.vector_load %arg8[%get3A_276] {strides = array<i32>} : memref<10240xi32, #tpu.memory_space<vmem>>, vector<16xi32>,
      tpu.vector_store_idx %arg11[%get3A_275], %get3A_277 : memref<10496xi32, #tpu.memory_space<vmem>>[vector<16xi32>], vector<16xi32>,
      %get3A_278 = arith.index_cast %mul3A_273 : i32 to index
      %get3A_279 = tpu.vector_load %arg10[%get3A_278] {strides = array<i32>} : memref<10240xf32, #tpu.memory_space<vmem>>, vector<16xf32>,
      tpu.vector_store_idx %arg12[%get3A_275], %get3A_279 : memref<10496xf32, #tpu.memory_space<vmem>>[vector<16xi32>], vector<16xf32>,
      %scan3A_280 = arith.constant 0 : i32
      scf.yield %scan3A_280 : i32
    }
    %scan3A_34 = arith.constant 160 : i32
    "tpu.region"() ({
      %run_scoped3A = tpu.sem_alloc : memref<!tpu.dma_semaphore, #tpu.memory_space<semaphore_mem>>
      %dma_start3A_231 = tpu.memref_slice %arg12[%mul3A_2] : memref<10496xf32, #tpu.memory_space<vmem>> -> memref<328xf32, #tpu.memory_space<vmem>>
      %dma_start3A_232 = tpu.memref_slice %arg7[%mul3A_2] : memref<10496xf32, #tpu.memory_space<hbm>> -> memref<328xf32, #tpu.memory_space<hbm>>
      %dma_start3A_233 = tpu.memref_slice %arg7[%mul3A_2] : memref<10496xf32, #tpu.memory_space<hbm>> -> memref<328xf32, #tpu.memory_space<hbm>>
      %dma_start3A_234 = tpu.memref_slice %arg12[%mul3A_2] : memref<10496xf32, #tpu.memory_space<vmem>> -> memref<328xf32, #tpu.memory_space<vmem>>
      tpu.enqueue_dma source(%dma_start3A_234 : memref<328xf32, #tpu.memory_space<vmem>>) target(%dma_start3A_233 : memref<328xf32, #tpu.memory_space<hbm>>) target_semaphore(%run_scoped3A : memref<!tpu.dma_semaphore, #tpu.memory_space<semaphore_mem>>)
      %dma_wait3A_235 = tpu.memref_slice %arg12[%mul3A_2] : memref<10496xf32, #tpu.memory_space<vmem>> -> memref<328xf32, #tpu.memory_space<vmem>>
      %dma_wait3A_236 = tpu.memref_slice %arg7[%mul3A_2] : memref<10496xf32, #tpu.memory_space<hbm>> -> memref<328xf32, #tpu.memory_space<hbm>>
      %dma_wait3A_237 = tpu.memref_slice %arg7[%mul3A_2] : memref<10496xf32, #tpu.memory_space<hbm>> -> memref<328xf32, #tpu.memory_space<hbm>>
      %dma_wait3A_238 = tpu.memref_slice %arg12[%mul3A_2] : memref<10496xf32, #tpu.memory_space<vmem>> -> memref<328xf32, #tpu.memory_space<vmem>>
      tpu.wait_dma2 semaphore(%run_scoped3A : memref<!tpu.dma_semaphore, #tpu.memory_space<semaphore_mem>>) src(%dma_wait3A_238 : memref<328xf32, #tpu.memory_space<vmem>>) dst(%dma_wait3A_237 : memref<328xf32, #tpu.memory_space<hbm>>)
      tpu.yield
    }) : () -> ()
    %add3A_35 = arith.constant 0 : i32
    %add3A_36 = arith.addi %mul3A_2, %add3A_35 : i32
    %dma_start3A = arith.constant 0 : i32
    %dma_start3A_37 = arith.constant 0 : i32
    %dma_start3A_38 = tpu.memref_slice %arg13[%dma_start3A, %dma_start3A_37] : memref<32x1024xf32, #tpu.memory_space<vmem>> -> memref<32x1024xf32, #tpu.memory_space<vmem>>
    %dma_start3A_39 = tpu.memref_slice %arg11[%add3A_36] : memref<10496xi32, #tpu.memory_space<vmem>> -> memref<32xi32, #tpu.memory_space<vmem>>
    %dma_start3A_40 = arith.constant 0 : i32
    %dma_start3A_41 = arith.constant 0 : i32
    %dma_start3A_42 = tpu.memref_slice %arg2[%dma_start3A_40, %dma_start3A_41] : memref<4096x1024xf32, #tpu.memory_space<hbm>> -> memref<4096x1024xf32, #tpu.memory_space<hbm>>
    tpu.enqueue_indirect_dma source(%dma_start3A_42 : memref<4096x1024xf32, #tpu.memory_space<hbm>>) target(%dma_start3A_38 : memref<32x1024xf32, #tpu.memory_space<vmem>>) offsets(%dma_start3A_39 : memref<32xi32, #tpu.memory_space<vmem>>) semaphore(%arg15 : memref<!tpu.dma_semaphore, #tpu.memory_space<semaphore_mem>>)
    %dma_wait3A = arith.constant 0 : i32
    %dma_wait3A_43 = arith.constant 0 : i32
    %dma_wait3A_44 = tpu.memref_slice %arg13[%dma_wait3A, %dma_wait3A_43] : memref<32x1024xf32, #tpu.memory_space<vmem>> -> memref<32x1024xf32, #tpu.memory_space<vmem>>
    %dma_wait3A_45 = tpu.memref_slice %arg11[%add3A_36] : memref<10496xi32, #tpu.memory_space<vmem>> -> memref<32xi32, #tpu.memory_space<vmem>>
    %dma_wait3A_46 = arith.constant 0 : i32
    %dma_wait3A_47 = arith.constant 0 : i32
    %dma_wait3A_48 = tpu.memref_slice %arg2[%dma_wait3A_46, %dma_wait3A_47] : memref<4096x1024xf32, #tpu.memory_space<hbm>> -> memref<4096x1024xf32, #tpu.memory_space<hbm>>
    tpu.wait_indirect_dma semaphore(%arg15 : memref<!tpu.dma_semaphore, #tpu.memory_space<semaphore_mem>>) src(%dma_wait3A_48 : memref<4096x1024xf32, #tpu.memory_space<hbm>>) dst(%dma_wait3A_44 : memref<32x1024xf32, #tpu.memory_space<vmem>>)
    %add3A_49 = arith.constant 32 : i32
    %add3A_50 = arith.addi %mul3A_2, %add3A_49 : i32
    %dma_start3A_51 = arith.constant 0 : i32
    %dma_start3A_52 = arith.constant 0 : i32
    %dma_start3A_53 = tpu.memref_slice %arg14[%dma_start3A_51, %dma_start3A_52] : memref<32x1024xf32, #tpu.memory_space<vmem>> -> memref<32x1024xf32, #tpu.memory_space<vmem>>
    %dma_start3A_54 = tpu.memref_slice %arg11[%add3A_50] : memref<10496xi32, #tpu.memory_space<vmem>> -> memref<32xi32, #tpu.memory_space<vmem>>
    %dma_start3A_55 = arith.constant 0 : i32
    %dma_start3A_56 = arith.constant 0 : i32
    %dma_start3A_57 = tpu.memref_slice %arg2[%dma_start3A_55, %dma_start3A_56] : memref<4096x1024xf32, #tpu.memory_space<hbm>> -> memref<4096x1024xf32, #tpu.memory_space<hbm>>
    tpu.enqueue_indirect_dma source(%dma_start3A_57 : memref<4096x1024xf32, #tpu.memory_space<hbm>>) target(%dma_start3A_53 : memref<32x1024xf32, #tpu.memory_space<vmem>>) offsets(%dma_start3A_54 : memref<32xi32, #tpu.memory_space<vmem>>) semaphore(%arg16 : memref<!tpu.dma_semaphore, #tpu.memory_space<semaphore_mem>>)
    %add3A_58 = arith.constant 0 : i32
    %add3A_59 = arith.addi %mul3A_2, %add3A_58 : i32
    "tpu.region"() ({
      %run_scoped3A = tpu.sem_alloc : memref<!tpu.dma_semaphore, #tpu.memory_space<semaphore_mem>>
      %dma_start3A_231 = arith.constant 0 : i32
      %dma_start3A_232 = arith.constant 0 : i32
      %dma_start3A_233 = tpu.memref_slice %arg13[%dma_start3A_231, %dma_start3A_232] : memref<32x1024xf32, #tpu.memory_space<vmem>> -> memref<32x1024xf32, #tpu.memory_space<vmem>>
      %dma_start3A_234 = arith.constant 0 : i32
      %dma_start3A_235 = tpu.memref_slice %arg6[%add3A_59, %dma_start3A_234] : memref<10496x1024xf32, #tpu.memory_space<hbm>> -> memref<32x1024xf32, #tpu.memory_space<hbm>>
      %dma_start3A_236 = arith.constant 0 : i32
      %dma_start3A_237 = tpu.memref_slice %arg6[%add3A_59, %dma_start3A_236] : memref<10496x1024xf32, #tpu.memory_space<hbm>> -> memref<32x1024xf32, #tpu.memory_space<hbm>>
      %dma_start3A_238 = arith.constant 0 : i32
      %dma_start3A_239 = arith.constant 0 : i32
      %dma_start3A_240 = tpu.memref_slice %arg13[%dma_start3A_238, %dma_start3A_239] : memref<32x1024xf32, #tpu.memory_space<vmem>> -> memref<32x1024xf32, #tpu.memory_space<vmem>>
      tpu.enqueue_dma source(%dma_start3A_240 : memref<32x1024xf32, #tpu.memory_space<vmem>>) target(%dma_start3A_237 : memref<32x1024xf32, #tpu.memory_space<hbm>>) target_semaphore(%run_scoped3A : memref<!tpu.dma_semaphore, #tpu.memory_space<semaphore_mem>>)
      %dma_wait3A_241 = arith.constant 0 : i32
      %dma_wait3A_242 = arith.constant 0 : i32
      %dma_wait3A_243 = tpu.memref_slice %arg13[%dma_wait3A_241, %dma_wait3A_242] : memref<32x1024xf32, #tpu.memory_space<vmem>> -> memref<32x1024xf32, #tpu.memory_space<vmem>>
      %dma_wait3A_244 = arith.constant 0 : i32
      %dma_wait3A_245 = tpu.memref_slice %arg6[%add3A_59, %dma_wait3A_244] : memref<10496x1024xf32, #tpu.memory_space<hbm>> -> memref<32x1024xf32, #tpu.memory_space<hbm>>
      %dma_wait3A_246 = arith.constant 0 : i32
      %dma_wait3A_247 = tpu.memref_slice %arg6[%add3A_59, %dma_wait3A_246] : memref<10496x1024xf32, #tpu.memory_space<hbm>> -> memref<32x1024xf32, #tpu.memory_space<hbm>>
      %dma_wait3A_248 = arith.constant 0 : i32
      %dma_wait3A_249 = arith.constant 0 : i32
      %dma_wait3A_250 = tpu.memref_slice %arg13[%dma_wait3A_248, %dma_wait3A_249] : memref<32x1024xf32, #tpu.memory_space<vmem>> -> memref<32x1024xf32, #tpu.memory_space<vmem>>
      tpu.wait_dma2 semaphore(%run_scoped3A : memref<!tpu.dma_semaphore, #tpu.memory_space<semaphore_mem>>) src(%dma_wait3A_250 : memref<32x1024xf32, #tpu.memory_space<vmem>>) dst(%dma_wait3A_247 : memref<32x1024xf32, #tpu.memory_space<hbm>>)
      tpu.yield
    }) : () -> ()
    %dma_wait3A_60 = arith.constant 0 : i32
    %dma_wait3A_61 = arith.constant 0 : i32
    %dma_wait3A_62 = tpu.memref_slice %arg14[%dma_wait3A_60, %dma_wait3A_61] : memref<32x1024xf32, #tpu.memory_space<vmem>> -> memref<32x1024xf32, #tpu.memory_space<vmem>>
    %dma_wait3A_63 = tpu.memref_slice %arg11[%add3A_50] : memref<10496xi32, #tpu.memory_space<vmem>> -> memref<32xi32, #tpu.memory_space<vmem>>
    %dma_wait3A_64 = arith.constant 0 : i32
    %dma_wait3A_65 = arith.constant 0 : i32
    %dma_wait3A_66 = tpu.memref_slice %arg2[%dma_wait3A_64, %dma_wait3A_65] : memref<4096x1024xf32, #tpu.memory_space<hbm>> -> memref<4096x1024xf32, #tpu.memory_space<hbm>>
    tpu.wait_indirect_dma semaphore(%arg16 : memref<!tpu.dma_semaphore, #tpu.memory_space<semaphore_mem>>) src(%dma_wait3A_66 : memref<4096x1024xf32, #tpu.memory_space<hbm>>) dst(%dma_wait3A_62 : memref<32x1024xf32, #tpu.memory_space<vmem>>)
    %add3A_67 = arith.constant 64 : i32
    %add3A_68 = arith.addi %mul3A_2, %add3A_67 : i32
    %dma_start3A_69 = arith.constant 0 : i32
    %dma_start3A_70 = arith.constant 0 : i32
    %dma_start3A_71 = tpu.memref_slice %arg13[%dma_start3A_69, %dma_start3A_70] : memref<32x1024xf32, #tpu.memory_space<vmem>> -> memref<32x1024xf32, #tpu.memory_space<vmem>>
    %dma_start3A_72 = tpu.memref_slice %arg11[%add3A_68] : memref<10496xi32, #tpu.memory_space<vmem>> -> memref<32xi32, #tpu.memory_space<vmem>>
    %dma_start3A_73 = arith.constant 0 : i32
    %dma_start3A_74 = arith.constant 0 : i32
    %dma_start3A_75 = tpu.memref_slice %arg2[%dma_start3A_73, %dma_start3A_74] : memref<4096x1024xf32, #tpu.memory_space<hbm>> -> memref<4096x1024xf32, #tpu.memory_space<hbm>>
    tpu.enqueue_indirect_dma source(%dma_start3A_75 : memref<4096x1024xf32, #tpu.memory_space<hbm>>) target(%dma_start3A_71 : memref<32x1024xf32, #tpu.memory_space<vmem>>) offsets(%dma_start3A_72 : memref<32xi32, #tpu.memory_space<vmem>>) semaphore(%arg15 : memref<!tpu.dma_semaphore, #tpu.memory_space<semaphore_mem>>)
    %add3A_76 = arith.constant 32 : i32
    %add3A_77 = arith.addi %mul3A_2, %add3A_76 : i32
    "tpu.region"() ({
      %run_scoped3A = tpu.sem_alloc : memref<!tpu.dma_semaphore, #tpu.memory_space<semaphore_mem>>
      %dma_start3A_231 = arith.constant 0 : i32
      %dma_start3A_232 = arith.constant 0 : i32
      %dma_start3A_233 = tpu.memref_slice %arg14[%dma_start3A_231, %dma_start3A_232] : memref<32x1024xf32, #tpu.memory_space<vmem>> -> memref<32x1024xf32, #tpu.memory_space<vmem>>
      %dma_start3A_234 = arith.constant 0 : i32
      %dma_start3A_235 = tpu.memref_slice %arg6[%add3A_77, %dma_start3A_234] : memref<10496x1024xf32, #tpu.memory_space<hbm>> -> memref<32x1024xf32, #tpu.memory_space<hbm>>
      %dma_start3A_236 = arith.constant 0 : i32
      %dma_start3A_237 = tpu.memref_slice %arg6[%add3A_77, %dma_start3A_236] : memref<10496x1024xf32, #tpu.memory_space<hbm>> -> memref<32x1024xf32, #tpu.memory_space<hbm>>
      %dma_start3A_238 = arith.constant 0 : i32
      %dma_start3A_239 = arith.constant 0 : i32
      %dma_start3A_240 = tpu.memref_slice %arg14[%dma_start3A_238, %dma_start3A_239] : memref<32x1024xf32, #tpu.memory_space<vmem>> -> memref<32x1024xf32, #tpu.memory_space<vmem>>
      tpu.enqueue_dma source(%dma_start3A_240 : memref<32x1024xf32, #tpu.memory_space<vmem>>) target(%dma_start3A_237 : memref<32x1024xf32, #tpu.memory_space<hbm>>) target_semaphore(%run_scoped3A : memref<!tpu.dma_semaphore, #tpu.memory_space<semaphore_mem>>)
      %dma_wait3A_241 = arith.constant 0 : i32
      %dma_wait3A_242 = arith.constant 0 : i32
      %dma_wait3A_243 = tpu.memref_slice %arg14[%dma_wait3A_241, %dma_wait3A_242] : memref<32x1024xf32, #tpu.memory_space<vmem>> -> memref<32x1024xf32, #tpu.memory_space<vmem>>
      %dma_wait3A_244 = arith.constant 0 : i32
      %dma_wait3A_245 = tpu.memref_slice %arg6[%add3A_77, %dma_wait3A_244] : memref<10496x1024xf32, #tpu.memory_space<hbm>> -> memref<32x1024xf32, #tpu.memory_space<hbm>>
      %dma_wait3A_246 = arith.constant 0 : i32
      %dma_wait3A_247 = tpu.memref_slice %arg6[%add3A_77, %dma_wait3A_246] : memref<10496x1024xf32, #tpu.memory_space<hbm>> -> memref<32x1024xf32, #tpu.memory_space<hbm>>
      %dma_wait3A_248 = arith.constant 0 : i32
      %dma_wait3A_249 = arith.constant 0 : i32
      %dma_wait3A_250 = tpu.memref_slice %arg14[%dma_wait3A_248, %dma_wait3A_249] : memref<32x1024xf32, #tpu.memory_space<vmem>> -> memref<32x1024xf32, #tpu.memory_space<vmem>>
      tpu.wait_dma2 semaphore(%run_scoped3A : memref<!tpu.dma_semaphore, #tpu.memory_space<semaphore_mem>>) src(%dma_wait3A_250 : memref<32x1024xf32, #tpu.memory_space<vmem>>) dst(%dma_wait3A_247 : memref<32x1024xf32, #tpu.memory_space<hbm>>)
      tpu.yield
    }) : () -> ()
    %dma_wait3A_78 = arith.constant 0 : i32
    %dma_wait3A_79 = arith.constant 0 : i32
    %dma_wait3A_80 = tpu.memref_slice %arg13[%dma_wait3A_78, %dma_wait3A_79] : memref<32x1024xf32, #tpu.memory_space<vmem>> -> memref<32x1024xf32, #tpu.memory_space<vmem>>
    %dma_wait3A_81 = tpu.memref_slice %arg11[%add3A_68] : memref<10496xi32, #tpu.memory_space<vmem>> -> memref<32xi32, #tpu.memory_space<vmem>>
    %dma_wait3A_82 = arith.constant 0 : i32
    %dma_wait3A_83 = arith.constant 0 : i32
    %dma_wait3A_84 = tpu.memref_slice %arg2[%dma_wait3A_82, %dma_wait3A_83] : memref<4096x1024xf32, #tpu.memory_space<hbm>> -> memref<4096x1024xf32, #tpu.memory_space<hbm>>
    tpu.wait_indirect_dma semaphore(%arg15 : memref<!tpu.dma_semaphore, #tpu.memory_space<semaphore_mem>>) src(%dma_wait3A_84 : memref<4096x1024xf32, #tpu.memory_space<hbm>>) dst(%dma_wait3A_80 : memref<32x1024xf32, #tpu.memory_space<vmem>>)
    %add3A_85 = arith.constant 96 : i32
    %add3A_86 = arith.addi %mul3A_2, %add3A_85 : i32
    %dma_start3A_87 = arith.constant 0 : i32
    %dma_start3A_88 = arith.constant 0 : i32
    %dma_start3A_89 = tpu.memref_slice %arg14[%dma_start3A_87, %dma_start3A_88] : memref<32x1024xf32, #tpu.memory_space<vmem>> -> memref<32x1024xf32, #tpu.memory_space<vmem>>
    %dma_start3A_90 = tpu.memref_slice %arg11[%add3A_86] : memref<10496xi32, #tpu.memory_space<vmem>> -> memref<32xi32, #tpu.memory_space<vmem>>
    %dma_start3A_91 = arith.constant 0 : i32
    %dma_start3A_92 = arith.constant 0 : i32
    %dma_start3A_93 = tpu.memref_slice %arg2[%dma_start3A_91, %dma_start3A_92] : memref<4096x1024xf32, #tpu.memory_space<hbm>> -> memref<4096x1024xf32, #tpu.memory_space<hbm>>
    tpu.enqueue_indirect_dma source(%dma_start3A_93 : memref<4096x1024xf32, #tpu.memory_space<hbm>>) target(%dma_start3A_89 : memref<32x1024xf32, #tpu.memory_space<vmem>>) offsets(%dma_start3A_90 : memref<32xi32, #tpu.memory_space<vmem>>) semaphore(%arg16 : memref<!tpu.dma_semaphore, #tpu.memory_space<semaphore_mem>>)
    %add3A_94 = arith.constant 64 : i32
    %add3A_95 = arith.addi %mul3A_2, %add3A_94 : i32
    "tpu.region"() ({
      %run_scoped3A = tpu.sem_alloc : memref<!tpu.dma_semaphore, #tpu.memory_space<semaphore_mem>>
      %dma_start3A_231 = arith.constant 0 : i32
      %dma_start3A_232 = arith.constant 0 : i32
      %dma_start3A_233 = tpu.memref_slice %arg13[%dma_start3A_231, %dma_start3A_232] : memref<32x1024xf32, #tpu.memory_space<vmem>> -> memref<32x1024xf32, #tpu.memory_space<vmem>>
      %dma_start3A_234 = arith.constant 0 : i32
      %dma_start3A_235 = tpu.memref_slice %arg6[%add3A_95, %dma_start3A_234] : memref<10496x1024xf32, #tpu.memory_space<hbm>> -> memref<32x1024xf32, #tpu.memory_space<hbm>>
      %dma_start3A_236 = arith.constant 0 : i32
      %dma_start3A_237 = tpu.memref_slice %arg6[%add3A_95, %dma_start3A_236] : memref<10496x1024xf32, #tpu.memory_space<hbm>> -> memref<32x1024xf32, #tpu.memory_space<hbm>>
      %dma_start3A_238 = arith.constant 0 : i32
      %dma_start3A_239 = arith.constant 0 : i32
      %dma_start3A_240 = tpu.memref_slice %arg13[%dma_start3A_238, %dma_start3A_239] : memref<32x1024xf32, #tpu.memory_space<vmem>> -> memref<32x1024xf32, #tpu.memory_space<vmem>>
      tpu.enqueue_dma source(%dma_start3A_240 : memref<32x1024xf32, #tpu.memory_space<vmem>>) target(%dma_start3A_237 : memref<32x1024xf32, #tpu.memory_space<hbm>>) target_semaphore(%run_scoped3A : memref<!tpu.dma_semaphore, #tpu.memory_space<semaphore_mem>>)
      %dma_wait3A_241 = arith.constant 0 : i32
      %dma_wait3A_242 = arith.constant 0 : i32
      %dma_wait3A_243 = tpu.memref_slice %arg13[%dma_wait3A_241, %dma_wait3A_242] : memref<32x1024xf32, #tpu.memory_space<vmem>> -> memref<32x1024xf32, #tpu.memory_space<vmem>>
      %dma_wait3A_244 = arith.constant 0 : i32
      %dma_wait3A_245 = tpu.memref_slice %arg6[%add3A_95, %dma_wait3A_244] : memref<10496x1024xf32, #tpu.memory_space<hbm>> -> memref<32x1024xf32, #tpu.memory_space<hbm>>
      %dma_wait3A_246 = arith.constant 0 : i32
      %dma_wait3A_247 = tpu.memref_slice %arg6[%add3A_95, %dma_wait3A_246] : memref<10496x1024xf32, #tpu.memory_space<hbm>> -> memref<32x1024xf32, #tpu.memory_space<hbm>>
      %dma_wait3A_248 = arith.constant 0 : i32
      %dma_wait3A_249 = arith.constant 0 : i32
      %dma_wait3A_250 = tpu.memref_slice %arg13[%dma_wait3A_248, %dma_wait3A_249] : memref<32x1024xf32, #tpu.memory_space<vmem>> -> memref<32x1024xf32, #tpu.memory_space<vmem>>
      tpu.wait_dma2 semaphore(%run_scoped3A : memref<!tpu.dma_semaphore, #tpu.memory_space<semaphore_mem>>) src(%dma_wait3A_250 : memref<32x1024xf32, #tpu.memory_space<vmem>>) dst(%dma_wait3A_247 : memref<32x1024xf32, #tpu.memory_space<hbm>>)
      tpu.yield
    }) : () -> ()
    %dma_wait3A_96 = arith.constant 0 : i32
    %dma_wait3A_97 = arith.constant 0 : i32
    %dma_wait3A_98 = tpu.memref_slice %arg14[%dma_wait3A_96, %dma_wait3A_97] : memref<32x1024xf32, #tpu.memory_space<vmem>> -> memref<32x1024xf32, #tpu.memory_space<vmem>>
    %dma_wait3A_99 = tpu.memref_slice %arg11[%add3A_86] : memref<10496xi32, #tpu.memory_space<vmem>> -> memref<32xi32, #tpu.memory_space<vmem>>
    %dma_wait3A_100 = arith.constant 0 : i32
    %dma_wait3A_101 = arith.constant 0 : i32
    %dma_wait3A_102 = tpu.memref_slice %arg2[%dma_wait3A_100, %dma_wait3A_101] : memref<4096x1024xf32, #tpu.memory_space<hbm>> -> memref<4096x1024xf32, #tpu.memory_space<hbm>>
    tpu.wait_indirect_dma semaphore(%arg16 : memref<!tpu.dma_semaphore, #tpu.memory_space<semaphore_mem>>) src(%dma_wait3A_102 : memref<4096x1024xf32, #tpu.memory_space<hbm>>) dst(%dma_wait3A_98 : memref<32x1024xf32, #tpu.memory_space<vmem>>)
    %add3A_103 = arith.constant 128 : i32
    %add3A_104 = arith.addi %mul3A_2, %add3A_103 : i32
    %dma_start3A_105 = arith.constant 0 : i32
    %dma_start3A_106 = arith.constant 0 : i32
    %dma_start3A_107 = tpu.memref_slice %arg13[%dma_start3A_105, %dma_start3A_106] : memref<32x1024xf32, #tpu.memory_space<vmem>> -> memref<32x1024xf32, #tpu.memory_space<vmem>>
    %dma_start3A_108 = tpu.memref_slice %arg11[%add3A_104] : memref<10496xi32, #tpu.memory_space<vmem>> -> memref<32xi32, #tpu.memory_space<vmem>>
    %dma_start3A_109 = arith.constant 0 : i32
    %dma_start3A_110 = arith.constant 0 : i32
    %dma_start3A_111 = tpu.memref_slice %arg2[%dma_start3A_109, %dma_start3A_110] : memref<4096x1024xf32, #tpu.memory_space<hbm>> -> memref<4096x1024xf32, #tpu.memory_space<hbm>>
    tpu.enqueue_indirect_dma source(%dma_start3A_111 : memref<4096x1024xf32, #tpu.memory_space<hbm>>) target(%dma_start3A_107 : memref<32x1024xf32, #tpu.memory_space<vmem>>) offsets(%dma_start3A_108 : memref<32xi32, #tpu.memory_space<vmem>>) semaphore(%arg15 : memref<!tpu.dma_semaphore, #tpu.memory_space<semaphore_mem>>)
    %add3A_112 = arith.constant 96 : i32
    %add3A_113 = arith.addi %mul3A_2, %add3A_112 : i32
    "tpu.region"() ({
      %run_scoped3A = tpu.sem_alloc : memref<!tpu.dma_semaphore, #tpu.memory_space<semaphore_mem>>
      %dma_start3A_231 = arith.constant 0 : i32
      %dma_start3A_232 = arith.constant 0 : i32
      %dma_start3A_233 = tpu.memref_slice %arg14[%dma_start3A_231, %dma_start3A_232] : memref<32x1024xf32, #tpu.memory_space<vmem>> -> memref<32x1024xf32, #tpu.memory_space<vmem>>
      %dma_start3A_234 = arith.constant 0 : i32
      %dma_start3A_235 = tpu.memref_slice %arg6[%add3A_113, %dma_start3A_234] : memref<10496x1024xf32, #tpu.memory_space<hbm>> -> memref<32x1024xf32, #tpu.memory_space<hbm>>
      %dma_start3A_236 = arith.constant 0 : i32
      %dma_start3A_237 = tpu.memref_slice %arg6[%add3A_113, %dma_start3A_236] : memref<10496x1024xf32, #tpu.memory_space<hbm>> -> memref<32x1024xf32, #tpu.memory_space<hbm>>
      %dma_start3A_238 = arith.constant 0 : i32
      %dma_start3A_239 = arith.constant 0 : i32
      %dma_start3A_240 = tpu.memref_slice %arg14[%dma_start3A_238, %dma_start3A_239] : memref<32x1024xf32, #tpu.memory_space<vmem>> -> memref<32x1024xf32, #tpu.memory_space<vmem>>
      tpu.enqueue_dma source(%dma_start3A_240 : memref<32x1024xf32, #tpu.memory_space<vmem>>) target(%dma_start3A_237 : memref<32x1024xf32, #tpu.memory_space<hbm>>) target_semaphore(%run_scoped3A : memref<!tpu.dma_semaphore, #tpu.memory_space<semaphore_mem>>)
      %dma_wait3A_241 = arith.constant 0 : i32
      %dma_wait3A_242 = arith.constant 0 : i32
      %dma_wait3A_243 = tpu.memref_slice %arg14[%dma_wait3A_241, %dma_wait3A_242] : memref<32x1024xf32, #tpu.memory_space<vmem>> -> memref<32x1024xf32, #tpu.memory_space<vmem>>
      %dma_wait3A_244 = arith.constant 0 : i32
      %dma_wait3A_245 = tpu.memref_slice %arg6[%add3A_113, %dma_wait3A_244] : memref<10496x1024xf32, #tpu.memory_space<hbm>> -> memref<32x1024xf32, #tpu.memory_space<hbm>>
      %dma_wait3A_246 = arith.constant 0 : i32
      %dma_wait3A_247 = tpu.memref_slice %arg6[%add3A_113, %dma_wait3A_246] : memref<10496x1024xf32, #tpu.memory_space<hbm>> -> memref<32x1024xf32, #tpu.memory_space<hbm>>
      %dma_wait3A_248 = arith.constant 0 : i32
      %dma_wait3A_249 = arith.constant 0 : i32
      %dma_wait3A_250 = tpu.memref_slice %arg14[%dma_wait3A_248, %dma_wait3A_249] : memref<32x1024xf32, #tpu.memory_space<vmem>> -> memref<32x1024xf32, #tpu.memory_space<vmem>>
      tpu.wait_dma2 semaphore(%run_scoped3A : memref<!tpu.dma_semaphore, #tpu.memory_space<semaphore_mem>>) src(%dma_wait3A_250 : memref<32x1024xf32, #tpu.memory_space<vmem>>) dst(%dma_wait3A_247 : memref<32x1024xf32, #tpu.memory_space<hbm>>)
      tpu.yield
    }) : () -> ()
    %dma_wait3A_114 = arith.constant 0 : i32
    %dma_wait3A_115 = arith.constant 0 : i32
    %dma_wait3A_116 = tpu.memref_slice %arg13[%dma_wait3A_114, %dma_wait3A_115] : memref<32x1024xf32, #tpu.memory_space<vmem>> -> memref<32x1024xf32, #tpu.memory_space<vmem>>
    %dma_wait3A_117 = tpu.memref_slice %arg11[%add3A_104] : memref<10496xi32, #tpu.memory_space<vmem>> -> memref<32xi32, #tpu.memory_space<vmem>>
    %dma_wait3A_118 = arith.constant 0 : i32
    %dma_wait3A_119 = arith.constant 0 : i32
    %dma_wait3A_120 = tpu.memref_slice %arg2[%dma_wait3A_118, %dma_wait3A_119] : memref<4096x1024xf32, #tpu.memory_space<hbm>> -> memref<4096x1024xf32, #tpu.memory_space<hbm>>
    tpu.wait_indirect_dma semaphore(%arg15 : memref<!tpu.dma_semaphore, #tpu.memory_space<semaphore_mem>>) src(%dma_wait3A_120 : memref<4096x1024xf32, #tpu.memory_space<hbm>>) dst(%dma_wait3A_116 : memref<32x1024xf32, #tpu.memory_space<vmem>>)
    %add3A_121 = arith.constant 160 : i32
    %add3A_122 = arith.addi %mul3A_2, %add3A_121 : i32
    %dma_start3A_123 = arith.constant 0 : i32
    %dma_start3A_124 = arith.constant 0 : i32
    %dma_start3A_125 = tpu.memref_slice %arg14[%dma_start3A_123, %dma_start3A_124] : memref<32x1024xf32, #tpu.memory_space<vmem>> -> memref<32x1024xf32, #tpu.memory_space<vmem>>
    %dma_start3A_126 = tpu.memref_slice %arg11[%add3A_122] : memref<10496xi32, #tpu.memory_space<vmem>> -> memref<32xi32, #tpu.memory_space<vmem>>
    %dma_start3A_127 = arith.constant 0 : i32
    %dma_start3A_128 = arith.constant 0 : i32
    %dma_start3A_129 = tpu.memref_slice %arg2[%dma_start3A_127, %dma_start3A_128] : memref<4096x1024xf32, #tpu.memory_space<hbm>> -> memref<4096x1024xf32, #tpu.memory_space<hbm>>
    tpu.enqueue_indirect_dma source(%dma_start3A_129 : memref<4096x1024xf32, #tpu.memory_space<hbm>>) target(%dma_start3A_125 : memref<32x1024xf32, #tpu.memory_space<vmem>>) offsets(%dma_start3A_126 : memref<32xi32, #tpu.memory_space<vmem>>) semaphore(%arg16 : memref<!tpu.dma_semaphore, #tpu.memory_space<semaphore_mem>>)
    %add3A_130 = arith.constant 128 : i32
    %add3A_131 = arith.addi %mul3A_2, %add3A_130 : i32
    "tpu.region"() ({
      %run_scoped3A = tpu.sem_alloc : memref<!tpu.dma_semaphore, #tpu.memory_space<semaphore_mem>>
      %dma_start3A_231 = arith.constant 0 : i32
      %dma_start3A_232 = arith.constant 0 : i32
      %dma_start3A_233 = tpu.memref_slice %arg13[%dma_start3A_231, %dma_start3A_232] : memref<32x1024xf32, #tpu.memory_space<vmem>> -> memref<32x1024xf32, #tpu.memory_space<vmem>>
      %dma_start3A_234 = arith.constant 0 : i32
      %dma_start3A_235 = tpu.memref_slice %arg6[%add3A_131, %dma_start3A_234] : memref<10496x1024xf32, #tpu.memory_space<hbm>> -> memref<32x1024xf32, #tpu.memory_space<hbm>>
      %dma_start3A_236 = arith.constant 0 : i32
      %dma_start3A_237 = tpu.memref_slice %arg6[%add3A_131, %dma_start3A_236] : memref<10496x1024xf32, #tpu.memory_space<hbm>> -> memref<32x1024xf32, #tpu.memory_space<hbm>>
      %dma_start3A_238 = arith.constant 0 : i32
      %dma_start3A_239 = arith.constant 0 : i32
      %dma_start3A_240 = tpu.memref_slice %arg13[%dma_start3A_238, %dma_start3A_239] : memref<32x1024xf32, #tpu.memory_space<vmem>> -> memref<32x1024xf32, #tpu.memory_space<vmem>>
      tpu.enqueue_dma source(%dma_start3A_240 : memref<32x1024xf32, #tpu.memory_space<vmem>>) target(%dma_start3A_237 : memref<32x1024xf32, #tpu.memory_space<hbm>>) target_semaphore(%run_scoped3A : memref<!tpu.dma_semaphore, #tpu.memory_space<semaphore_mem>>)
      %dma_wait3A_241 = arith.constant 0 : i32
      %dma_wait3A_242 = arith.constant 0 : i32
      %dma_wait3A_243 = tpu.memref_slice %arg13[%dma_wait3A_241, %dma_wait3A_242] : memref<32x1024xf32, #tpu.memory_space<vmem>> -> memref<32x1024xf32, #tpu.memory_space<vmem>>
      %dma_wait3A_244 = arith.constant 0 : i32
      %dma_wait3A_245 = tpu.memref_slice %arg6[%add3A_131, %dma_wait3A_244] : memref<10496x1024xf32, #tpu.memory_space<hbm>> -> memref<32x1024xf32, #tpu.memory_space<hbm>>
      %dma_wait3A_246 = arith.constant 0 : i32
      %dma_wait3A_247 = tpu.memref_slice %arg6[%add3A_131, %dma_wait3A_246] : memref<10496x1024xf32, #tpu.memory_space<hbm>> -> memref<32x1024xf32, #tpu.memory_space<hbm>>
      %dma_wait3A_248 = arith.constant 0 : i32
      %dma_wait3A_249 = arith.constant 0 : i32
      %dma_wait3A_250 = tpu.memref_slice %arg13[%dma_wait3A_248, %dma_wait3A_249] : memref<32x1024xf32, #tpu.memory_space<vmem>> -> memref<32x1024xf32, #tpu.memory_space<vmem>>
      tpu.wait_dma2 semaphore(%run_scoped3A : memref<!tpu.dma_semaphore, #tpu.memory_space<semaphore_mem>>) src(%dma_wait3A_250 : memref<32x1024xf32, #tpu.memory_space<vmem>>) dst(%dma_wait3A_247 : memref<32x1024xf32, #tpu.memory_space<hbm>>)
      tpu.yield
    }) : () -> ()
    %dma_wait3A_132 = arith.constant 0 : i32
    %dma_wait3A_133 = arith.constant 0 : i32
    %dma_wait3A_134 = tpu.memref_slice %arg14[%dma_wait3A_132, %dma_wait3A_133] : memref<32x1024xf32, #tpu.memory_space<vmem>> -> memref<32x1024xf32, #tpu.memory_space<vmem>>
    %dma_wait3A_135 = tpu.memref_slice %arg11[%add3A_122] : memref<10496xi32, #tpu.memory_space<vmem>> -> memref<32xi32, #tpu.memory_space<vmem>>
    %dma_wait3A_136 = arith.constant 0 : i32
    %dma_wait3A_137 = arith.constant 0 : i32
    %dma_wait3A_138 = tpu.memref_slice %arg2[%dma_wait3A_136, %dma_wait3A_137] : memref<4096x1024xf32, #tpu.memory_space<hbm>> -> memref<4096x1024xf32, #tpu.memory_space<hbm>>
    tpu.wait_indirect_dma semaphore(%arg16 : memref<!tpu.dma_semaphore, #tpu.memory_space<semaphore_mem>>) src(%dma_wait3A_138 : memref<4096x1024xf32, #tpu.memory_space<hbm>>) dst(%dma_wait3A_134 : memref<32x1024xf32, #tpu.memory_space<vmem>>)
    %add3A_139 = arith.constant 192 : i32
    %add3A_140 = arith.addi %mul3A_2, %add3A_139 : i32
    %dma_start3A_141 = arith.constant 0 : i32
    %dma_start3A_142 = arith.constant 0 : i32
    %dma_start3A_143 = tpu.memref_slice %arg13[%dma_start3A_141, %dma_start3A_142] : memref<32x1024xf32, #tpu.memory_space<vmem>> -> memref<32x1024xf32, #tpu.memory_space<vmem>>
    %dma_start3A_144 = tpu.memref_slice %arg11[%add3A_140] : memref<10496xi32, #tpu.memory_space<vmem>> -> memref<32xi32, #tpu.memory_space<vmem>>
    %dma_start3A_145 = arith.constant 0 : i32
    %dma_start3A_146 = arith.constant 0 : i32
    %dma_start3A_147 = tpu.memref_slice %arg2[%dma_start3A_145, %dma_start3A_146] : memref<4096x1024xf32, #tpu.memory_space<hbm>> -> memref<4096x1024xf32, #tpu.memory_space<hbm>>
    tpu.enqueue_indirect_dma source(%dma_start3A_147 : memref<4096x1024xf32, #tpu.memory_space<hbm>>) target(%dma_start3A_143 : memref<32x1024xf32, #tpu.memory_space<vmem>>) offsets(%dma_start3A_144 : memref<32xi32, #tpu.memory_space<vmem>>) semaphore(%arg15 : memref<!tpu.dma_semaphore, #tpu.memory_space<semaphore_mem>>)
    %add3A_148 = arith.constant 160 : i32
    %add3A_149 = arith.addi %mul3A_2, %add3A_148 : i32
    "tpu.region"() ({
      %run_scoped3A = tpu.sem_alloc : memref<!tpu.dma_semaphore, #tpu.memory_space<semaphore_mem>>
      %dma_start3A_231 = arith.constant 0 : i32
      %dma_start3A_232 = arith.constant 0 : i32
      %dma_start3A_233 = tpu.memref_slice %arg14[%dma_start3A_231, %dma_start3A_232] : memref<32x1024xf32, #tpu.memory_space<vmem>> -> memref<32x1024xf32, #tpu.memory_space<vmem>>
      %dma_start3A_234 = arith.constant 0 : i32
      %dma_start3A_235 = tpu.memref_slice %arg6[%add3A_149, %dma_start3A_234] : memref<10496x1024xf32, #tpu.memory_space<hbm>> -> memref<32x1024xf32, #tpu.memory_space<hbm>>
      %dma_start3A_236 = arith.constant 0 : i32
      %dma_start3A_237 = tpu.memref_slice %arg6[%add3A_149, %dma_start3A_236] : memref<10496x1024xf32, #tpu.memory_space<hbm>> -> memref<32x1024xf32, #tpu.memory_space<hbm>>
      %dma_start3A_238 = arith.constant 0 : i32
      %dma_start3A_239 = arith.constant 0 : i32
      %dma_start3A_240 = tpu.memref_slice %arg14[%dma_start3A_238, %dma_start3A_239] : memref<32x1024xf32, #tpu.memory_space<vmem>> -> memref<32x1024xf32, #tpu.memory_space<vmem>>
      tpu.enqueue_dma source(%dma_start3A_240 : memref<32x1024xf32, #tpu.memory_space<vmem>>) target(%dma_start3A_237 : memref<32x1024xf32, #tpu.memory_space<hbm>>) target_semaphore(%run_scoped3A : memref<!tpu.dma_semaphore, #tpu.memory_space<semaphore_mem>>)
      %dma_wait3A_241 = arith.constant 0 : i32
      %dma_wait3A_242 = arith.constant 0 : i32
      %dma_wait3A_243 = tpu.memref_slice %arg14[%dma_wait3A_241, %dma_wait3A_242] : memref<32x1024xf32, #tpu.memory_space<vmem>> -> memref<32x1024xf32, #tpu.memory_space<vmem>>
      %dma_wait3A_244 = arith.constant 0 : i32
      %dma_wait3A_245 = tpu.memref_slice %arg6[%add3A_149, %dma_wait3A_244] : memref<10496x1024xf32, #tpu.memory_space<hbm>> -> memref<32x1024xf32, #tpu.memory_space<hbm>>
      %dma_wait3A_246 = arith.constant 0 : i32
      %dma_wait3A_247 = tpu.memref_slice %arg6[%add3A_149, %dma_wait3A_246] : memref<10496x1024xf32, #tpu.memory_space<hbm>> -> memref<32x1024xf32, #tpu.memory_space<hbm>>
      %dma_wait3A_248 = arith.constant 0 : i32
      %dma_wait3A_249 = arith.constant 0 : i32
      %dma_wait3A_250 = tpu.memref_slice %arg14[%dma_wait3A_248, %dma_wait3A_249] : memref<32x1024xf32, #tpu.memory_space<vmem>> -> memref<32x1024xf32, #tpu.memory_space<vmem>>
      tpu.wait_dma2 semaphore(%run_scoped3A : memref<!tpu.dma_semaphore, #tpu.memory_space<semaphore_mem>>) src(%dma_wait3A_250 : memref<32x1024xf32, #tpu.memory_space<vmem>>) dst(%dma_wait3A_247 : memref<32x1024xf32, #tpu.memory_space<hbm>>)
      tpu.yield
    }) : () -> ()
    %dma_wait3A_150 = arith.constant 0 : i32
    %dma_wait3A_151 = arith.constant 0 : i32
    %dma_wait3A_152 = tpu.memref_slice %arg13[%dma_wait3A_150, %dma_wait3A_151] : memref<32x1024xf32, #tpu.memory_space<vmem>> -> memref<32x1024xf32, #tpu.memory_space<vmem>>
    %dma_wait3A_153 = tpu.memref_slice %arg11[%add3A_140] : memref<10496xi32, #tpu.memory_space<vmem>> -> memref<32xi32, #tpu.memory_space<vmem>>
    %dma_wait3A_154 = arith.constant 0 : i32
    %dma_wait3A_155 = arith.constant 0 : i32
    %dma_wait3A_156 = tpu.memref_slice %arg2[%dma_wait3A_154, %dma_wait3A_155] : memref<4096x1024xf32, #tpu.memory_space<hbm>> -> memref<4096x1024xf32, #tpu.memory_space<hbm>>
    tpu.wait_indirect_dma semaphore(%arg15 : memref<!tpu.dma_semaphore, #tpu.memory_space<semaphore_mem>>) src(%dma_wait3A_156 : memref<4096x1024xf32, #tpu.memory_space<hbm>>) dst(%dma_wait3A_152 : memref<32x1024xf32, #tpu.memory_space<vmem>>)
    %add3A_157 = arith.constant 224 : i32
    %add3A_158 = arith.addi %mul3A_2, %add3A_157 : i32
    %dma_start3A_159 = arith.constant 0 : i32
    %dma_start3A_160 = arith.constant 0 : i32
    %dma_start3A_161 = tpu.memref_slice %arg14[%dma_start3A_159, %dma_start3A_160] : memref<32x1024xf32, #tpu.memory_space<vmem>> -> memref<32x1024xf32, #tpu.memory_space<vmem>>
    %dma_start3A_162 = tpu.memref_slice %arg11[%add3A_158] : memref<10496xi32, #tpu.memory_space<vmem>> -> memref<32xi32, #tpu.memory_space<vmem>>
    %dma_start3A_163 = arith.constant 0 : i32
    %dma_start3A_164 = arith.constant 0 : i32
    %dma_start3A_165 = tpu.memref_slice %arg2[%dma_start3A_163, %dma_start3A_164] : memref<4096x1024xf32, #tpu.memory_space<hbm>> -> memref<4096x1024xf32, #tpu.memory_space<hbm>>
    tpu.enqueue_indirect_dma source(%dma_start3A_165 : memref<4096x1024xf32, #tpu.memory_space<hbm>>) target(%dma_start3A_161 : memref<32x1024xf32, #tpu.memory_space<vmem>>) offsets(%dma_start3A_162 : memref<32xi32, #tpu.memory_space<vmem>>) semaphore(%arg16 : memref<!tpu.dma_semaphore, #tpu.memory_space<semaphore_mem>>)
    %add3A_166 = arith.constant 192 : i32
    %add3A_167 = arith.addi %mul3A_2, %add3A_166 : i32
    "tpu.region"() ({
      %run_scoped3A = tpu.sem_alloc : memref<!tpu.dma_semaphore, #tpu.memory_space<semaphore_mem>>
      %dma_start3A_231 = arith.constant 0 : i32
      %dma_start3A_232 = arith.constant 0 : i32
      %dma_start3A_233 = tpu.memref_slice %arg13[%dma_start3A_231, %dma_start3A_232] : memref<32x1024xf32, #tpu.memory_space<vmem>> -> memref<32x1024xf32, #tpu.memory_space<vmem>>
      %dma_start3A_234 = arith.constant 0 : i32
      %dma_start3A_235 = tpu.memref_slice %arg6[%add3A_167, %dma_start3A_234] : memref<10496x1024xf32, #tpu.memory_space<hbm>> -> memref<32x1024xf32, #tpu.memory_space<hbm>>
      %dma_start3A_236 = arith.constant 0 : i32
      %dma_start3A_237 = tpu.memref_slice %arg6[%add3A_167, %dma_start3A_236] : memref<10496x1024xf32, #tpu.memory_space<hbm>> -> memref<32x1024xf32, #tpu.memory_space<hbm>>
      %dma_start3A_238 = arith.constant 0 : i32
      %dma_start3A_239 = arith.constant 0 : i32
      %dma_start3A_240 = tpu.memref_slice %arg13[%dma_start3A_238, %dma_start3A_239] : memref<32x1024xf32, #tpu.memory_space<vmem>> -> memref<32x1024xf32, #tpu.memory_space<vmem>>
      tpu.enqueue_dma source(%dma_start3A_240 : memref<32x1024xf32, #tpu.memory_space<vmem>>) target(%dma_start3A_237 : memref<32x1024xf32, #tpu.memory_space<hbm>>) target_semaphore(%run_scoped3A : memref<!tpu.dma_semaphore, #tpu.memory_space<semaphore_mem>>)
      %dma_wait3A_241 = arith.constant 0 : i32
      %dma_wait3A_242 = arith.constant 0 : i32
      %dma_wait3A_243 = tpu.memref_slice %arg13[%dma_wait3A_241, %dma_wait3A_242] : memref<32x1024xf32, #tpu.memory_space<vmem>> -> memref<32x1024xf32, #tpu.memory_space<vmem>>
      %dma_wait3A_244 = arith.constant 0 : i32
      %dma_wait3A_245 = tpu.memref_slice %arg6[%add3A_167, %dma_wait3A_244] : memref<10496x1024xf32, #tpu.memory_space<hbm>> -> memref<32x1024xf32, #tpu.memory_space<hbm>>
      %dma_wait3A_246 = arith.constant 0 : i32
      %dma_wait3A_247 = tpu.memref_slice %arg6[%add3A_167, %dma_wait3A_246] : memref<10496x1024xf32, #tpu.memory_space<hbm>> -> memref<32x1024xf32, #tpu.memory_space<hbm>>
      %dma_wait3A_248 = arith.constant 0 : i32
      %dma_wait3A_249 = arith.constant 0 : i32
      %dma_wait3A_250 = tpu.memref_slice %arg13[%dma_wait3A_248, %dma_wait3A_249] : memref<32x1024xf32, #tpu.memory_space<vmem>> -> memref<32x1024xf32, #tpu.memory_space<vmem>>
      tpu.wait_dma2 semaphore(%run_scoped3A : memref<!tpu.dma_semaphore, #tpu.memory_space<semaphore_mem>>) src(%dma_wait3A_250 : memref<32x1024xf32, #tpu.memory_space<vmem>>) dst(%dma_wait3A_247 : memref<32x1024xf32, #tpu.memory_space<hbm>>)
      tpu.yield
    }) : () -> ()
    %dma_wait3A_168 = arith.constant 0 : i32
    %dma_wait3A_169 = arith.constant 0 : i32
    %dma_wait3A_170 = tpu.memref_slice %arg14[%dma_wait3A_168, %dma_wait3A_169] : memref<32x1024xf32, #tpu.memory_space<vmem>> -> memref<32x1024xf32, #tpu.memory_space<vmem>>
    %dma_wait3A_171 = tpu.memref_slice %arg11[%add3A_158] : memref<10496xi32, #tpu.memory_space<vmem>> -> memref<32xi32, #tpu.memory_space<vmem>>
    %dma_wait3A_172 = arith.constant 0 : i32
    %dma_wait3A_173 = arith.constant 0 : i32
    %dma_wait3A_174 = tpu.memref_slice %arg2[%dma_wait3A_172, %dma_wait3A_173] : memref<4096x1024xf32, #tpu.memory_space<hbm>> -> memref<4096x1024xf32, #tpu.memory_space<hbm>>
    tpu.wait_indirect_dma semaphore(%arg16 : memref<!tpu.dma_semaphore, #tpu.memory_space<semaphore_mem>>) src(%dma_wait3A_174 : memref<4096x1024xf32, #tpu.memory_space<hbm>>) dst(%dma_wait3A_170 : memref<32x1024xf32, #tpu.memory_space<vmem>>)
    %add3A_175 = arith.constant 256 : i32
    %add3A_176 = arith.addi %mul3A_2, %add3A_175 : i32
    %dma_start3A_177 = arith.constant 0 : i32
    %dma_start3A_178 = arith.constant 0 : i32
    %dma_start3A_179 = tpu.memref_slice %arg13[%dma_start3A_177, %dma_start3A_178] : memref<32x1024xf32, #tpu.memory_space<vmem>> -> memref<32x1024xf32, #tpu.memory_space<vmem>>
    %dma_start3A_180 = tpu.memref_slice %arg11[%add3A_176] : memref<10496xi32, #tpu.memory_space<vmem>> -> memref<32xi32, #tpu.memory_space<vmem>>
    %dma_start3A_181 = arith.constant 0 : i32
    %dma_start3A_182 = arith.constant 0 : i32
    %dma_start3A_183 = tpu.memref_slice %arg2[%dma_start3A_181, %dma_start3A_182] : memref<4096x1024xf32, #tpu.memory_space<hbm>> -> memref<4096x1024xf32, #tpu.memory_space<hbm>>
    tpu.enqueue_indirect_dma source(%dma_start3A_183 : memref<4096x1024xf32, #tpu.memory_space<hbm>>) target(%dma_start3A_179 : memref<32x1024xf32, #tpu.memory_space<vmem>>) offsets(%dma_start3A_180 : memref<32xi32, #tpu.memory_space<vmem>>) semaphore(%arg15 : memref<!tpu.dma_semaphore, #tpu.memory_space<semaphore_mem>>)
    %add3A_184 = arith.constant 224 : i32
    %add3A_185 = arith.addi %mul3A_2, %add3A_184 : i32
    "tpu.region"() ({
      %run_scoped3A = tpu.sem_alloc : memref<!tpu.dma_semaphore, #tpu.memory_space<semaphore_mem>>
      %dma_start3A_231 = arith.constant 0 : i32
      %dma_start3A_232 = arith.constant 0 : i32
      %dma_start3A_233 = tpu.memref_slice %arg14[%dma_start3A_231, %dma_start3A_232] : memref<32x1024xf32, #tpu.memory_space<vmem>> -> memref<32x1024xf32, #tpu.memory_space<vmem>>
      %dma_start3A_234 = arith.constant 0 : i32
      %dma_start3A_235 = tpu.memref_slice %arg6[%add3A_185, %dma_start3A_234] : memref<10496x1024xf32, #tpu.memory_space<hbm>> -> memref<32x1024xf32, #tpu.memory_space<hbm>>
      %dma_start3A_236 = arith.constant 0 : i32
      %dma_start3A_237 = tpu.memref_slice %arg6[%add3A_185, %dma_start3A_236] : memref<10496x1024xf32, #tpu.memory_space<hbm>> -> memref<32x1024xf32, #tpu.memory_space<hbm>>
      %dma_start3A_238 = arith.constant 0 : i32
      %dma_start3A_239 = arith.constant 0 : i32
      %dma_start3A_240 = tpu.memref_slice %arg14[%dma_start3A_238, %dma_start3A_239] : memref<32x1024xf32, #tpu.memory_space<vmem>> -> memref<32x1024xf32, #tpu.memory_space<vmem>>
      tpu.enqueue_dma source(%dma_start3A_240 : memref<32x1024xf32, #tpu.memory_space<vmem>>) target(%dma_start3A_237 : memref<32x1024xf32, #tpu.memory_space<hbm>>) target_semaphore(%run_scoped3A : memref<!tpu.dma_semaphore, #tpu.memory_space<semaphore_mem>>)
      %dma_wait3A_241 = arith.constant 0 : i32
      %dma_wait3A_242 = arith.constant 0 : i32
      %dma_wait3A_243 = tpu.memref_slice %arg14[%dma_wait3A_241, %dma_wait3A_242] : memref<32x1024xf32, #tpu.memory_space<vmem>> -> memref<32x1024xf32, #tpu.memory_space<vmem>>
      %dma_wait3A_244 = arith.constant 0 : i32
      %dma_wait3A_245 = tpu.memref_slice %arg6[%add3A_185, %dma_wait3A_244] : memref<10496x1024xf32, #tpu.memory_space<hbm>> -> memref<32x1024xf32, #tpu.memory_space<hbm>>
      %dma_wait3A_246 = arith.constant 0 : i32
      %dma_wait3A_247 = tpu.memref_slice %arg6[%add3A_185, %dma_wait3A_246] : memref<10496x1024xf32, #tpu.memory_space<hbm>> -> memref<32x1024xf32, #tpu.memory_space<hbm>>
      %dma_wait3A_248 = arith.constant 0 : i32
      %dma_wait3A_249 = arith.constant 0 : i32
      %dma_wait3A_250 = tpu.memref_slice %arg14[%dma_wait3A_248, %dma_wait3A_249] : memref<32x1024xf32, #tpu.memory_space<vmem>> -> memref<32x1024xf32, #tpu.memory_space<vmem>>
      tpu.wait_dma2 semaphore(%run_scoped3A : memref<!tpu.dma_semaphore, #tpu.memory_space<semaphore_mem>>) src(%dma_wait3A_250 : memref<32x1024xf32, #tpu.memory_space<vmem>>) dst(%dma_wait3A_247 : memref<32x1024xf32, #tpu.memory_space<hbm>>)
      tpu.yield
    }) : () -> ()
    %dma_wait3A_186 = arith.constant 0 : i32
    %dma_wait3A_187 = arith.constant 0 : i32
    %dma_wait3A_188 = tpu.memref_slice %arg13[%dma_wait3A_186, %dma_wait3A_187] : memref<32x1024xf32, #tpu.memory_space<vmem>> -> memref<32x1024xf32, #tpu.memory_space<vmem>>
    %dma_wait3A_189 = tpu.memref_slice %arg11[%add3A_176] : memref<10496xi32, #tpu.memory_space<vmem>> -> memref<32xi32, #tpu.memory_space<vmem>>
    %dma_wait3A_190 = arith.constant 0 : i32
    %dma_wait3A_191 = arith.constant 0 : i32
    %dma_wait3A_192 = tpu.memref_slice %arg2[%dma_wait3A_190, %dma_wait3A_191] : memref<4096x1024xf32, #tpu.memory_space<hbm>> -> memref<4096x1024xf32, #tpu.memory_space<hbm>>
    tpu.wait_indirect_dma semaphore(%arg15 : memref<!tpu.dma_semaphore, #tpu.memory_space<semaphore_mem>>) src(%dma_wait3A_192 : memref<4096x1024xf32, #tpu.memory_space<hbm>>) dst(%dma_wait3A_188 : memref<32x1024xf32, #tpu.memory_space<vmem>>)
    %add3A_193 = arith.constant 288 : i32
    %add3A_194 = arith.addi %mul3A_2, %add3A_193 : i32
    %dma_start3A_195 = arith.constant 0 : i32
    %dma_start3A_196 = arith.constant 0 : i32
    %dma_start3A_197 = tpu.memref_slice %arg14[%dma_start3A_195, %dma_start3A_196] : memref<32x1024xf32, #tpu.memory_space<vmem>> -> memref<32x1024xf32, #tpu.memory_space<vmem>>
    %dma_start3A_198 = tpu.memref_slice %arg11[%add3A_194] : memref<10496xi32, #tpu.memory_space<vmem>> -> memref<32xi32, #tpu.memory_space<vmem>>
    %dma_start3A_199 = arith.constant 0 : i32
    %dma_start3A_200 = arith.constant 0 : i32
    %dma_start3A_201 = tpu.memref_slice %arg2[%dma_start3A_199, %dma_start3A_200] : memref<4096x1024xf32, #tpu.memory_space<hbm>> -> memref<4096x1024xf32, #tpu.memory_space<hbm>>
    tpu.enqueue_indirect_dma source(%dma_start3A_201 : memref<4096x1024xf32, #tpu.memory_space<hbm>>) target(%dma_start3A_197 : memref<32x1024xf32, #tpu.memory_space<vmem>>) offsets(%dma_start3A_198 : memref<32xi32, #tpu.memory_space<vmem>>) semaphore(%arg16 : memref<!tpu.dma_semaphore, #tpu.memory_space<semaphore_mem>>)
    %add3A_202 = arith.constant 256 : i32
    %add3A_203 = arith.addi %mul3A_2, %add3A_202 : i32
    "tpu.region"() ({
      %run_scoped3A = tpu.sem_alloc : memref<!tpu.dma_semaphore, #tpu.memory_space<semaphore_mem>>
      %dma_start3A_231 = arith.constant 0 : i32
      %dma_start3A_232 = arith.constant 0 : i32
      %dma_start3A_233 = tpu.memref_slice %arg13[%dma_start3A_231, %dma_start3A_232] : memref<32x1024xf32, #tpu.memory_space<vmem>> -> memref<32x1024xf32, #tpu.memory_space<vmem>>
      %dma_start3A_234 = arith.constant 0 : i32
      %dma_start3A_235 = tpu.memref_slice %arg6[%add3A_203, %dma_start3A_234] : memref<10496x1024xf32, #tpu.memory_space<hbm>> -> memref<32x1024xf32, #tpu.memory_space<hbm>>
      %dma_start3A_236 = arith.constant 0 : i32
      %dma_start3A_237 = tpu.memref_slice %arg6[%add3A_203, %dma_start3A_236] : memref<10496x1024xf32, #tpu.memory_space<hbm>> -> memref<32x1024xf32, #tpu.memory_space<hbm>>
      %dma_start3A_238 = arith.constant 0 : i32
      %dma_start3A_239 = arith.constant 0 : i32
      %dma_start3A_240 = tpu.memref_slice %arg13[%dma_start3A_238, %dma_start3A_239] : memref<32x1024xf32, #tpu.memory_space<vmem>> -> memref<32x1024xf32, #tpu.memory_space<vmem>>
      tpu.enqueue_dma source(%dma_start3A_240 : memref<32x1024xf32, #tpu.memory_space<vmem>>) target(%dma_start3A_237 : memref<32x1024xf32, #tpu.memory_space<hbm>>) target_semaphore(%run_scoped3A : memref<!tpu.dma_semaphore, #tpu.memory_space<semaphore_mem>>)
      %dma_wait3A_241 = arith.constant 0 : i32
      %dma_wait3A_242 = arith.constant 0 : i32
      %dma_wait3A_243 = tpu.memref_slice %arg13[%dma_wait3A_241, %dma_wait3A_242] : memref<32x1024xf32, #tpu.memory_space<vmem>> -> memref<32x1024xf32, #tpu.memory_space<vmem>>
      %dma_wait3A_244 = arith.constant 0 : i32
      %dma_wait3A_245 = tpu.memref_slice %arg6[%add3A_203, %dma_wait3A_244] : memref<10496x1024xf32, #tpu.memory_space<hbm>> -> memref<32x1024xf32, #tpu.memory_space<hbm>>
      %dma_wait3A_246 = arith.constant 0 : i32
      %dma_wait3A_247 = tpu.memref_slice %arg6[%add3A_203, %dma_wait3A_246] : memref<10496x1024xf32, #tpu.memory_space<hbm>> -> memref<32x1024xf32, #tpu.memory_space<hbm>>
      %dma_wait3A_248 = arith.constant 0 : i32
      %dma_wait3A_249 = arith.constant 0 : i32
      %dma_wait3A_250 = tpu.memref_slice %arg13[%dma_wait3A_248, %dma_wait3A_249] : memref<32x1024xf32, #tpu.memory_space<vmem>> -> memref<32x1024xf32, #tpu.memory_space<vmem>>
      tpu.wait_dma2 semaphore(%run_scoped3A : memref<!tpu.dma_semaphore, #tpu.memory_space<semaphore_mem>>) src(%dma_wait3A_250 : memref<32x1024xf32, #tpu.memory_space<vmem>>) dst(%dma_wait3A_247 : memref<32x1024xf32, #tpu.memory_space<hbm>>)
      tpu.yield
    }) : () -> ()
    %dma_wait3A_204 = arith.constant 0 : i32
    %dma_wait3A_205 = arith.constant 0 : i32
    %dma_wait3A_206 = tpu.memref_slice %arg14[%dma_wait3A_204, %dma_wait3A_205] : memref<32x1024xf32, #tpu.memory_space<vmem>> -> memref<32x1024xf32, #tpu.memory_space<vmem>>
    %dma_wait3A_207 = tpu.memref_slice %arg11[%add3A_194] : memref<10496xi32, #tpu.memory_space<vmem>> -> memref<32xi32, #tpu.memory_space<vmem>>
    %dma_wait3A_208 = arith.constant 0 : i32
    %dma_wait3A_209 = arith.constant 0 : i32
    %dma_wait3A_210 = tpu.memref_slice %arg2[%dma_wait3A_208, %dma_wait3A_209] : memref<4096x1024xf32, #tpu.memory_space<hbm>> -> memref<4096x1024xf32, #tpu.memory_space<hbm>>
    tpu.wait_indirect_dma semaphore(%arg16 : memref<!tpu.dma_semaphore, #tpu.memory_space<semaphore_mem>>) src(%dma_wait3A_210 : memref<4096x1024xf32, #tpu.memory_space<hbm>>) dst(%dma_wait3A_206 : memref<32x1024xf32, #tpu.memory_space<vmem>>)
    %add3A_211 = arith.constant 320 : i32
    %add3A_212 = arith.addi %mul3A_2, %add3A_211 : i32
    %dma_start3A_213 = arith.constant 0 : i32
    %dma_start3A_214 = arith.constant 0 : i32
    %dma_start3A_215 = tpu.memref_slice %arg13[%dma_start3A_213, %dma_start3A_214] : memref<32x1024xf32, #tpu.memory_space<vmem>> -> memref<8x1024xf32, #tpu.memory_space<vmem>>
    %dma_start3A_216 = tpu.memref_slice %arg11[%add3A_212] : memref<10496xi32, #tpu.memory_space<vmem>> -> memref<8xi32, #tpu.memory_space<vmem>>
    %dma_start3A_217 = arith.constant 0 : i32
    %dma_start3A_218 = arith.constant 0 : i32
    %dma_start3A_219 = tpu.memref_slice %arg2[%dma_start3A_217, %dma_start3A_218] : memref<4096x1024xf32, #tpu.memory_space<hbm>> -> memref<4096x1024xf32, #tpu.memory_space<hbm>>
    tpu.enqueue_indirect_dma source(%dma_start3A_219 : memref<4096x1024xf32, #tpu.memory_space<hbm>>) target(%dma_start3A_215 : memref<8x1024xf32, #tpu.memory_space<vmem>>) offsets(%dma_start3A_216 : memref<8xi32, #tpu.memory_space<vmem>>) semaphore(%arg15 : memref<!tpu.dma_semaphore, #tpu.memory_space<semaphore_mem>>)
    %add3A_220 = arith.constant 288 : i32
    %add3A_221 = arith.addi %mul3A_2, %add3A_220 : i32
    "tpu.region"() ({
      %run_scoped3A = tpu.sem_alloc : memref<!tpu.dma_semaphore, #tpu.memory_space<semaphore_mem>>
      %dma_start3A_231 = arith.constant 0 : i32
      %dma_start3A_232 = arith.constant 0 : i32
      %dma_start3A_233 = tpu.memref_slice %arg14[%dma_start3A_231, %dma_start3A_232] : memref<32x1024xf32, #tpu.memory_space<vmem>> -> memref<32x1024xf32, #tpu.memory_space<vmem>>
      %dma_start3A_234 = arith.constant 0 : i32
      %dma_start3A_235 = tpu.memref_slice %arg6[%add3A_221, %dma_start3A_234] : memref<10496x1024xf32, #tpu.memory_space<hbm>> -> memref<32x1024xf32, #tpu.memory_space<hbm>>
      %dma_start3A_236 = arith.constant 0 : i32
      %dma_start3A_237 = tpu.memref_slice %arg6[%add3A_221, %dma_start3A_236] : memref<10496x1024xf32, #tpu.memory_space<hbm>> -> memref<32x1024xf32, #tpu.memory_space<hbm>>
      %dma_start3A_238 = arith.constant 0 : i32
      %dma_start3A_239 = arith.constant 0 : i32
      %dma_start3A_240 = tpu.memref_slice %arg14[%dma_start3A_238, %dma_start3A_239] : memref<32x1024xf32, #tpu.memory_space<vmem>> -> memref<32x1024xf32, #tpu.memory_space<vmem>>
      tpu.enqueue_dma source(%dma_start3A_240 : memref<32x1024xf32, #tpu.memory_space<vmem>>) target(%dma_start3A_237 : memref<32x1024xf32, #tpu.memory_space<hbm>>) target_semaphore(%run_scoped3A : memref<!tpu.dma_semaphore, #tpu.memory_space<semaphore_mem>>)
      %dma_wait3A_241 = arith.constant 0 : i32
      %dma_wait3A_242 = arith.constant 0 : i32
      %dma_wait3A_243 = tpu.memref_slice %arg14[%dma_wait3A_241, %dma_wait3A_242] : memref<32x1024xf32, #tpu.memory_space<vmem>> -> memref<32x1024xf32, #tpu.memory_space<vmem>>
      %dma_wait3A_244 = arith.constant 0 : i32
      %dma_wait3A_245 = tpu.memref_slice %arg6[%add3A_221, %dma_wait3A_244] : memref<10496x1024xf32, #tpu.memory_space<hbm>> -> memref<32x1024xf32, #tpu.memory_space<hbm>>
      %dma_wait3A_246 = arith.constant 0 : i32
      %dma_wait3A_247 = tpu.memref_slice %arg6[%add3A_221, %dma_wait3A_246] : memref<10496x1024xf32, #tpu.memory_space<hbm>> -> memref<32x1024xf32, #tpu.memory_space<hbm>>
      %dma_wait3A_248 = arith.constant 0 : i32
      %dma_wait3A_249 = arith.constant 0 : i32
      %dma_wait3A_250 = tpu.memref_slice %arg14[%dma_wait3A_248, %dma_wait3A_249] : memref<32x1024xf32, #tpu.memory_space<vmem>> -> memref<32x1024xf32, #tpu.memory_space<vmem>>
      tpu.wait_dma2 semaphore(%run_scoped3A : memref<!tpu.dma_semaphore, #tpu.memory_space<semaphore_mem>>) src(%dma_wait3A_250 : memref<32x1024xf32, #tpu.memory_space<vmem>>) dst(%dma_wait3A_247 : memref<32x1024xf32, #tpu.memory_space<hbm>>)
      tpu.yield
    }) : () -> ()
    %dma_wait3A_222 = arith.constant 0 : i32
    %dma_wait3A_223 = arith.constant 0 : i32
    %dma_wait3A_224 = tpu.memref_slice %arg13[%dma_wait3A_222, %dma_wait3A_223] : memref<32x1024xf32, #tpu.memory_space<vmem>> -> memref<8x1024xf32, #tpu.memory_space<vmem>>
    %dma_wait3A_225 = tpu.memref_slice %arg11[%add3A_212] : memref<10496xi32, #tpu.memory_space<vmem>> -> memref<8xi32, #tpu.memory_space<vmem>>
    %dma_wait3A_226 = arith.constant 0 : i32
    %dma_wait3A_227 = arith.constant 0 : i32
    %dma_wait3A_228 = tpu.memref_slice %arg2[%dma_wait3A_226, %dma_wait3A_227] : memref<4096x1024xf32, #tpu.memory_space<hbm>> -> memref<4096x1024xf32, #tpu.memory_space<hbm>>
    tpu.wait_indirect_dma semaphore(%arg15 : memref<!tpu.dma_semaphore, #tpu.memory_space<semaphore_mem>>) src(%dma_wait3A_228 : memref<4096x1024xf32, #tpu.memory_space<hbm>>) dst(%dma_wait3A_224 : memref<8x1024xf32, #tpu.memory_space<vmem>>)
    %add3A_229 = arith.constant 320 : i32
    %add3A_230 = arith.addi %mul3A_2, %add3A_229 : i32
    "tpu.region"() ({
      %run_scoped3A = tpu.sem_alloc : memref<!tpu.dma_semaphore, #tpu.memory_space<semaphore_mem>>
      %dma_start3A_231 = arith.constant 0 : i32
      %dma_start3A_232 = arith.constant 0 : i32
      %dma_start3A_233 = tpu.memref_slice %arg13[%dma_start3A_231, %dma_start3A_232] : memref<32x1024xf32, #tpu.memory_space<vmem>> -> memref<8x1024xf32, #tpu.memory_space<vmem>>
      %dma_start3A_234 = arith.constant 0 : i32
      %dma_start3A_235 = tpu.memref_slice %arg6[%add3A_230, %dma_start3A_234] : memref<10496x1024xf32, #tpu.memory_space<hbm>> -> memref<8x1024xf32, #tpu.memory_space<hbm>>
      %dma_start3A_236 = arith.constant 0 : i32
      %dma_start3A_237 = tpu.memref_slice %arg6[%add3A_230, %dma_start3A_236] : memref<10496x1024xf32, #tpu.memory_space<hbm>> -> memref<8x1024xf32, #tpu.memory_space<hbm>>
      %dma_start3A_238 = arith.constant 0 : i32
      %dma_start3A_239 = arith.constant 0 : i32
      %dma_start3A_240 = tpu.memref_slice %arg13[%dma_start3A_238, %dma_start3A_239] : memref<32x1024xf32, #tpu.memory_space<vmem>> -> memref<8x1024xf32, #tpu.memory_space<vmem>>
      tpu.enqueue_dma source(%dma_start3A_240 : memref<8x1024xf32, #tpu.memory_space<vmem>>) target(%dma_start3A_237 : memref<8x1024xf32, #tpu.memory_space<hbm>>) target_semaphore(%run_scoped3A : memref<!tpu.dma_semaphore, #tpu.memory_space<semaphore_mem>>)
      %dma_wait3A_241 = arith.constant 0 : i32
      %dma_wait3A_242 = arith.constant 0 : i32
      %dma_wait3A_243 = tpu.memref_slice %arg13[%dma_wait3A_241, %dma_wait3A_242] : memref<32x1024xf32, #tpu.memory_space<vmem>> -> memref<8x1024xf32, #tpu.memory_space<vmem>>
      %dma_wait3A_244 = arith.constant 0 : i32
      %dma_wait3A_245 = tpu.memref_slice %arg6[%add3A_230, %dma_wait3A_244] : memref<10496x1024xf32, #tpu.memory_space<hbm>> -> memref<8x1024xf32, #tpu.memory_space<hbm>>
      %dma_wait3A_246 = arith.constant 0 : i32
      %dma_wait3A_247 = tpu.memref_slice %arg6[%add3A_230, %dma_wait3A_246] : memref<10496x1024xf32, #tpu.memory_space<hbm>> -> memref<8x1024xf32, #tpu.memory_space<hbm>>
      %dma_wait3A_248 = arith.constant 0 : i32
      %dma_wait3A_249 = arith.constant 0 : i32
      %dma_wait3A_250 = tpu.memref_slice %arg13[%dma_wait3A_248, %dma_wait3A_249] : memref<32x1024xf32, #tpu.memory_space<vmem>> -> memref<8x1024xf32, #tpu.memory_space<vmem>>
      tpu.wait_dma2 semaphore(%run_scoped3A : memref<!tpu.dma_semaphore, #tpu.memory_space<semaphore_mem>>) src(%dma_wait3A_250 : memref<8x1024xf32, #tpu.memory_space<vmem>>) dst(%dma_wait3A_247 : memref<8x1024xf32, #tpu.memory_space<hbm>>)
      tpu.yield
    }) : () -> ()
    return
  }
}

#map = affine_map<(d0, d1) -> (0, 0)>
#map1 = affine_map<(d0, d1) -> (0, 0, 0)>
module attributes {stable_mosaic.version = 14 : i64} {
  func.func @k(%arg0: i32, %arg1: i32, %arg2: memref<10496x1024xf32, #tpu.memory_space<hbm>>, %arg3: memref<32x2x128xi32, #tpu.memory_space<hbm>>, %arg4: memref<2x8xi32, #tpu.memory_space<hbm>>, %arg5: memref<4096x1024xf32, #tpu.memory_space<hbm>>, %arg6: memref<4096x1024xf32, #tpu.memory_space<hbm>>, %arg7: memref<16x1024xf32, #tpu.memory_space<hbm>>, %arg8: memref<2x128xi32, #tpu.memory_space<vmem>>, %arg9: memref<2x8xi32, #tpu.memory_space<vmem>>, %arg10: memref<64x1024xf32, #tpu.memory_space<vmem>>, %arg11: memref<!tpu.dma_semaphore, #tpu.memory_space<semaphore_mem>>) attributes {dimension_semantics = [#tpu.dimension_semantics<core_parallel>, #tpu.dimension_semantics<subcore_parallel>], iteration_bounds = array<i64: 2, 16>, scalar_prefetch = 0 : i64, scratch_operands = 4 : i64, tpu.core_type = #tpu.core_type<sc_vector_subcore>, window_params = [{transform_indices = #map}, {transform_indices = #map1}, {transform_indices = #map}, {transform_indices = #map}, {transform_indices = #map}, {transform_indices = #map}]} {
    %mul3A = arith.constant 2 : i32
    %mul3A_0 = arith.muli %arg1, %mul3A : i32
    %add3A = arith.addi %mul3A_0, %arg0 : i32
    "tpu.region"() ({
      %run_scoped3A = tpu.sem_alloc : memref<!tpu.dma_semaphore, #tpu.memory_space<semaphore_mem>>
      %dma_start3A_65 = arith.constant 0 : i32
      %dma_start3A_66 = arith.constant 0 : i32
      %dma_start3A_67 = tpu.memref_slice %arg3[%add3A, %dma_start3A_65, %dma_start3A_66] : memref<32x2x128xi32, #tpu.memory_space<hbm>> -> memref<1x2x128xi32, #tpu.memory_space<hbm>>
      %dma_start3A_68 = tpu.memref_squeeze %dma_start3A_67 : memref<1x2x128xi32, #tpu.memory_space<hbm>> -> memref<2x128xi32, #tpu.memory_space<hbm>>
      %dma_start3A_69 = arith.constant 0 : i32
      %dma_start3A_70 = arith.constant 0 : i32
      %dma_start3A_71 = tpu.memref_slice %arg3[%add3A, %dma_start3A_69, %dma_start3A_70] : memref<32x2x128xi32, #tpu.memory_space<hbm>> -> memref<1x2x128xi32, #tpu.memory_space<hbm>>
      %dma_start3A_72 = tpu.memref_squeeze %dma_start3A_71 : memref<1x2x128xi32, #tpu.memory_space<hbm>> -> memref<2x128xi32, #tpu.memory_space<hbm>>
      tpu.enqueue_dma source(%dma_start3A_72 : memref<2x128xi32, #tpu.memory_space<hbm>>) target(%arg8 : memref<2x128xi32, #tpu.memory_space<vmem>>) target_semaphore(%run_scoped3A : memref<!tpu.dma_semaphore, #tpu.memory_space<semaphore_mem>>)
      %dma_wait3A_73 = arith.constant 0 : i32
      %dma_wait3A_74 = arith.constant 0 : i32
      %dma_wait3A_75 = tpu.memref_slice %arg3[%add3A, %dma_wait3A_73, %dma_wait3A_74] : memref<32x2x128xi32, #tpu.memory_space<hbm>> -> memref<1x2x128xi32, #tpu.memory_space<hbm>>
      %dma_wait3A_76 = tpu.memref_squeeze %dma_wait3A_75 : memref<1x2x128xi32, #tpu.memory_space<hbm>> -> memref<2x128xi32, #tpu.memory_space<hbm>>
      %dma_wait3A_77 = arith.constant 0 : i32
      %dma_wait3A_78 = arith.constant 0 : i32
      %dma_wait3A_79 = tpu.memref_slice %arg3[%add3A, %dma_wait3A_77, %dma_wait3A_78] : memref<32x2x128xi32, #tpu.memory_space<hbm>> -> memref<1x2x128xi32, #tpu.memory_space<hbm>>
      %dma_wait3A_80 = tpu.memref_squeeze %dma_wait3A_79 : memref<1x2x128xi32, #tpu.memory_space<hbm>> -> memref<2x128xi32, #tpu.memory_space<hbm>>
      tpu.wait_dma2 semaphore(%run_scoped3A : memref<!tpu.dma_semaphore, #tpu.memory_space<semaphore_mem>>) src(%dma_wait3A_80 : memref<2x128xi32, #tpu.memory_space<hbm>>) dst(%arg8 : memref<2x128xi32, #tpu.memory_space<vmem>>)
      tpu.yield
    }) : () -> ()
    %mul3A_1 = arith.constant 128 : i32
    %mul3A_2 = arith.muli %add3A, %mul3A_1 : i32
    %add3A_3 = arith.constant 0 : i32
    %add3A_4 = arith.addi %mul3A_2, %add3A_3 : i32
    %dma_start3A = arith.constant 0 : i32
    %dma_start3A_5 = arith.constant 0 : i32
    %dma_start3A_6 = tpu.memref_slice %arg8[%dma_start3A, %dma_start3A_5] : memref<2x128xi32, #tpu.memory_space<vmem>> -> memref<1x64xi32, #tpu.memory_space<vmem>>
    %dma_start3A_7 = tpu.memref_squeeze %dma_start3A_6 : memref<1x64xi32, #tpu.memory_space<vmem>> -> memref<64xi32, #tpu.memory_space<vmem>>
    %dma_start3A_8 = arith.constant 0 : i32
    %dma_start3A_9 = arith.constant 0 : i32
    %dma_start3A_10 = tpu.memref_slice %arg2[%dma_start3A_8, %dma_start3A_9] : memref<10496x1024xf32, #tpu.memory_space<hbm>> -> memref<10496x1024xf32, #tpu.memory_space<hbm>>
    tpu.enqueue_indirect_dma source(%dma_start3A_10 : memref<10496x1024xf32, #tpu.memory_space<hbm>>) target(%arg10 : memref<64x1024xf32, #tpu.memory_space<vmem>>) offsets(%dma_start3A_7 : memref<64xi32, #tpu.memory_space<vmem>>) semaphore(%arg11 : memref<!tpu.dma_semaphore, #tpu.memory_space<semaphore_mem>>)
    %dma_wait3A = arith.constant 0 : i32
    %dma_wait3A_11 = arith.constant 0 : i32
    %dma_wait3A_12 = tpu.memref_slice %arg8[%dma_wait3A, %dma_wait3A_11] : memref<2x128xi32, #tpu.memory_space<vmem>> -> memref<1x64xi32, #tpu.memory_space<vmem>>
    %dma_wait3A_13 = tpu.memref_squeeze %dma_wait3A_12 : memref<1x64xi32, #tpu.memory_space<vmem>> -> memref<64xi32, #tpu.memory_space<vmem>>
    %dma_wait3A_14 = arith.constant 0 : i32
    %dma_wait3A_15 = arith.constant 0 : i32
    %dma_wait3A_16 = tpu.memref_slice %arg2[%dma_wait3A_14, %dma_wait3A_15] : memref<10496x1024xf32, #tpu.memory_space<hbm>> -> memref<10496x1024xf32, #tpu.memory_space<hbm>>
    tpu.wait_indirect_dma semaphore(%arg11 : memref<!tpu.dma_semaphore, #tpu.memory_space<semaphore_mem>>) src(%dma_wait3A_16 : memref<10496x1024xf32, #tpu.memory_space<hbm>>) dst(%arg10 : memref<64x1024xf32, #tpu.memory_space<vmem>>)
    "tpu.region"() ({
      %run_scoped3A = tpu.sem_alloc : memref<!tpu.dma_semaphore, #tpu.memory_space<semaphore_mem>>
      %dma_start3A_65 = arith.constant 0 : i32
      %dma_start3A_66 = tpu.memref_slice %arg5[%add3A_4, %dma_start3A_65] : memref<4096x1024xf32, #tpu.memory_space<hbm>> -> memref<64x1024xf32, #tpu.memory_space<hbm>>
      %dma_start3A_67 = arith.constant 0 : i32
      %dma_start3A_68 = tpu.memref_slice %arg5[%add3A_4, %dma_start3A_67] : memref<4096x1024xf32, #tpu.memory_space<hbm>> -> memref<64x1024xf32, #tpu.memory_space<hbm>>
      tpu.enqueue_dma source(%arg10 : memref<64x1024xf32, #tpu.memory_space<vmem>>) target(%dma_start3A_68 : memref<64x1024xf32, #tpu.memory_space<hbm>>) target_semaphore(%run_scoped3A : memref<!tpu.dma_semaphore, #tpu.memory_space<semaphore_mem>>)
      %dma_wait3A_69 = arith.constant 0 : i32
      %dma_wait3A_70 = tpu.memref_slice %arg5[%add3A_4, %dma_wait3A_69] : memref<4096x1024xf32, #tpu.memory_space<hbm>> -> memref<64x1024xf32, #tpu.memory_space<hbm>>
      %dma_wait3A_71 = arith.constant 0 : i32
      %dma_wait3A_72 = tpu.memref_slice %arg5[%add3A_4, %dma_wait3A_71] : memref<4096x1024xf32, #tpu.memory_space<hbm>> -> memref<64x1024xf32, #tpu.memory_space<hbm>>
      tpu.wait_dma2 semaphore(%run_scoped3A : memref<!tpu.dma_semaphore, #tpu.memory_space<semaphore_mem>>) src(%arg10 : memref<64x1024xf32, #tpu.memory_space<vmem>>) dst(%dma_wait3A_72 : memref<64x1024xf32, #tpu.memory_space<hbm>>)
      tpu.yield
    }) : () -> ()
    %dma_start3A_17 = arith.constant 1 : i32
    %dma_start3A_18 = arith.constant 0 : i32
    %dma_start3A_19 = tpu.memref_slice %arg8[%dma_start3A_17, %dma_start3A_18] : memref<2x128xi32, #tpu.memory_space<vmem>> -> memref<1x64xi32, #tpu.memory_space<vmem>>
    %dma_start3A_20 = tpu.memref_squeeze %dma_start3A_19 : memref<1x64xi32, #tpu.memory_space<vmem>> -> memref<64xi32, #tpu.memory_space<vmem>>
    %dma_start3A_21 = arith.constant 0 : i32
    %dma_start3A_22 = arith.constant 0 : i32
    %dma_start3A_23 = tpu.memref_slice %arg2[%dma_start3A_21, %dma_start3A_22] : memref<10496x1024xf32, #tpu.memory_space<hbm>> -> memref<10496x1024xf32, #tpu.memory_space<hbm>>
    tpu.enqueue_indirect_dma source(%dma_start3A_23 : memref<10496x1024xf32, #tpu.memory_space<hbm>>) target(%arg10 : memref<64x1024xf32, #tpu.memory_space<vmem>>) offsets(%dma_start3A_20 : memref<64xi32, #tpu.memory_space<vmem>>) semaphore(%arg11 : memref<!tpu.dma_semaphore, #tpu.memory_space<semaphore_mem>>)
    %dma_wait3A_24 = arith.constant 1 : i32
    %dma_wait3A_25 = arith.constant 0 : i32
    %dma_wait3A_26 = tpu.memref_slice %arg8[%dma_wait3A_24, %dma_wait3A_25] : memref<2x128xi32, #tpu.memory_space<vmem>> -> memref<1x64xi32, #tpu.memory_space<vmem>>
    %dma_wait3A_27 = tpu.memref_squeeze %dma_wait3A_26 : memref<1x64xi32, #tpu.memory_space<vmem>> -> memref<64xi32, #tpu.memory_space<vmem>>
    %dma_wait3A_28 = arith.constant 0 : i32
    %dma_wait3A_29 = arith.constant 0 : i32
    %dma_wait3A_30 = tpu.memref_slice %arg2[%dma_wait3A_28, %dma_wait3A_29] : memref<10496x1024xf32, #tpu.memory_space<hbm>> -> memref<10496x1024xf32, #tpu.memory_space<hbm>>
    tpu.wait_indirect_dma semaphore(%arg11 : memref<!tpu.dma_semaphore, #tpu.memory_space<semaphore_mem>>) src(%dma_wait3A_30 : memref<10496x1024xf32, #tpu.memory_space<hbm>>) dst(%arg10 : memref<64x1024xf32, #tpu.memory_space<vmem>>)
    "tpu.region"() ({
      %run_scoped3A = tpu.sem_alloc : memref<!tpu.dma_semaphore, #tpu.memory_space<semaphore_mem>>
      %dma_start3A_65 = arith.constant 0 : i32
      %dma_start3A_66 = tpu.memref_slice %arg6[%add3A_4, %dma_start3A_65] : memref<4096x1024xf32, #tpu.memory_space<hbm>> -> memref<64x1024xf32, #tpu.memory_space<hbm>>
      %dma_start3A_67 = arith.constant 0 : i32
      %dma_start3A_68 = tpu.memref_slice %arg6[%add3A_4, %dma_start3A_67] : memref<4096x1024xf32, #tpu.memory_space<hbm>> -> memref<64x1024xf32, #tpu.memory_space<hbm>>
      tpu.enqueue_dma source(%arg10 : memref<64x1024xf32, #tpu.memory_space<vmem>>) target(%dma_start3A_68 : memref<64x1024xf32, #tpu.memory_space<hbm>>) target_semaphore(%run_scoped3A : memref<!tpu.dma_semaphore, #tpu.memory_space<semaphore_mem>>)
      %dma_wait3A_69 = arith.constant 0 : i32
      %dma_wait3A_70 = tpu.memref_slice %arg6[%add3A_4, %dma_wait3A_69] : memref<4096x1024xf32, #tpu.memory_space<hbm>> -> memref<64x1024xf32, #tpu.memory_space<hbm>>
      %dma_wait3A_71 = arith.constant 0 : i32
      %dma_wait3A_72 = tpu.memref_slice %arg6[%add3A_4, %dma_wait3A_71] : memref<4096x1024xf32, #tpu.memory_space<hbm>> -> memref<64x1024xf32, #tpu.memory_space<hbm>>
      tpu.wait_dma2 semaphore(%run_scoped3A : memref<!tpu.dma_semaphore, #tpu.memory_space<semaphore_mem>>) src(%arg10 : memref<64x1024xf32, #tpu.memory_space<vmem>>) dst(%dma_wait3A_72 : memref<64x1024xf32, #tpu.memory_space<hbm>>)
      tpu.yield
    }) : () -> ()
    %mul3A_31 = arith.constant 128 : i32
    %mul3A_32 = arith.muli %add3A, %mul3A_31 : i32
    %add3A_33 = arith.constant 64 : i32
    %add3A_34 = arith.addi %mul3A_32, %add3A_33 : i32
    %dma_start3A_35 = arith.constant 0 : i32
    %dma_start3A_36 = arith.constant 64 : i32
    %dma_start3A_37 = tpu.memref_slice %arg8[%dma_start3A_35, %dma_start3A_36] : memref<2x128xi32, #tpu.memory_space<vmem>> -> memref<1x64xi32, #tpu.memory_space<vmem>>
    %dma_start3A_38 = tpu.memref_squeeze %dma_start3A_37 : memref<1x64xi32, #tpu.memory_space<vmem>> -> memref<64xi32, #tpu.memory_space<vmem>>
    %dma_start3A_39 = arith.constant 0 : i32
    %dma_start3A_40 = arith.constant 0 : i32
    %dma_start3A_41 = tpu.memref_slice %arg2[%dma_start3A_39, %dma_start3A_40] : memref<10496x1024xf32, #tpu.memory_space<hbm>> -> memref<10496x1024xf32, #tpu.memory_space<hbm>>
    tpu.enqueue_indirect_dma source(%dma_start3A_41 : memref<10496x1024xf32, #tpu.memory_space<hbm>>) target(%arg10 : memref<64x1024xf32, #tpu.memory_space<vmem>>) offsets(%dma_start3A_38 : memref<64xi32, #tpu.memory_space<vmem>>) semaphore(%arg11 : memref<!tpu.dma_semaphore, #tpu.memory_space<semaphore_mem>>)
    %dma_wait3A_42 = arith.constant 0 : i32
    %dma_wait3A_43 = arith.constant 64 : i32
    %dma_wait3A_44 = tpu.memref_slice %arg8[%dma_wait3A_42, %dma_wait3A_43] : memref<2x128xi32, #tpu.memory_space<vmem>> -> memref<1x64xi32, #tpu.memory_space<vmem>>
    %dma_wait3A_45 = tpu.memref_squeeze %dma_wait3A_44 : memref<1x64xi32, #tpu.memory_space<vmem>> -> memref<64xi32, #tpu.memory_space<vmem>>
    %dma_wait3A_46 = arith.constant 0 : i32
    %dma_wait3A_47 = arith.constant 0 : i32
    %dma_wait3A_48 = tpu.memref_slice %arg2[%dma_wait3A_46, %dma_wait3A_47] : memref<10496x1024xf32, #tpu.memory_space<hbm>> -> memref<10496x1024xf32, #tpu.memory_space<hbm>>
    tpu.wait_indirect_dma semaphore(%arg11 : memref<!tpu.dma_semaphore, #tpu.memory_space<semaphore_mem>>) src(%dma_wait3A_48 : memref<10496x1024xf32, #tpu.memory_space<hbm>>) dst(%arg10 : memref<64x1024xf32, #tpu.memory_space<vmem>>)
    "tpu.region"() ({
      %run_scoped3A = tpu.sem_alloc : memref<!tpu.dma_semaphore, #tpu.memory_space<semaphore_mem>>
      %dma_start3A_65 = arith.constant 0 : i32
      %dma_start3A_66 = tpu.memref_slice %arg5[%add3A_34, %dma_start3A_65] : memref<4096x1024xf32, #tpu.memory_space<hbm>> -> memref<64x1024xf32, #tpu.memory_space<hbm>>
      %dma_start3A_67 = arith.constant 0 : i32
      %dma_start3A_68 = tpu.memref_slice %arg5[%add3A_34, %dma_start3A_67] : memref<4096x1024xf32, #tpu.memory_space<hbm>> -> memref<64x1024xf32, #tpu.memory_space<hbm>>
      tpu.enqueue_dma source(%arg10 : memref<64x1024xf32, #tpu.memory_space<vmem>>) target(%dma_start3A_68 : memref<64x1024xf32, #tpu.memory_space<hbm>>) target_semaphore(%run_scoped3A : memref<!tpu.dma_semaphore, #tpu.memory_space<semaphore_mem>>)
      %dma_wait3A_69 = arith.constant 0 : i32
      %dma_wait3A_70 = tpu.memref_slice %arg5[%add3A_34, %dma_wait3A_69] : memref<4096x1024xf32, #tpu.memory_space<hbm>> -> memref<64x1024xf32, #tpu.memory_space<hbm>>
      %dma_wait3A_71 = arith.constant 0 : i32
      %dma_wait3A_72 = tpu.memref_slice %arg5[%add3A_34, %dma_wait3A_71] : memref<4096x1024xf32, #tpu.memory_space<hbm>> -> memref<64x1024xf32, #tpu.memory_space<hbm>>
      tpu.wait_dma2 semaphore(%run_scoped3A : memref<!tpu.dma_semaphore, #tpu.memory_space<semaphore_mem>>) src(%arg10 : memref<64x1024xf32, #tpu.memory_space<vmem>>) dst(%dma_wait3A_72 : memref<64x1024xf32, #tpu.memory_space<hbm>>)
      tpu.yield
    }) : () -> ()
    %dma_start3A_49 = arith.constant 1 : i32
    %dma_start3A_50 = arith.constant 64 : i32
    %dma_start3A_51 = tpu.memref_slice %arg8[%dma_start3A_49, %dma_start3A_50] : memref<2x128xi32, #tpu.memory_space<vmem>> -> memref<1x64xi32, #tpu.memory_space<vmem>>
    %dma_start3A_52 = tpu.memref_squeeze %dma_start3A_51 : memref<1x64xi32, #tpu.memory_space<vmem>> -> memref<64xi32, #tpu.memory_space<vmem>>
    %dma_start3A_53 = arith.constant 0 : i32
    %dma_start3A_54 = arith.constant 0 : i32
    %dma_start3A_55 = tpu.memref_slice %arg2[%dma_start3A_53, %dma_start3A_54] : memref<10496x1024xf32, #tpu.memory_space<hbm>> -> memref<10496x1024xf32, #tpu.memory_space<hbm>>
    tpu.enqueue_indirect_dma source(%dma_start3A_55 : memref<10496x1024xf32, #tpu.memory_space<hbm>>) target(%arg10 : memref<64x1024xf32, #tpu.memory_space<vmem>>) offsets(%dma_start3A_52 : memref<64xi32, #tpu.memory_space<vmem>>) semaphore(%arg11 : memref<!tpu.dma_semaphore, #tpu.memory_space<semaphore_mem>>)
    %dma_wait3A_56 = arith.constant 1 : i32
    %dma_wait3A_57 = arith.constant 64 : i32
    %dma_wait3A_58 = tpu.memref_slice %arg8[%dma_wait3A_56, %dma_wait3A_57] : memref<2x128xi32, #tpu.memory_space<vmem>> -> memref<1x64xi32, #tpu.memory_space<vmem>>
    %dma_wait3A_59 = tpu.memref_squeeze %dma_wait3A_58 : memref<1x64xi32, #tpu.memory_space<vmem>> -> memref<64xi32, #tpu.memory_space<vmem>>
    %dma_wait3A_60 = arith.constant 0 : i32
    %dma_wait3A_61 = arith.constant 0 : i32
    %dma_wait3A_62 = tpu.memref_slice %arg2[%dma_wait3A_60, %dma_wait3A_61] : memref<10496x1024xf32, #tpu.memory_space<hbm>> -> memref<10496x1024xf32, #tpu.memory_space<hbm>>
    tpu.wait_indirect_dma semaphore(%arg11 : memref<!tpu.dma_semaphore, #tpu.memory_space<semaphore_mem>>) src(%dma_wait3A_62 : memref<10496x1024xf32, #tpu.memory_space<hbm>>) dst(%arg10 : memref<64x1024xf32, #tpu.memory_space<vmem>>)
    "tpu.region"() ({
      %run_scoped3A = tpu.sem_alloc : memref<!tpu.dma_semaphore, #tpu.memory_space<semaphore_mem>>
      %dma_start3A_65 = arith.constant 0 : i32
      %dma_start3A_66 = tpu.memref_slice %arg6[%add3A_34, %dma_start3A_65] : memref<4096x1024xf32, #tpu.memory_space<hbm>> -> memref<64x1024xf32, #tpu.memory_space<hbm>>
      %dma_start3A_67 = arith.constant 0 : i32
      %dma_start3A_68 = tpu.memref_slice %arg6[%add3A_34, %dma_start3A_67] : memref<4096x1024xf32, #tpu.memory_space<hbm>> -> memref<64x1024xf32, #tpu.memory_space<hbm>>
      tpu.enqueue_dma source(%arg10 : memref<64x1024xf32, #tpu.memory_space<vmem>>) target(%dma_start3A_68 : memref<64x1024xf32, #tpu.memory_space<hbm>>) target_semaphore(%run_scoped3A : memref<!tpu.dma_semaphore, #tpu.memory_space<semaphore_mem>>)
      %dma_wait3A_69 = arith.constant 0 : i32
      %dma_wait3A_70 = tpu.memref_slice %arg6[%add3A_34, %dma_wait3A_69] : memref<4096x1024xf32, #tpu.memory_space<hbm>> -> memref<64x1024xf32, #tpu.memory_space<hbm>>
      %dma_wait3A_71 = arith.constant 0 : i32
      %dma_wait3A_72 = tpu.memref_slice %arg6[%add3A_34, %dma_wait3A_71] : memref<4096x1024xf32, #tpu.memory_space<hbm>> -> memref<64x1024xf32, #tpu.memory_space<hbm>>
      tpu.wait_dma2 semaphore(%run_scoped3A : memref<!tpu.dma_semaphore, #tpu.memory_space<semaphore_mem>>) src(%arg10 : memref<64x1024xf32, #tpu.memory_space<vmem>>) dst(%dma_wait3A_72 : memref<64x1024xf32, #tpu.memory_space<hbm>>)
      tpu.yield
    }) : () -> ()
    %eq3A = arith.constant 0 : i32
    %eq3A_63 = arith.cmpi eq, %add3A, %eq3A : i32
    %convert_element_type3A = arith.extui %eq3A_63 : i1 to i32
    %cond3A = arith.constant 0 : i32
    %cond3A_64 = arith.cmpi ne, %convert_element_type3A, %cond3A : i32
    scf.if %cond3A_64 {
      "tpu.region"() ({
        %run_scoped3A = tpu.sem_alloc : memref<!tpu.dma_semaphore, #tpu.memory_space<semaphore_mem>>
        tpu.enqueue_dma source(%arg4 : memref<2x8xi32, #tpu.memory_space<hbm>>) target(%arg9 : memref<2x8xi32, #tpu.memory_space<vmem>>) target_semaphore(%run_scoped3A : memref<!tpu.dma_semaphore, #tpu.memory_space<semaphore_mem>>)
        tpu.wait_dma2 semaphore(%run_scoped3A : memref<!tpu.dma_semaphore, #tpu.memory_space<semaphore_mem>>) src(%arg4 : memref<2x8xi32, #tpu.memory_space<hbm>>) dst(%arg9 : memref<2x8xi32, #tpu.memory_space<vmem>>)
        tpu.yield
      }) : () -> ()
      %dma_start3A_65 = arith.constant 0 : i32
      %dma_start3A_66 = arith.constant 0 : i32
      %dma_start3A_67 = arith.constant 0 : i32
      %dma_start3A_68 = tpu.memref_slice %arg10[%dma_start3A_66, %dma_start3A_67] : memref<64x1024xf32, #tpu.memory_space<vmem>> -> memref<8x1024xf32, #tpu.memory_space<vmem>>
      %dma_start3A_69 = arith.constant 0 : i32
      %dma_start3A_70 = tpu.memref_slice %arg9[%dma_start3A_65, %dma_start3A_69] : memref<2x8xi32, #tpu.memory_space<vmem>> -> memref<1x8xi32, #tpu.memory_space<vmem>>
      %dma_start3A_71 = tpu.memref_squeeze %dma_start3A_70 : memref<1x8xi32, #tpu.memory_space<vmem>> -> memref<8xi32, #tpu.memory_space<vmem>>
      %dma_start3A_72 = arith.constant 0 : i32
      %dma_start3A_73 = arith.constant 0 : i32
      %dma_start3A_74 = tpu.memref_slice %arg2[%dma_start3A_72, %dma_start3A_73] : memref<10496x1024xf32, #tpu.memory_space<hbm>> -> memref<10496x1024xf32, #tpu.memory_space<hbm>>
      tpu.enqueue_indirect_dma source(%dma_start3A_74 : memref<10496x1024xf32, #tpu.memory_space<hbm>>) target(%dma_start3A_68 : memref<8x1024xf32, #tpu.memory_space<vmem>>) offsets(%dma_start3A_71 : memref<8xi32, #tpu.memory_space<vmem>>) semaphore(%arg11 : memref<!tpu.dma_semaphore, #tpu.memory_space<semaphore_mem>>)
      %dma_wait3A_75 = arith.constant 0 : i32
      %dma_wait3A_76 = arith.constant 0 : i32
      %dma_wait3A_77 = arith.constant 0 : i32
      %dma_wait3A_78 = tpu.memref_slice %arg10[%dma_wait3A_76, %dma_wait3A_77] : memref<64x1024xf32, #tpu.memory_space<vmem>> -> memref<8x1024xf32, #tpu.memory_space<vmem>>
      %dma_wait3A_79 = arith.constant 0 : i32
      %dma_wait3A_80 = tpu.memref_slice %arg9[%dma_wait3A_75, %dma_wait3A_79] : memref<2x8xi32, #tpu.memory_space<vmem>> -> memref<1x8xi32, #tpu.memory_space<vmem>>
      %dma_wait3A_81 = tpu.memref_squeeze %dma_wait3A_80 : memref<1x8xi32, #tpu.memory_space<vmem>> -> memref<8xi32, #tpu.memory_space<vmem>>
      %dma_wait3A_82 = arith.constant 0 : i32
      %dma_wait3A_83 = arith.constant 0 : i32
      %dma_wait3A_84 = tpu.memref_slice %arg2[%dma_wait3A_82, %dma_wait3A_83] : memref<10496x1024xf32, #tpu.memory_space<hbm>> -> memref<10496x1024xf32, #tpu.memory_space<hbm>>
      tpu.wait_indirect_dma semaphore(%arg11 : memref<!tpu.dma_semaphore, #tpu.memory_space<semaphore_mem>>) src(%dma_wait3A_84 : memref<10496x1024xf32, #tpu.memory_space<hbm>>) dst(%dma_wait3A_78 : memref<8x1024xf32, #tpu.memory_space<vmem>>)
      "tpu.region"() ({
        %run_scoped3A = tpu.sem_alloc : memref<!tpu.dma_semaphore, #tpu.memory_space<semaphore_mem>>
        %dma_start3A_105 = arith.constant 0 : i32
        %dma_start3A_106 = arith.constant 0 : i32
        %dma_start3A_107 = tpu.memref_slice %arg10[%dma_start3A_105, %dma_start3A_106] : memref<64x1024xf32, #tpu.memory_space<vmem>> -> memref<8x1024xf32, #tpu.memory_space<vmem>>
        %dma_start3A_108 = arith.constant 0 : i32
        %dma_start3A_109 = arith.constant 0 : i32
        %dma_start3A_110 = tpu.memref_slice %arg7[%dma_start3A_108, %dma_start3A_109] : memref<16x1024xf32, #tpu.memory_space<hbm>> -> memref<8x1024xf32, #tpu.memory_space<hbm>>
        %dma_start3A_111 = arith.constant 0 : i32
        %dma_start3A_112 = arith.constant 0 : i32
        %dma_start3A_113 = tpu.memref_slice %arg7[%dma_start3A_111, %dma_start3A_112] : memref<16x1024xf32, #tpu.memory_space<hbm>> -> memref<8x1024xf32, #tpu.memory_space<hbm>>
        %dma_start3A_114 = arith.constant 0 : i32
        %dma_start3A_115 = arith.constant 0 : i32
        %dma_start3A_116 = tpu.memref_slice %arg10[%dma_start3A_114, %dma_start3A_115] : memref<64x1024xf32, #tpu.memory_space<vmem>> -> memref<8x1024xf32, #tpu.memory_space<vmem>>
        tpu.enqueue_dma source(%dma_start3A_116 : memref<8x1024xf32, #tpu.memory_space<vmem>>) target(%dma_start3A_113 : memref<8x1024xf32, #tpu.memory_space<hbm>>) target_semaphore(%run_scoped3A : memref<!tpu.dma_semaphore, #tpu.memory_space<semaphore_mem>>)
        %dma_wait3A_117 = arith.constant 0 : i32
        %dma_wait3A_118 = arith.constant 0 : i32
        %dma_wait3A_119 = tpu.memref_slice %arg10[%dma_wait3A_117, %dma_wait3A_118] : memref<64x1024xf32, #tpu.memory_space<vmem>> -> memref<8x1024xf32, #tpu.memory_space<vmem>>
        %dma_wait3A_120 = arith.constant 0 : i32
        %dma_wait3A_121 = arith.constant 0 : i32
        %dma_wait3A_122 = tpu.memref_slice %arg7[%dma_wait3A_120, %dma_wait3A_121] : memref<16x1024xf32, #tpu.memory_space<hbm>> -> memref<8x1024xf32, #tpu.memory_space<hbm>>
        %dma_wait3A_123 = arith.constant 0 : i32
        %dma_wait3A_124 = arith.constant 0 : i32
        %dma_wait3A_125 = tpu.memref_slice %arg7[%dma_wait3A_123, %dma_wait3A_124] : memref<16x1024xf32, #tpu.memory_space<hbm>> -> memref<8x1024xf32, #tpu.memory_space<hbm>>
        %dma_wait3A_126 = arith.constant 0 : i32
        %dma_wait3A_127 = arith.constant 0 : i32
        %dma_wait3A_128 = tpu.memref_slice %arg10[%dma_wait3A_126, %dma_wait3A_127] : memref<64x1024xf32, #tpu.memory_space<vmem>> -> memref<8x1024xf32, #tpu.memory_space<vmem>>
        tpu.wait_dma2 semaphore(%run_scoped3A : memref<!tpu.dma_semaphore, #tpu.memory_space<semaphore_mem>>) src(%dma_wait3A_128 : memref<8x1024xf32, #tpu.memory_space<vmem>>) dst(%dma_wait3A_125 : memref<8x1024xf32, #tpu.memory_space<hbm>>)
        tpu.yield
      }) : () -> ()
      %dma_start3A_85 = arith.constant 1 : i32
      %dma_start3A_86 = arith.constant 0 : i32
      %dma_start3A_87 = arith.constant 0 : i32
      %dma_start3A_88 = tpu.memref_slice %arg10[%dma_start3A_86, %dma_start3A_87] : memref<64x1024xf32, #tpu.memory_space<vmem>> -> memref<8x1024xf32, #tpu.memory_space<vmem>>
      %dma_start3A_89 = arith.constant 0 : i32
      %dma_start3A_90 = tpu.memref_slice %arg9[%dma_start3A_85, %dma_start3A_89] : memref<2x8xi32, #tpu.memory_space<vmem>> -> memref<1x8xi32, #tpu.memory_space<vmem>>
      %dma_start3A_91 = tpu.memref_squeeze %dma_start3A_90 : memref<1x8xi32, #tpu.memory_space<vmem>> -> memref<8xi32, #tpu.memory_space<vmem>>
      %dma_start3A_92 = arith.constant 0 : i32
      %dma_start3A_93 = arith.constant 0 : i32
      %dma_start3A_94 = tpu.memref_slice %arg2[%dma_start3A_92, %dma_start3A_93] : memref<10496x1024xf32, #tpu.memory_space<hbm>> -> memref<10496x1024xf32, #tpu.memory_space<hbm>>
      tpu.enqueue_indirect_dma source(%dma_start3A_94 : memref<10496x1024xf32, #tpu.memory_space<hbm>>) target(%dma_start3A_88 : memref<8x1024xf32, #tpu.memory_space<vmem>>) offsets(%dma_start3A_91 : memref<8xi32, #tpu.memory_space<vmem>>) semaphore(%arg11 : memref<!tpu.dma_semaphore, #tpu.memory_space<semaphore_mem>>)
      %dma_wait3A_95 = arith.constant 1 : i32
      %dma_wait3A_96 = arith.constant 0 : i32
      %dma_wait3A_97 = arith.constant 0 : i32
      %dma_wait3A_98 = tpu.memref_slice %arg10[%dma_wait3A_96, %dma_wait3A_97] : memref<64x1024xf32, #tpu.memory_space<vmem>> -> memref<8x1024xf32, #tpu.memory_space<vmem>>
      %dma_wait3A_99 = arith.constant 0 : i32
      %dma_wait3A_100 = tpu.memref_slice %arg9[%dma_wait3A_95, %dma_wait3A_99] : memref<2x8xi32, #tpu.memory_space<vmem>> -> memref<1x8xi32, #tpu.memory_space<vmem>>
      %dma_wait3A_101 = tpu.memref_squeeze %dma_wait3A_100 : memref<1x8xi32, #tpu.memory_space<vmem>> -> memref<8xi32, #tpu.memory_space<vmem>>
      %dma_wait3A_102 = arith.constant 0 : i32
      %dma_wait3A_103 = arith.constant 0 : i32
      %dma_wait3A_104 = tpu.memref_slice %arg2[%dma_wait3A_102, %dma_wait3A_103] : memref<10496x1024xf32, #tpu.memory_space<hbm>> -> memref<10496x1024xf32, #tpu.memory_space<hbm>>
      tpu.wait_indirect_dma semaphore(%arg11 : memref<!tpu.dma_semaphore, #tpu.memory_space<semaphore_mem>>) src(%dma_wait3A_104 : memref<10496x1024xf32, #tpu.memory_space<hbm>>) dst(%dma_wait3A_98 : memref<8x1024xf32, #tpu.memory_space<vmem>>)
      "tpu.region"() ({
        %run_scoped3A = tpu.sem_alloc : memref<!tpu.dma_semaphore, #tpu.memory_space<semaphore_mem>>
        %dma_start3A_105 = arith.constant 0 : i32
        %dma_start3A_106 = arith.constant 0 : i32
        %dma_start3A_107 = tpu.memref_slice %arg10[%dma_start3A_105, %dma_start3A_106] : memref<64x1024xf32, #tpu.memory_space<vmem>> -> memref<8x1024xf32, #tpu.memory_space<vmem>>
        %dma_start3A_108 = arith.constant 8 : i32
        %dma_start3A_109 = arith.constant 0 : i32
        %dma_start3A_110 = tpu.memref_slice %arg7[%dma_start3A_108, %dma_start3A_109] : memref<16x1024xf32, #tpu.memory_space<hbm>> -> memref<8x1024xf32, #tpu.memory_space<hbm>>
        %dma_start3A_111 = arith.constant 8 : i32
        %dma_start3A_112 = arith.constant 0 : i32
        %dma_start3A_113 = tpu.memref_slice %arg7[%dma_start3A_111, %dma_start3A_112] : memref<16x1024xf32, #tpu.memory_space<hbm>> -> memref<8x1024xf32, #tpu.memory_space<hbm>>
        %dma_start3A_114 = arith.constant 0 : i32
        %dma_start3A_115 = arith.constant 0 : i32
        %dma_start3A_116 = tpu.memref_slice %arg10[%dma_start3A_114, %dma_start3A_115] : memref<64x1024xf32, #tpu.memory_space<vmem>> -> memref<8x1024xf32, #tpu.memory_space<vmem>>
        tpu.enqueue_dma source(%dma_start3A_116 : memref<8x1024xf32, #tpu.memory_space<vmem>>) target(%dma_start3A_113 : memref<8x1024xf32, #tpu.memory_space<hbm>>) target_semaphore(%run_scoped3A : memref<!tpu.dma_semaphore, #tpu.memory_space<semaphore_mem>>)
        %dma_wait3A_117 = arith.constant 0 : i32
        %dma_wait3A_118 = arith.constant 0 : i32
        %dma_wait3A_119 = tpu.memref_slice %arg10[%dma_wait3A_117, %dma_wait3A_118] : memref<64x1024xf32, #tpu.memory_space<vmem>> -> memref<8x1024xf32, #tpu.memory_space<vmem>>
        %dma_wait3A_120 = arith.constant 8 : i32
        %dma_wait3A_121 = arith.constant 0 : i32
        %dma_wait3A_122 = tpu.memref_slice %arg7[%dma_wait3A_120, %dma_wait3A_121] : memref<16x1024xf32, #tpu.memory_space<hbm>> -> memref<8x1024xf32, #tpu.memory_space<hbm>>
        %dma_wait3A_123 = arith.constant 8 : i32
        %dma_wait3A_124 = arith.constant 0 : i32
        %dma_wait3A_125 = tpu.memref_slice %arg7[%dma_wait3A_123, %dma_wait3A_124] : memref<16x1024xf32, #tpu.memory_space<hbm>> -> memref<8x1024xf32, #tpu.memory_space<hbm>>
        %dma_wait3A_126 = arith.constant 0 : i32
        %dma_wait3A_127 = arith.constant 0 : i32
        %dma_wait3A_128 = tpu.memref_slice %arg10[%dma_wait3A_126, %dma_wait3A_127] : memref<64x1024xf32, #tpu.memory_space<vmem>> -> memref<8x1024xf32, #tpu.memory_space<vmem>>
        tpu.wait_dma2 semaphore(%run_scoped3A : memref<!tpu.dma_semaphore, #tpu.memory_space<semaphore_mem>>) src(%dma_wait3A_128 : memref<8x1024xf32, #tpu.memory_space<vmem>>) dst(%dma_wait3A_125 : memref<8x1024xf32, #tpu.memory_space<hbm>>)
        tpu.yield
      }) : () -> ()
    } else {
    }
    return
  }
}

module attributes {stable_mosaic.version = 14 : i64} {
  func.func @_router_kernel(%arg0: i32, %arg1: memref<1024x1024xf32, #tpu.memory_space<vmem>>, %arg2: memref<8x1024xf32, #tpu.memory_space<vmem>>, %arg3: memref<1x8xf32, #tpu.memory_space<vmem>>, %arg4: memref<1024x128xi32, #tpu.memory_space<vmem>>, %arg5: memref<1024x128xf32, #tpu.memory_space<vmem>>, %arg6: memref<8x128xf32, #tpu.memory_space<vmem>>) attributes {dimension_semantics = [#tpu.dimension_semantics<arbitrary>], iteration_bounds = array<i64: 4>, scalar_prefetch = 0 : i64, scratch_operands = 0 : i64, tpu.core_type = #tpu.core_type<tc>, window_params = [{transform_indices = @transform_0, window_bounds = array<i64: 1024, 1024>}, {pipeline_mode = #tpu.pipeline_mode<synchronous>, transform_indices = @transform_1, window_bounds = array<i64: 8, 1024>}, {pipeline_mode = #tpu.pipeline_mode<synchronous>, transform_indices = @transform_2, window_bounds = array<i64: 1, 8>}, {transform_indices = @transform_3, window_bounds = array<i64: 1024, 128>}, {transform_indices = @transform_4, window_bounds = array<i64: 1024, 128>}, {pipeline_mode = #tpu.pipeline_mode<synchronous>, transform_indices = @transform_5, window_bounds = array<i64: 8, 128>}]} {
    %eq3A = arith.constant 0 : i32
    %eq3A_0 = arith.cmpi eq, %arg0, %eq3A : i32
    %convert_element_type3A = arith.extui %eq3A_0 : i1 to i32
    %cond3A = arith.constant 0 : i32
    %cond3A_1 = arith.cmpi ne, %convert_element_type3A, %cond3A : i32
    scf.if %cond3A_1 {
      %broadcast_in_dim3A_187 = arith.constant 0.000000e+00 : f32
      %broadcast_in_dim3A_188 = vector.broadcast %broadcast_in_dim3A_187 : f32 to vector<8x128xf32>
      %swap3A_189 = arith.constant 0 : index
      %swap3A_190 = arith.constant 0 : index
      %swap3A_191 = vector.load %arg6[%swap3A_189, %swap3A_190] : memref<8x128xf32, #tpu.memory_space<vmem>>, vector<8x128xf32>
      tpu.vector_store %arg6[%swap3A_189, %swap3A_190], %broadcast_in_dim3A_188 {strides = array<i32>} : memref<8x128xf32, #tpu.memory_space<vmem>>, vector<8x128xf32>,
    } else {
    }
    %get3A = arith.constant 0 : index
    %get3A_2 = arith.constant 0 : index
    %get3A_3 = vector.load %arg6[%get3A, %get3A_2] : memref<8x128xf32, #tpu.memory_space<vmem>>, vector<8x128xf32>
    %slice3A = vector.extract_strided_slice %get3A_3 {offsets = [2, 0], sizes = [1, 128], strides = [1, 1]} : vector<8x128xf32> to vector<1x128xf32>
    %slice3A_4 = vector.extract_strided_slice %get3A_3 {offsets = [3, 0], sizes = [1, 128], strides = [1, 1]} : vector<8x128xf32> to vector<1x128xf32>
    %add3A = arith.addf %slice3A, %slice3A_4 : vector<1x128xf32>
    %get3A_5 = arith.constant 0 : index
    %get3A_6 = arith.constant 0 : index
    %get3A_7 = vector.load %arg1[%get3A_5, %get3A_6] : memref<1024x1024xf32, #tpu.memory_space<vmem>>, vector<1024x1024xf32>
    %get3A_8 = arith.constant 0 : index
    %get3A_9 = arith.constant 0 : index
    %get3A_10 = vector.load %arg2[%get3A_8, %get3A_9] : memref<8x1024xf32, #tpu.memory_space<vmem>>, vector<8x1024xf32>
    %dot_general3A = arith.constant dense<0.000000e+00> : vector<1024x8xf32>
    %dot_general3A_11 = tpu.matmul %get3A_7, %get3A_10, %dot_general3A {dimension_numbers = #tpu.dot_dimension_numbers<[1], [1], [0], [0], [0, 0, 1, 0], [], []>, transpose_lhs_hint = false} : vector<1024x1024xf32>, vector<8x1024xf32>, vector<1024x8xf32> -> vector<1024x8xf32>
    %get3A_12 = arith.constant 0 : index
    %get3A_13 = arith.constant 0 : index
    %get3A_14 = vector.load %arg3[%get3A_12, %get3A_13] : memref<1x8xf32, #tpu.memory_space<vmem>>, vector<1x8xf32>
    %add3A_15 = vector.broadcast %get3A_14 : vector<1x8xf32> to vector<1024x8xf32>
    %add3A_16 = arith.addf %dot_general3A_11, %add3A_15 : vector<1024x8xf32>
    %reduce_max3A = arith.constant dense<0xFF800000> : vector<1024xf32>
    %reduce_max3A_17 = vector.multi_reduction <maximumf>, %add3A_16, %reduce_max3A [1] : vector<1024x8xf32> to vector<1024xf32>
    %broadcast_in_dim3A = vector.shape_cast %reduce_max3A_17 : vector<1024xf32> to vector<1024x1xf32>
    %sub3A = vector.broadcast %broadcast_in_dim3A : vector<1024x1xf32> to vector<1024x8xf32>
    %sub3A_18 = arith.subf %add3A_16, %sub3A : vector<1024x8xf32>
    %exp3A = math.exp %sub3A_18 : vector<1024x8xf32>
    %reduce_sum3A = arith.constant dense<0.000000e+00> : vector<1024xf32>
    %reduce_sum3A_19 = vector.multi_reduction <add>, %exp3A, %reduce_sum3A [1] : vector<1024x8xf32> to vector<1024xf32>
    %broadcast_in_dim3A_20 = vector.shape_cast %reduce_sum3A_19 : vector<1024xf32> to vector<1024x1xf32>
    %div3A = vector.broadcast %broadcast_in_dim3A_20 : vector<1024x1xf32> to vector<1024x8xf32>
    %div3A_21 = arith.divf %exp3A, %div3A : vector<1024x8xf32>
    %iota3A = tpu.iota {dimensions = array<i32: 1>} : vector<1024x8xi32>
    %reduce_max3A_22 = arith.constant dense<0xFF800000> : vector<1024xf32>
    %reduce_max3A_23 = vector.multi_reduction <maximumf>, %div3A_21, %reduce_max3A_22 [1] : vector<1024x8xf32> to vector<1024xf32>
    %broadcast_in_dim3A_24 = vector.shape_cast %reduce_max3A_23 : vector<1024xf32> to vector<1024x1xf32>
    %argmax3A = tpu.reduce_index %div3A_21 {axis = 1 : i32, kind = #tpu.reduction_kind<arg_max>} : vector<1024x8xf32> -> vector<1024xi32>
    %reshape3A = vector.shape_cast %argmax3A : vector<1024xi32> to vector<1024x1xi32>
    %eq3A_25 = vector.broadcast %reshape3A : vector<1024x1xi32> to vector<1024x8xi32>
    %eq3A_26 = arith.cmpi eq, %iota3A, %eq3A_25 : vector<1024x8xi32>
    %jit3A = arith.constant 0xFF800000 : f32
    %broadcast_in_dim3A_27 = vector.broadcast %jit3A : f32 to vector<1024x8xf32>
    %select_n3A = arith.select %eq3A_26, %broadcast_in_dim3A_27, %div3A_21 : vector<1024x8xi1>, vector<1024x8xf32>
    %reduce_max3A_28 = arith.constant dense<0xFF800000> : vector<1024xf32>
    %reduce_max3A_29 = vector.multi_reduction <maximumf>, %select_n3A, %reduce_max3A_28 [1] : vector<1024x8xf32> to vector<1024xf32>
    %broadcast_in_dim3A_30 = vector.shape_cast %reduce_max3A_29 : vector<1024xf32> to vector<1024x1xf32>
    %argmax3A_31 = tpu.reduce_index %select_n3A {axis = 1 : i32, kind = #tpu.reduction_kind<arg_max>} : vector<1024x8xf32> -> vector<1024xi32>
    %reshape3A_32 = vector.shape_cast %argmax3A_31 : vector<1024xi32> to vector<1024x1xi32>
    %add3A_33 = arith.addf %broadcast_in_dim3A_24, %broadcast_in_dim3A_30 : vector<1024x1xf32>
    %div3A_34 = arith.divf %broadcast_in_dim3A_24, %add3A_33 : vector<1024x1xf32>
    %div3A_35 = arith.divf %broadcast_in_dim3A_30, %add3A_33 : vector<1024x1xf32>
    %iota3A_36 = tpu.iota {dimensions = array<i32: 1>} : vector<1024x128xi32>
    %eq3A_37 = vector.broadcast %reshape3A : vector<1024x1xi32> to vector<1024x128xi32>
    %eq3A_38 = arith.cmpi eq, %iota3A_36, %eq3A_37 : vector<1024x128xi32>
    %convert_element_type3A_39 = arith.extui %eq3A_38 : vector<1024x128xi1> to vector<1024x128xi32>
    %convert_element_type3A_40 = arith.sitofp %convert_element_type3A_39 : vector<1024x128xi32> to vector<1024x128xf32>
    %eq3A_41 = vector.broadcast %reshape3A_32 : vector<1024x1xi32> to vector<1024x128xi32>
    %eq3A_42 = arith.cmpi eq, %iota3A_36, %eq3A_41 : vector<1024x128xi32>
    %convert_element_type3A_43 = arith.extui %eq3A_42 : vector<1024x128xi1> to vector<1024x128xi32>
    %convert_element_type3A_44 = arith.sitofp %convert_element_type3A_43 : vector<1024x128xi32> to vector<1024x128xf32>
    %iota3A_45 = tpu.iota {dimensions = array<i32: 0>} : vector<1024x1024xi32>
    %iota3A_46 = tpu.iota {dimensions = array<i32: 1>} : vector<1024x1024xi32>
    %gt3A = arith.cmpi sgt, %iota3A_45, %iota3A_46 : vector<1024x1024xi32>
    %convert_element_type3A_47 = arith.extui %gt3A : vector<1024x1024xi1> to vector<1024x1024xi32>
    %convert_element_type3A_48 = arith.sitofp %convert_element_type3A_47 : vector<1024x1024xi32> to vector<1024x1024xf32>
    %convert_element_type3A_49 = arith.truncf %convert_element_type3A_48 : vector<1024x1024xf32> to vector<1024x1024xbf16>
    %convert_element_type3A_50 = arith.truncf %convert_element_type3A_40 : vector<1024x128xf32> to vector<1024x128xbf16>
    %dot_general3A_51 = arith.constant dense<0.000000e+00> : vector<1024x128xf32>
    %dot_general3A_52 = tpu.matmul %convert_element_type3A_49, %convert_element_type3A_50, %dot_general3A_51 {dimension_numbers = #tpu.dot_dimension_numbers<[1], [0], [0], [1], [0, 0, 1, 1], [], []>, transpose_lhs_hint = false} : vector<1024x1024xbf16>, vector<1024x128xbf16>, vector<1024x128xf32> -> vector<1024x128xf32>
    %convert_element_type3A_53 = arith.truncf %convert_element_type3A_44 : vector<1024x128xf32> to vector<1024x128xbf16>
    %dot_general3A_54 = arith.constant dense<0.000000e+00> : vector<1024x128xf32>
    %dot_general3A_55 = tpu.matmul %convert_element_type3A_49, %convert_element_type3A_53, %dot_general3A_54 {dimension_numbers = #tpu.dot_dimension_numbers<[1], [0], [0], [1], [0, 0, 1, 1], [], []>, transpose_lhs_hint = false} : vector<1024x1024xbf16>, vector<1024x128xbf16>, vector<1024x128xf32> -> vector<1024x128xf32>
    %reduce_sum3A_56 = arith.constant dense<0.000000e+00> : vector<128xf32>
    %reduce_sum3A_57 = vector.multi_reduction <add>, %convert_element_type3A_40, %reduce_sum3A_56 [0] : vector<1024x128xf32> to vector<128xf32>
    %broadcast_in_dim3A_58 = vector.shape_cast %reduce_sum3A_57 : vector<128xf32> to vector<1x128xf32>
    %reduce_sum3A_59 = arith.constant dense<0.000000e+00> : vector<128xf32>
    %reduce_sum3A_60 = vector.multi_reduction <add>, %convert_element_type3A_44, %reduce_sum3A_59 [0] : vector<1024x128xf32> to vector<128xf32>
    %broadcast_in_dim3A_61 = vector.shape_cast %reduce_sum3A_60 : vector<128xf32> to vector<1x128xf32>
    %add3A_62 = vector.broadcast %add3A : vector<1x128xf32> to vector<1024x128xf32>
    %add3A_63 = arith.addf %dot_general3A_52, %add3A_62 : vector<1024x128xf32>
    %mul3A = arith.mulf %add3A_63, %convert_element_type3A_40 : vector<1024x128xf32>
    %reduce_sum3A_64 = arith.constant dense<0.000000e+00> : vector<1024xf32>
    %reduce_sum3A_65 = vector.multi_reduction <add>, %mul3A, %reduce_sum3A_64 [1] : vector<1024x128xf32> to vector<1024xf32>
    %broadcast_in_dim3A_66 = vector.shape_cast %reduce_sum3A_65 : vector<1024xf32> to vector<1024x1xf32>
    %add3A_67 = vector.broadcast %add3A : vector<1x128xf32> to vector<1024x128xf32>
    %add3A_68 = arith.addf %dot_general3A_55, %add3A_67 : vector<1024x128xf32>
    %add3A_69 = vector.broadcast %broadcast_in_dim3A_58 : vector<1x128xf32> to vector<1024x128xf32>
    %add3A_70 = arith.addf %add3A_68, %add3A_69 : vector<1024x128xf32>
    %mul3A_71 = arith.mulf %add3A_70, %convert_element_type3A_44 : vector<1024x128xf32>
    %reduce_sum3A_72 = arith.constant dense<0.000000e+00> : vector<1024xf32>
    %reduce_sum3A_73 = vector.multi_reduction <add>, %mul3A_71, %reduce_sum3A_72 [1] : vector<1024x128xf32> to vector<1024xf32>
    %broadcast_in_dim3A_74 = vector.shape_cast %reduce_sum3A_73 : vector<1024xf32> to vector<1024x1xf32>
    %eq3A_75 = arith.constant 0 : i32
    %eq3A_76 = vector.broadcast %eq3A_75 : i32 to vector<1024x128xi32>
    %eq3A_77 = arith.cmpi eq, %iota3A_36, %eq3A_76 : vector<1024x128xi32>
    %jit3A_78 = arith.constant 0 : i32
    %broadcast_in_dim3A_79 = vector.shape_cast %reshape3A : vector<1024x1xi32> to vector<1024x1xi32>
    %broadcast_in_dim3A_80 = vector.broadcast %broadcast_in_dim3A_79 : vector<1024x1xi32> to vector<1024x128xi32>
    %broadcast_in_dim3A_81 = vector.broadcast %jit3A_78 : i32 to vector<1024x128xi32>
    %select_n3A_82 = arith.select %eq3A_77, %broadcast_in_dim3A_80, %broadcast_in_dim3A_81 : vector<1024x128xi1>, vector<1024x128xi32>
    %eq3A_83 = arith.constant 1 : i32
    %eq3A_84 = vector.broadcast %eq3A_83 : i32 to vector<1024x128xi32>
    %eq3A_85 = arith.cmpi eq, %iota3A_36, %eq3A_84 : vector<1024x128xi32>
    %jit3A_86 = arith.constant 0 : i32
    %broadcast_in_dim3A_87 = vector.shape_cast %reshape3A_32 : vector<1024x1xi32> to vector<1024x1xi32>
    %broadcast_in_dim3A_88 = vector.broadcast %broadcast_in_dim3A_87 : vector<1024x1xi32> to vector<1024x128xi32>
    %broadcast_in_dim3A_89 = vector.broadcast %jit3A_86 : i32 to vector<1024x128xi32>
    %select_n3A_90 = arith.select %eq3A_85, %broadcast_in_dim3A_88, %broadcast_in_dim3A_89 : vector<1024x128xi1>, vector<1024x128xi32>
    %add3A_91 = arith.addi %select_n3A_82, %select_n3A_90 : vector<1024x128xi32>
    %eq3A_92 = arith.constant 2 : i32
    %eq3A_93 = vector.broadcast %eq3A_92 : i32 to vector<1024x128xi32>
    %eq3A_94 = arith.cmpi eq, %iota3A_36, %eq3A_93 : vector<1024x128xi32>
    %convert_element_type3A_95 = arith.fptosi %broadcast_in_dim3A_66 : vector<1024x1xf32> to vector<1024x1xi32>
    %jit3A_96 = arith.constant 0 : i32
    %broadcast_in_dim3A_97 = vector.shape_cast %convert_element_type3A_95 : vector<1024x1xi32> to vector<1024x1xi32>
    %broadcast_in_dim3A_98 = vector.broadcast %broadcast_in_dim3A_97 : vector<1024x1xi32> to vector<1024x128xi32>
    %broadcast_in_dim3A_99 = vector.broadcast %jit3A_96 : i32 to vector<1024x128xi32>
    %select_n3A_100 = arith.select %eq3A_94, %broadcast_in_dim3A_98, %broadcast_in_dim3A_99 : vector<1024x128xi1>, vector<1024x128xi32>
    %add3A_101 = arith.addi %add3A_91, %select_n3A_100 : vector<1024x128xi32>
    %eq3A_102 = arith.constant 3 : i32
    %eq3A_103 = vector.broadcast %eq3A_102 : i32 to vector<1024x128xi32>
    %eq3A_104 = arith.cmpi eq, %iota3A_36, %eq3A_103 : vector<1024x128xi32>
    %convert_element_type3A_105 = arith.fptosi %broadcast_in_dim3A_74 : vector<1024x1xf32> to vector<1024x1xi32>
    %jit3A_106 = arith.constant 0 : i32
    %broadcast_in_dim3A_107 = vector.shape_cast %convert_element_type3A_105 : vector<1024x1xi32> to vector<1024x1xi32>
    %broadcast_in_dim3A_108 = vector.broadcast %broadcast_in_dim3A_107 : vector<1024x1xi32> to vector<1024x128xi32>
    %broadcast_in_dim3A_109 = vector.broadcast %jit3A_106 : i32 to vector<1024x128xi32>
    %select_n3A_110 = arith.select %eq3A_104, %broadcast_in_dim3A_108, %broadcast_in_dim3A_109 : vector<1024x128xi1>, vector<1024x128xi32>
    %add3A_111 = arith.addi %add3A_101, %select_n3A_110 : vector<1024x128xi32>
    %swap3A = arith.constant 0 : index
    %swap3A_112 = arith.constant 0 : index
    %swap3A_113 = vector.load %arg4[%swap3A, %swap3A_112] : memref<1024x128xi32, #tpu.memory_space<vmem>>, vector<1024x128xi32>
    tpu.vector_store %arg4[%swap3A, %swap3A_112], %add3A_111 {strides = array<i32>} : memref<1024x128xi32, #tpu.memory_space<vmem>>, vector<1024x128xi32>,
    %eq3A_114 = arith.constant 0 : i32
    %eq3A_115 = vector.broadcast %eq3A_114 : i32 to vector<1024x128xi32>
    %eq3A_116 = arith.cmpi eq, %iota3A_36, %eq3A_115 : vector<1024x128xi32>
    %jit3A_117 = arith.constant 0.000000e+00 : f32
    %broadcast_in_dim3A_118 = vector.shape_cast %div3A_34 : vector<1024x1xf32> to vector<1024x1xf32>
    %broadcast_in_dim3A_119 = vector.broadcast %broadcast_in_dim3A_118 : vector<1024x1xf32> to vector<1024x128xf32>
    %broadcast_in_dim3A_120 = vector.broadcast %jit3A_117 : f32 to vector<1024x128xf32>
    %select_n3A_121 = arith.select %eq3A_116, %broadcast_in_dim3A_119, %broadcast_in_dim3A_120 : vector<1024x128xi1>, vector<1024x128xf32>
    %eq3A_122 = arith.constant 1 : i32
    %eq3A_123 = vector.broadcast %eq3A_122 : i32 to vector<1024x128xi32>
    %eq3A_124 = arith.cmpi eq, %iota3A_36, %eq3A_123 : vector<1024x128xi32>
    %jit3A_125 = arith.constant 0.000000e+00 : f32
    %broadcast_in_dim3A_126 = vector.shape_cast %div3A_35 : vector<1024x1xf32> to vector<1024x1xf32>
    %broadcast_in_dim3A_127 = vector.broadcast %broadcast_in_dim3A_126 : vector<1024x1xf32> to vector<1024x128xf32>
    %broadcast_in_dim3A_128 = vector.broadcast %jit3A_125 : f32 to vector<1024x128xf32>
    %select_n3A_129 = arith.select %eq3A_124, %broadcast_in_dim3A_127, %broadcast_in_dim3A_128 : vector<1024x128xi1>, vector<1024x128xf32>
    %add3A_130 = arith.addf %select_n3A_121, %select_n3A_129 : vector<1024x128xf32>
    %swap3A_131 = arith.constant 0 : index
    %swap3A_132 = arith.constant 0 : index
    %swap3A_133 = vector.load %arg5[%swap3A_131, %swap3A_132] : memref<1024x128xf32, #tpu.memory_space<vmem>>, vector<1024x128xf32>
    tpu.vector_store %arg5[%swap3A_131, %swap3A_132], %add3A_130 {strides = array<i32>} : memref<1024x128xf32, #tpu.memory_space<vmem>>, vector<1024x128xf32>,
    %mul3A_134 = vector.broadcast %div3A_34 : vector<1024x1xf32> to vector<1024x128xf32>
    %mul3A_135 = arith.mulf %mul3A_134, %convert_element_type3A_40 : vector<1024x128xf32>
    %reduce_sum3A_136 = arith.constant dense<0.000000e+00> : vector<128xf32>
    %reduce_sum3A_137 = vector.multi_reduction <add>, %mul3A_135, %reduce_sum3A_136 [0] : vector<1024x128xf32> to vector<128xf32>
    %broadcast_in_dim3A_138 = vector.shape_cast %reduce_sum3A_137 : vector<128xf32> to vector<1x128xf32>
    %mul3A_139 = vector.broadcast %div3A_35 : vector<1024x1xf32> to vector<1024x128xf32>
    %mul3A_140 = arith.mulf %mul3A_139, %convert_element_type3A_44 : vector<1024x128xf32>
    %reduce_sum3A_141 = arith.constant dense<0.000000e+00> : vector<128xf32>
    %reduce_sum3A_142 = vector.multi_reduction <add>, %mul3A_140, %reduce_sum3A_141 [0] : vector<1024x128xf32> to vector<128xf32>
    %broadcast_in_dim3A_143 = vector.shape_cast %reduce_sum3A_142 : vector<128xf32> to vector<1x128xf32>
    %iota3A_144 = tpu.iota {dimensions = array<i32: 0>} : vector<8x128xi32>
    %eq3A_145 = arith.constant 0 : i32
    %eq3A_146 = vector.broadcast %eq3A_145 : i32 to vector<8x128xi32>
    %eq3A_147 = arith.cmpi eq, %iota3A_144, %eq3A_146 : vector<8x128xi32>
    %jit3A_148 = arith.constant 0.000000e+00 : f32
    %broadcast_in_dim3A_149 = vector.shape_cast %broadcast_in_dim3A_138 : vector<1x128xf32> to vector<1x128xf32>
    %broadcast_in_dim3A_150 = vector.broadcast %broadcast_in_dim3A_149 : vector<1x128xf32> to vector<8x128xf32>
    %broadcast_in_dim3A_151 = vector.broadcast %jit3A_148 : f32 to vector<8x128xf32>
    %select_n3A_152 = arith.select %eq3A_147, %broadcast_in_dim3A_150, %broadcast_in_dim3A_151 : vector<8x128xi1>, vector<8x128xf32>
    %eq3A_153 = arith.constant 1 : i32
    %eq3A_154 = vector.broadcast %eq3A_153 : i32 to vector<8x128xi32>
    %eq3A_155 = arith.cmpi eq, %iota3A_144, %eq3A_154 : vector<8x128xi32>
    %jit3A_156 = arith.constant 0.000000e+00 : f32
    %broadcast_in_dim3A_157 = vector.shape_cast %broadcast_in_dim3A_143 : vector<1x128xf32> to vector<1x128xf32>
    %broadcast_in_dim3A_158 = vector.broadcast %broadcast_in_dim3A_157 : vector<1x128xf32> to vector<8x128xf32>
    %broadcast_in_dim3A_159 = vector.broadcast %jit3A_156 : f32 to vector<8x128xf32>
    %select_n3A_160 = arith.select %eq3A_155, %broadcast_in_dim3A_158, %broadcast_in_dim3A_159 : vector<8x128xi1>, vector<8x128xf32>
    %add3A_161 = arith.addf %select_n3A_152, %select_n3A_160 : vector<8x128xf32>
    %eq3A_162 = arith.constant 2 : i32
    %eq3A_163 = vector.broadcast %eq3A_162 : i32 to vector<8x128xi32>
    %eq3A_164 = arith.cmpi eq, %iota3A_144, %eq3A_163 : vector<8x128xi32>
    %jit3A_165 = arith.constant 0.000000e+00 : f32
    %broadcast_in_dim3A_166 = vector.shape_cast %broadcast_in_dim3A_58 : vector<1x128xf32> to vector<1x128xf32>
    %broadcast_in_dim3A_167 = vector.broadcast %broadcast_in_dim3A_166 : vector<1x128xf32> to vector<8x128xf32>
    %broadcast_in_dim3A_168 = vector.broadcast %jit3A_165 : f32 to vector<8x128xf32>
    %select_n3A_169 = arith.select %eq3A_164, %broadcast_in_dim3A_167, %broadcast_in_dim3A_168 : vector<8x128xi1>, vector<8x128xf32>
    %add3A_170 = arith.addf %add3A_161, %select_n3A_169 : vector<8x128xf32>
    %eq3A_171 = arith.constant 3 : i32
    %eq3A_172 = vector.broadcast %eq3A_171 : i32 to vector<8x128xi32>
    %eq3A_173 = arith.cmpi eq, %iota3A_144, %eq3A_172 : vector<8x128xi32>
    %jit3A_174 = arith.constant 0.000000e+00 : f32
    %broadcast_in_dim3A_175 = vector.shape_cast %broadcast_in_dim3A_61 : vector<1x128xf32> to vector<1x128xf32>
    %broadcast_in_dim3A_176 = vector.broadcast %broadcast_in_dim3A_175 : vector<1x128xf32> to vector<8x128xf32>
    %broadcast_in_dim3A_177 = vector.broadcast %jit3A_174 : f32 to vector<8x128xf32>
    %select_n3A_178 = arith.select %eq3A_173, %broadcast_in_dim3A_176, %broadcast_in_dim3A_177 : vector<8x128xi1>, vector<8x128xf32>
    %add3A_179 = arith.addf %add3A_170, %select_n3A_178 : vector<8x128xf32>
    %get3A_180 = arith.constant 0 : index
    %get3A_181 = arith.constant 0 : index
    %get3A_182 = vector.load %arg6[%get3A_180, %get3A_181] : memref<8x128xf32, #tpu.memory_space<vmem>>, vector<8x128xf32>
    %add3A_183 = arith.addf %get3A_182, %add3A_179 : vector<8x128xf32>
    %swap3A_184 = arith.constant 0 : index
    %swap3A_185 = arith.constant 0 : index
    %swap3A_186 = vector.load %arg6[%swap3A_184, %swap3A_185] : memref<8x128xf32, #tpu.memory_space<vmem>>, vector<8x128xf32>
    tpu.vector_store %arg6[%swap3A_184, %swap3A_185], %add3A_183 {strides = array<i32>} : memref<8x128xf32, #tpu.memory_space<vmem>>, vector<8x128xf32>,
    return
  }
  func.func @transform_0(%arg0: i32) -> (i32, i32) {
    %c0_i32 = arith.constant 0 : i32
    %c0_i32_0 = arith.constant 0 : i32
    return %arg0, %c0_i32 : i32, i32
  }
  func.func @transform_1(%arg0: i32) -> (i32, i32) {
    %c0_i32 = arith.constant 0 : i32
    %c0_i32_0 = arith.constant 0 : i32
    %c0_i32_1 = arith.constant 0 : i32
    return %c0_i32, %c0_i32_0 : i32, i32
  }
  func.func @transform_2(%arg0: i32) -> (i32, i32) {
    %c0_i32 = arith.constant 0 : i32
    %c0_i32_0 = arith.constant 0 : i32
    %c0_i32_1 = arith.constant 0 : i32
    return %c0_i32, %c0_i32_0 : i32, i32
  }
  func.func @transform_3(%arg0: i32) -> (i32, i32) {
    %c0_i32 = arith.constant 0 : i32
    %c0_i32_0 = arith.constant 0 : i32
    return %arg0, %c0_i32 : i32, i32
  }
  func.func @transform_4(%arg0: i32) -> (i32, i32) {
    %c0_i32 = arith.constant 0 : i32
    %c0_i32_0 = arith.constant 0 : i32
    return %arg0, %c0_i32 : i32, i32
  }
  func.func @transform_5(%arg0: i32) -> (i32, i32) {
    %c0_i32 = arith.constant 0 : i32
    %c0_i32_0 = arith.constant 0 : i32
    %c0_i32_1 = arith.constant 0 : i32
    return %c0_i32, %c0_i32_0 : i32, i32
  }
}

module attributes {stable_mosaic.version = 14 : i64} {
  func.func @_ffn_kernel(%arg0: i32, %arg1: memref<41xi32, #tpu.memory_space<smem>>, %arg2: memref<256x1024xf32, #tpu.memory_space<vmem>>, %arg3: memref<256x1xf32, #tpu.memory_space<vmem>>, %arg4: memref<1x2048x1024xbf16, #tpu.memory_space<vmem>>, %arg5: memref<1x1x2048xf32, #tpu.memory_space<vmem>>, %arg6: memref<1x1024x2048xbf16, #tpu.memory_space<vmem>>, %arg7: memref<1x1x1024xf32, #tpu.memory_space<vmem>>, %arg8: memref<256x1024xf32, #tpu.memory_space<vmem>>) attributes {dimension_semantics = [#tpu.dimension_semantics<arbitrary>], iteration_bounds = array<i64: 41>, scalar_prefetch = 1 : i64, scratch_operands = 0 : i64, tpu.core_type = #tpu.core_type<tc>, window_params = [{transform_indices = @transform_0, window_bounds = array<i64: 256, 1024>}, {transform_indices = @transform_1, window_bounds = array<i64: 256, 1>}, {transform_indices = @transform_2, window_bounds = array<i64: 1, 2048, 1024>}, {transform_indices = @transform_3, window_bounds = array<i64: 1, 1, 2048>}, {transform_indices = @transform_4, window_bounds = array<i64: 1, 1024, 2048>}, {transform_indices = @transform_5, window_bounds = array<i64: 1, 1, 1024>}, {transform_indices = @transform_6, window_bounds = array<i64: 256, 1024>}]} {
    %get3A = arith.constant 0 : index
    %get3A_0 = arith.constant 0 : index
    %get3A_1 = vector.load %arg3[%get3A, %get3A_0] : memref<256x1xf32, #tpu.memory_space<vmem>>, vector<256x1xf32>
    %get3A_2 = arith.constant 0 : index
    %get3A_3 = arith.constant 0 : index
    %get3A_4 = vector.load %arg2[%get3A_2, %get3A_3] : memref<256x1024xf32, #tpu.memory_space<vmem>>, vector<256x1024xf32>
    %mul3A = vector.broadcast %get3A_1 : vector<256x1xf32> to vector<256x1024xf32>
    %mul3A_5 = arith.mulf %get3A_4, %mul3A : vector<256x1024xf32>
    %convert_element_type3A = arith.truncf %mul3A_5 : vector<256x1024xf32> to vector<256x1024xbf16>
    %get3A_6 = arith.constant 0 : index
    %get3A_7 = arith.constant 0 : index
    %get3A_8 = arith.constant 0 : index
    %get3A_9 = vector.load %arg4[%get3A_6, %get3A_7, %get3A_8] : memref<1x2048x1024xbf16, #tpu.memory_space<vmem>>, vector<1x2048x1024xbf16>
    %get3A_10 = vector.shape_cast %get3A_9 : vector<1x2048x1024xbf16> to vector<2048x1024xbf16>
    %dot_general3A = arith.constant dense<0.000000e+00> : vector<256x2048xf32>
    %dot_general3A_11 = tpu.matmul %convert_element_type3A, %get3A_10, %dot_general3A {dimension_numbers = #tpu.dot_dimension_numbers<[1], [1], [0], [0], [0, 0, 1, 0], [], []>, transpose_lhs_hint = false} : vector<256x1024xbf16>, vector<2048x1024xbf16>, vector<256x2048xf32> -> vector<256x2048xf32>
    %get3A_12 = arith.constant 0 : index
    %get3A_13 = arith.constant 0 : index
    %get3A_14 = arith.constant 0 : index
    %get3A_15 = vector.load %arg5[%get3A_12, %get3A_13, %get3A_14] : memref<1x1x2048xf32, #tpu.memory_space<vmem>>, vector<1x1x2048xf32>
    %get3A_16 = vector.shape_cast %get3A_15 : vector<1x1x2048xf32> to vector<1x2048xf32>
    %add3A = vector.broadcast %get3A_16 : vector<1x2048xf32> to vector<256x2048xf32>
    %add3A_17 = arith.addf %dot_general3A_11, %add3A : vector<256x2048xf32>
    %mul3A_18 = arith.constant 5.000000e-01 : f32
    %mul3A_19 = vector.broadcast %mul3A_18 : f32 to vector<256x2048xf32>
    %mul3A_20 = arith.mulf %mul3A_19, %add3A_17 : vector<256x2048xf32>
    %mul3A_21 = arith.constant 0.707106769 : f32
    %mul3A_22 = vector.broadcast %mul3A_21 : f32 to vector<256x2048xf32>
    %mul3A_23 = arith.mulf %add3A_17, %mul3A_22 : vector<256x2048xf32>
    %erf3A = math.erf %mul3A_23 : vector<256x2048xf32>
    %add3A_24 = arith.constant 1.000000e+00 : f32
    %add3A_25 = vector.broadcast %add3A_24 : f32 to vector<256x2048xf32>
    %add3A_26 = arith.addf %add3A_25, %erf3A : vector<256x2048xf32>
    %mul3A_27 = arith.mulf %mul3A_20, %add3A_26 : vector<256x2048xf32>
    %convert_element_type3A_28 = arith.truncf %mul3A_27 : vector<256x2048xf32> to vector<256x2048xbf16>
    %get3A_29 = arith.constant 0 : index
    %get3A_30 = arith.constant 0 : index
    %get3A_31 = arith.constant 0 : index
    %get3A_32 = vector.load %arg6[%get3A_29, %get3A_30, %get3A_31] : memref<1x1024x2048xbf16, #tpu.memory_space<vmem>>, vector<1x1024x2048xbf16>
    %get3A_33 = vector.shape_cast %get3A_32 : vector<1x1024x2048xbf16> to vector<1024x2048xbf16>
    %dot_general3A_34 = arith.constant dense<0.000000e+00> : vector<256x1024xf32>
    %dot_general3A_35 = tpu.matmul %convert_element_type3A_28, %get3A_33, %dot_general3A_34 {dimension_numbers = #tpu.dot_dimension_numbers<[1], [1], [0], [0], [0, 0, 1, 0], [], []>, transpose_lhs_hint = false} : vector<256x2048xbf16>, vector<1024x2048xbf16>, vector<256x1024xf32> -> vector<256x1024xf32>
    %get3A_36 = arith.constant 0 : index
    %get3A_37 = arith.constant 0 : index
    %get3A_38 = arith.constant 0 : index
    %get3A_39 = vector.load %arg7[%get3A_36, %get3A_37, %get3A_38] : memref<1x1x1024xf32, #tpu.memory_space<vmem>>, vector<1x1x1024xf32>
    %get3A_40 = vector.shape_cast %get3A_39 : vector<1x1x1024xf32> to vector<1x1024xf32>
    %add3A_41 = vector.broadcast %get3A_40 : vector<1x1024xf32> to vector<256x1024xf32>
    %add3A_42 = arith.addf %dot_general3A_35, %add3A_41 : vector<256x1024xf32>
    %mul3A_43 = vector.broadcast %get3A_1 : vector<256x1xf32> to vector<256x1024xf32>
    %mul3A_44 = arith.mulf %mul3A_43, %add3A_42 : vector<256x1024xf32>
    %swap3A = arith.constant 0 : index
    %swap3A_45 = arith.constant 0 : index
    %swap3A_46 = vector.load %arg8[%swap3A, %swap3A_45] : memref<256x1024xf32, #tpu.memory_space<vmem>>, vector<256x1024xf32>
    tpu.vector_store %arg8[%swap3A, %swap3A_45], %mul3A_44 {strides = array<i32>} : memref<256x1024xf32, #tpu.memory_space<vmem>>, vector<256x1024xf32>,
    return
  }
  func.func @transform_0(%arg0: i32, %arg1: memref<41xi32, #tpu.memory_space<smem>>) -> (i32, i32) {
    %c0_i32 = arith.constant 0 : i32
    %c0_i32_0 = arith.constant 0 : i32
    return %arg0, %c0_i32 : i32, i32
  }
  func.func @transform_1(%arg0: i32, %arg1: memref<41xi32, #tpu.memory_space<smem>>) -> (i32, i32) {
    %c0_i32 = arith.constant 0 : i32
    %c0_i32_0 = arith.constant 0 : i32
    return %arg0, %c0_i32 : i32, i32
  }
  func.func @transform_2(%arg0: i32, %arg1: memref<41xi32, #tpu.memory_space<smem>>) -> (i32, i32, i32) {
    %get3A = arith.index_cast %arg0 : i32 to index
    %get3A_0 = memref.load %arg1[%get3A] : memref<41xi32, #tpu.memory_space<smem>>
    %c0_i32 = arith.constant 0 : i32
    %c0_i32_1 = arith.constant 0 : i32
    %c0_i32_2 = arith.constant 0 : i32
    return %get3A_0, %c0_i32, %c0_i32_1 : i32, i32, i32
  }
  func.func @transform_3(%arg0: i32, %arg1: memref<41xi32, #tpu.memory_space<smem>>) -> (i32, i32, i32) {
    %get3A = arith.index_cast %arg0 : i32 to index
    %get3A_0 = memref.load %arg1[%get3A] : memref<41xi32, #tpu.memory_space<smem>>
    %c0_i32 = arith.constant 0 : i32
    %c0_i32_1 = arith.constant 0 : i32
    %c0_i32_2 = arith.constant 0 : i32
    return %get3A_0, %c0_i32, %c0_i32_1 : i32, i32, i32
  }
  func.func @transform_4(%arg0: i32, %arg1: memref<41xi32, #tpu.memory_space<smem>>) -> (i32, i32, i32) {
    %get3A = arith.index_cast %arg0 : i32 to index
    %get3A_0 = memref.load %arg1[%get3A] : memref<41xi32, #tpu.memory_space<smem>>
    %c0_i32 = arith.constant 0 : i32
    %c0_i32_1 = arith.constant 0 : i32
    %c0_i32_2 = arith.constant 0 : i32
    return %get3A_0, %c0_i32, %c0_i32_1 : i32, i32, i32
  }
  func.func @transform_5(%arg0: i32, %arg1: memref<41xi32, #tpu.memory_space<smem>>) -> (i32, i32, i32) {
    %get3A = arith.index_cast %arg0 : i32 to index
    %get3A_0 = memref.load %arg1[%get3A] : memref<41xi32, #tpu.memory_space<smem>>
    %c0_i32 = arith.constant 0 : i32
    %c0_i32_1 = arith.constant 0 : i32
    %c0_i32_2 = arith.constant 0 : i32
    return %get3A_0, %c0_i32, %c0_i32_1 : i32, i32, i32
  }
  func.func @transform_6(%arg0: i32, %arg1: memref<41xi32, #tpu.memory_space<smem>>) -> (i32, i32) {
    %c0_i32 = arith.constant 0 : i32
    %c0_i32_0 = arith.constant 0 : i32
    return %arg0, %c0_i32 : i32, i32
  }
}

module attributes {stable_mosaic.version = 14 : i64} {
  func.func @_fin_kernel(%arg0: i32, %arg1: memref<512x1024xf32, #tpu.memory_space<vmem>>, %arg2: memref<512x1024xf32, #tpu.memory_space<vmem>>, %arg3: memref<16x1024xf32, #tpu.memory_space<vmem>>, %arg4: memref<512x1024xf32, #tpu.memory_space<vmem>>) attributes {dimension_semantics = [#tpu.dimension_semantics<arbitrary>], iteration_bounds = array<i64: 8>, scalar_prefetch = 0 : i64, scratch_operands = 0 : i64, tpu.core_type = #tpu.core_type<tc>, window_params = [{transform_indices = @transform_0, window_bounds = array<i64: 512, 1024>}, {transform_indices = @transform_1, window_bounds = array<i64: 512, 1024>}, {pipeline_mode = #tpu.pipeline_mode<synchronous>, transform_indices = @transform_2, window_bounds = array<i64: 16, 1024>}, {transform_indices = @transform_3, window_bounds = array<i64: 512, 1024>}]} {
    %get3A = arith.constant 0 : index
    %get3A_0 = arith.constant 0 : index
    %get3A_1 = vector.load %arg1[%get3A, %get3A_0] : memref<512x1024xf32, #tpu.memory_space<vmem>>, vector<512x1024xf32>
    %get3A_2 = arith.constant 0 : index
    %get3A_3 = arith.constant 0 : index
    %get3A_4 = vector.load %arg2[%get3A_2, %get3A_3] : memref<512x1024xf32, #tpu.memory_space<vmem>>, vector<512x1024xf32>
    %add3A = arith.addf %get3A_1, %get3A_4 : vector<512x1024xf32>
    %swap3A = arith.constant 0 : index
    %swap3A_5 = arith.constant 0 : index
    %swap3A_6 = vector.load %arg4[%swap3A, %swap3A_5] : memref<512x1024xf32, #tpu.memory_space<vmem>>, vector<512x1024xf32>
    tpu.vector_store %arg4[%swap3A, %swap3A_5], %add3A {strides = array<i32>} : memref<512x1024xf32, #tpu.memory_space<vmem>>, vector<512x1024xf32>,
    %eq3A = arith.constant 0 : i32
    %eq3A_7 = arith.cmpi eq, %arg0, %eq3A : i32
    %convert_element_type3A = arith.extui %eq3A_7 : i1 to i32
    %cond3A = arith.constant 0 : i32
    %cond3A_8 = arith.cmpi ne, %convert_element_type3A, %cond3A : i32
    scf.if %cond3A_8 {
      %get3A_9 = arith.constant 0 : index
      %get3A_10 = arith.constant 0 : index
      %get3A_11 = vector.load %arg4[%get3A_9, %get3A_10] : memref<512x1024xf32, #tpu.memory_space<vmem>>, vector<8x1024xf32>
      %get3A_12 = arith.constant 0 : index
      %get3A_13 = arith.constant 0 : index
      %get3A_14 = vector.load %arg3[%get3A_12, %get3A_13] : memref<16x1024xf32, #tpu.memory_space<vmem>>, vector<8x1024xf32>
      %get3A_15 = arith.constant 8 : index
      %get3A_16 = arith.constant 0 : index
      %get3A_17 = vector.load %arg3[%get3A_15, %get3A_16] : memref<16x1024xf32, #tpu.memory_space<vmem>>, vector<8x1024xf32>
      %add3A_18 = arith.addf %get3A_14, %get3A_17 : vector<8x1024xf32>
      %add3A_19 = arith.addf %get3A_11, %add3A_18 : vector<8x1024xf32>
      %swap3A_20 = arith.constant 0 : index
      %swap3A_21 = arith.constant 0 : index
      %swap3A_22 = vector.load %arg4[%swap3A_20, %swap3A_21] : memref<512x1024xf32, #tpu.memory_space<vmem>>, vector<8x1024xf32>
      tpu.vector_store %arg4[%swap3A_20, %swap3A_21], %add3A_19 {strides = array<i32>} : memref<512x1024xf32, #tpu.memory_space<vmem>>, vector<8x1024xf32>,
    } else {
    }
    return
  }
  func.func @transform_0(%arg0: i32) -> (i32, i32) {
    %c0_i32 = arith.constant 0 : i32
    %c0_i32_0 = arith.constant 0 : i32
    return %arg0, %c0_i32 : i32, i32
  }
  func.func @transform_1(%arg0: i32) -> (i32, i32) {
    %c0_i32 = arith.constant 0 : i32
    %c0_i32_0 = arith.constant 0 : i32
    return %arg0, %c0_i32 : i32, i32
  }
  func.func @transform_2(%arg0: i32) -> (i32, i32) {
    %c0_i32 = arith.constant 0 : i32
    %c0_i32_0 = arith.constant 0 : i32
    %c0_i32_1 = arith.constant 0 : i32
    return %c0_i32, %c0_i32_0 : i32, i32
  }
  func.func @transform_3(%arg0: i32) -> (i32, i32) {
    %c0_i32 = arith.constant 0 : i32
    %c0_i32_0 = arith.constant 0 : i32
    return %arg0, %c0_i32 : i32, i32
  }
}

</mosaic_0001>

<sc_bundles>
// kernel: kernel.10.cloned.1.call-start
scs
__scs_entry_jumppad:
0x0: {  	(pc) =	sbr.rel $0x88, $3  }
0x1: {  	(tag) =	ssettag $0x0;
	lr =	simm.s32 $0x1  }
0x2: {  	[smem:$0x3F9A] =	sst lr;
	_ =	strace $0xD0000000  }
0x3: {  	_ = 	snop  }
0x4: {  	_ = 	snop  }
0x5: {  	_ = 	snop  }
0x6: {  	_ = 	snop  }
0x7: {  	_ = 	snop  }
__scs_overlays_trampoline_lowered:
0x8: {  	[smem:$0x3FA9] =	sst s0  }
0x9: {  	[smem:$0x3FAA] =	sst s1  }
0xa: {  	[smem:$0x3FAB] =	sst s2  }
0xb: {  	[smem:$0x3FAC] =	sst s3  }
0xc: {  	[smem:$0x3FAD] =	sst s4  }
0xd: {  	[smem:$0x3FAE] =	sst s5  }
0xe: {  	[smem:$0x3FAF] =	sst s6  }
0xf: {  	[smem:$0x3FB0] =	sst s7  }
0x10: {  	[smem:$0x3FB1] =	sst s8  }
0x11: {  	[smem:$0x3FB2] =	sst s9;
	s0 =	simm.s32 @!p0 $0x0  }
0x12: {  	s1 =	sld [smem:$0x3F98];
	s0 =	simm.s32 @p0 $0x1  }
0x13: {  	[smem:$0x3FB3] =	sst s0;
	s0 =	simm.s32 @!p1 $0x0  }
0x14: {  	s2 =	sld [smem:$0x3F97];
	s0 =	simm.s32 @p1 $0x1  }
0x15: {  	[smem:$0x3FB4] =	sst s0;
	s0 =	simm.s32 @!p2 $0x0  }
0x16: {  	s3 =	sld [smem:$0x3FDB];
	s0 =	simm.s32 @p2 $0x1  }
0x17: {  	s4 =	simm.s32 $0x1BF5;
	[smem:$0x3FB6] =	sst s0  }
0x18: {  	s0 =	sld [smem:$0x3F99];
	_ =	swait.ge [sflag:s4], $0x0  }
0x19: {  	s7 =	sld [smem:$0x3F9A]  }
0x1a: {  	s8 =	sadd.s32 $0xFFFFE003, lr  }
0x1b: {  	s9 =	sadd.s32 $0xFFFFFEF7, lr;
	s5 =	simm.s32 $0xFFFFFFFF;
	p2 =	slt.u32 s8, $0xFFFFF086  }
0x1c: {  	p1 =	slt.u32 s9, $0xF7A;
	s5 =	simm.s32 @!p2 $0x0  }
0x1d: {  	s5 =	simm.s32 @p1 $0x1;
	p0 =	seq.s32 s7, s2  }
0x1e: {  	s7 =	smul.u32 @!p0 $0xF7A, s2;
	p2 =	seq.s32 @!p0 s5, $0x0  }
0x1f: {  	s9 =	smul.u32 $0xF7A, s1;
	s8 =	simm.s32 @!p0 $0x1BF5;
	p2 =	por !p2, p0  }
0x20: {  	[sflag:s8] =	ssyncset.s32 @!p0 $0xFFFFF086;
	s6 =	sadd.s32 @!p0 s3, s7;
	s7 =	simm.s32 @!p0 $0x108  }
0x21: {  	s3 =	sadd.s32 s3, s9;
	s6 =	sadd.s32 @!p0 $0x88, s6;
	s7 =	simm.s32 @p2 $0x1082  }
0x22: {  	[simem:s7], [sflag:s8] =	dma.local @!p0 [hbm:s6], $0xF7A  }
0x23: {  	s9 =	sor.u32 $0xD0000000, s2;
	s6 =	simm.s32 $0x108;
	_ =	swait.ge @!p0 [sflag:s8], $0x0  }
0x24: {  	s3 =	sadd.s32 $0x88, s3;
	s6 =	simm.s32 @!p1 $0x1082;
	[sflag:s4] =	ssyncset.s32 $0xFFFFF086  }
0x25: {  	[simem:s6], [sflag:s4] =	dma.local [hbm:s3], $0xF7A  }
0x26: {  	[smem:$0x3F9A] =	sst s1;
	(tag) =	ssettag s2;
	_ =	strace s9  }
0x27: {  	s1 =	sld [smem:$0x3FAA]  }
0x28: {  	s2 =	sld [smem:$0x3FAB]  }
0x29: {  	s4 =	sld [smem:$0x3FAD]  }
0x2a: {  	p0 =	seq.s32 s5, $0x0;
	s5 =	sld [smem:$0x3FAE]  }
0x2b: {  	s6 =	sld [smem:$0x3FAF]  }
0x2c: {  	s7 =	sld [smem:$0x3FB0]  }
0x2d: {  	s3 =	simm.s32 $0x108;
	s8 =	sld [smem:$0x3FB1]  }
0x2e: {  	s3 =	simm.s32 @!p0 $0x1082;
	s9 =	sld [smem:$0x3FB2]  }
0x2f: {  	lr =	sadd.s32 s0, s3;
	s0 =	sld [smem:$0x3FA9]  }
0x30: {  	s3 =	sld [smem:$0x3FAC]  }
0x31: {  	[smem:$0x3FB5] =	sst s10  }
0x32: {  	s10 =	sld [smem:$0x3FB3];
	_ =	sdelay $0x3  }
0x33: {  	p0 =	seq.s32 s10, $0x1;
	s10 =	sld [smem:$0x3FB5];
	_ =	sdelay $0x3  }
0x34: {  	[smem:$0x3FB5] =	sst s10  }
0x35: {  	s10 =	sld [smem:$0x3FB4];
	_ =	sdelay $0x3  }
0x36: {  	p1 =	seq.s32 s10, $0x1;
	s10 =	sld [smem:$0x3FB5];
	_ =	sdelay $0x3  }
0x37: {  	[smem:$0x3FB5] =	sst s10  }
0x38: {  	s10 =	sld [smem:$0x3FB6]  }
0x39: {  	_ = 	snop;
	(pc) =	sbr.ind lr, $3  }
0x3a: {  	_ = 	snop  }
0x3b: {  	_ = 	snop  }
0x3c: {  	p2 =	seq.s32 s10, $0x1;
	s10 =	sld [smem:$0x3FB5]  }
0x3d: {  	_ =	shalt  }
0x3e: {  	_ =	shalt  }
0x3f: {  	_ =	shalt  }
0x40: {  	_ =	shalt  }
0x41: {  	_ =	shalt  }
0x42: {  	_ =	shalt  }
0x43: {  	_ =	shalt  }
0x44: {  	_ =	shalt  }
0x45: {  	_ =	shalt  }
0x46: {  	_ =	shalt  }
0x47: {  	_ =	shalt  }
0x48: {  	_ =	shalt  }
0x49: {  	_ =	shalt  }
0x4a: {  	_ =	shalt  }
0x4b: {  	_ =	shalt  }
0x4c: {  	_ =	shalt  }
0x4d: {  	_ =	shalt  }
0x4e: {  	_ =	shalt  }
0x4f: {  	_ =	shalt  }
0x50: {  	_ =	shalt  }
0x51: {  	_ =	shalt  }
0x52: {  	_ =	shalt  }
0x53: {  	_ =	shalt  }
0x54: {  	_ =	shalt  }
0x55: {  	_ =	shalt  }
0x56: {  	_ =	shalt  }
0x57: {  	_ =	shalt  }
0x58: {  	_ =	shalt  }
0x59: {  	_ =	shalt  }
0x5a: {  	_ =	shalt  }
0x5b: {  	_ =	shalt  }
0x5c: {  	_ =	shalt  }
0x5d: {  	_ =	shalt  }
0x5e: {  	_ =	shalt  }
0x5f: {  	_ =	shalt  }
0x60: {  	_ =	shalt  }
0x61: {  	_ =	shalt  }
0x62: {  	_ =	shalt  }
0x63: {  	_ =	shalt  }
0x64: {  	_ =	shalt  }
0x65: {  	_ =	shalt  }
0x66: {  	_ =	shalt  }
0x67: {  	_ =	shalt  }
0x68: {  	_ =	shalt  }
0x69: {  	_ =	shalt  }
0x6a: {  	_ =	shalt  }
0x6b: {  	_ =	shalt  }
0x6c: {  	_ =	shalt  }
0x6d: {  	_ =	shalt  }
0x6e: {  	_ =	shalt  }
0x6f: {  	_ =	shalt  }
0x70: {  	_ =	shalt  }
0x71: {  	_ =	shalt  }
0x72: {  	_ =	shalt  }
0x73: {  	_ =	shalt  }
0x74: {  	_ =	shalt  }
0x75: {  	_ =	shalt  }
0x76: {  	_ =	shalt  }
0x77: {  	_ =	shalt  }
0x78: {  	_ =	shalt  }
0x79: {  	_ =	shalt  }
0x7a: {  	_ =	shalt  }
0x7b: {  	_ =	shalt  }
0x7c: {  	_ =	shalt  }
0x7d: {  	_ =	shalt  }
0x7e: {  	_ =	shalt  }
0x7f: {  	_ =	shalt  }
0x80: {  	_ =	shalt  }
0x81: {  	_ =	shalt  }
0x82: {  	_ =	shalt  }
0x83: {  	_ =	shalt  }
0x84: {  	_ =	shalt  }
0x85: {  	_ =	shalt  }
0x86: {  	_ =	shalt  }
0x87: {  	_ =	shalt  }
.Lfunc_end0:
.L_simem_size_0:
called_computation.1_lowered:
.L_overlay_start_0:
0x88: {  	s2 =	sld [smem:$0x3FD9]  }
0x89: {  	s3 =	sld [smem:$0x3FFE];
	_ =	sdelay $0x1  }
0x8a: {  	s1 =	srdreg.scid  }
0x8b: {  	s0 =	sand.u32 $0x1, s1  }
0x8c: {  	s17 =	sshll.u32 s0, $0xA;
	s2 =	sadd.s32 s3, s2  }
0x8d: {  	s2 =	sadd.s32 s2, s17  }
0x8e: {  	[smem:$0x3FC1] =	sst s2  }
0x8f: {  	_ = 	snop  }
0x90: {  	s2 =	sld [smem:$0x3FD0];
	(tm) =	ssettm $0x1  }
0x91: {  	s18 =	sld [smem:$0x3FFB];
	_ =	sdelay $0x3  }
0x92: {  	_ =	strace s18  }
0x93: {  	s3 =	sld [smem:$0x3FFC];
	_ =	sdelay $0x3  }
0x94: {  	_ =	strace s3  }
0x95: {  	s3 =	sld [smem:$0x3FFD];
	_ =	sdelay $0x3  }
0x96: {  	_ =	strace s3  }
0x97: {  	_ =	strace $0x8FFFFFFF  }
0x98: {  	s19 =	sld [smem:$0x3FDB];
	_ =	sdelay $0x1  }
0x99: {  	s4 =	simm.s32 $_scs_section_size  }
0x9a: {  	s5 =	simm.s32 $_size__tile_overlayer_lowered;
	s6 =	simm.s32 $_tile_overlayer_lowered  }
0x9b: {  	s22 =	simm.s32 $0x1BFF;
	s21 =	sshll.u32 s6, $0x1;
	s3 =	sadd.s32 s4, s19  }
0x9c: {  	s7 =	simm.s32 $0x0;
	s20 =	sshll.u32 s5, $0x1;
	s5 =	sadd.s32 s21, s3  }
0x9d: {  	[timem:s7], [sflag:s22] =	dma.local [hbm:s5], s20  }
0x9e: {  	_ =	swait.ge [sflag:s22], s20  }
0x9f: {  	s4 =	ssub.s32 $0x0, s20;
	[sflag:s22] =	ssyncset.done $0x0  }
0xa0: {  	[sflag:s22] =	ssyncadd.s32 s4;
	_ =	sdelay $0x1  }
0xa1: {  	s23 =	simm.s32 $0x1B8B  }
0xa2: {  	_ =	swait.ge [sflag:s23], $0x1  }
0xa3: {  	[sflag:s23] =	ssyncset.done $0x0  }
0xa4: {  	s25 =	simm.s32 $0x1B8E;
	s24 =	sld [smem:$0x3FFE];
	[sflag:s23] =	ssyncadd.s32 $0xFFFFFFFF  }
0xa5: {  	s26 =	simm.s32 $execute0_lowered;
	[smem:$0x3FD2] =	sst s25  }
0xa6: {  	s5 =	sshll.u32 s26, $0x1;
	_ =	strace $0x80000049;
	[dreg:$0x1] =	wrdreg $0xFFFFFFFF  }
0xa7: {  	s28 =	simm.s32 $_size_execute0_lowered;
	s3 =	sadd.s32 s3, s5;
	[dreg:$0x0] =	wrdreg $0x0  }
0xa8: {  	s5 =	sshll.u32 s28, $0x1;
	[dreg:$0x2] =	wrdreg s3  }
0xa9: {  	[dreg:$0x3] =	wrdreg s5  }
0xaa: {  	[dreg:$0x4] =	wrdreg $0xC0  }
0xab: {  	_ =	task [dreg:s7], $0x5FFFF  }
0xac: {  	[dreg:$0x1] =	wrdreg $0xFFFFFFFF  }
0xad: {  	[dreg:$0x0] =	wrdreg $0x60  }
0xae: {  	[dreg:$0x2] =	wrdreg s24  }
0xaf: {  	[dreg:$0x3] =	wrdreg s2  }
0xb0: {  	[dreg:$0x4] =	wrdreg $0x9  }
0xb1: {  	_ =	task.clear_ibuf [dreg:s7], $0x5FFFF;
	_ =	strace $0x90000049  }
0xb2: {  	s29 =	simm.s32 $0x9;
	_ =	strace $0x8000004B  }
0xb3: {  	_ =	swait.ge [sflag:s29], $0x1  }
0xb4: {  	[sflag:s29] =	ssyncadd.s32 $0xFFFFFFFF  }
0xb5: {  	_ =	strace $0x9000004B  }
0xb6: {  	_ =	sfence  }
0xb7: {  	s30 =	sld [smem:$0x0];
	_ =	sdelay $0x2  }
0xb8: {  	s31 =	sshll.u32 s1, $0xD;
	s1 =	sshrl.u32 s1, $0x2  }
0xb9: {  	s3 =	sand.u32 $0x4000, s31;
	s1 =	sadd.s32 s1, s30  }
0xba: {  	s0 =	sor.u32 s3, s0;
	s1 =	sshll.u32 s1, $0x11  }
0xbb: {  	s0 =	sor.u32 s1, s0  }
0xbc: {  	s0 =	sadd.s32 $0x8F2B, s0  }
0xbd: {  	[sflag:s0] =	ssyncadd.remote.s32 $0x1  }
0xbe: {  	_ =	sfence.sel $0xFFFF  }
0xbf: {  	[dreg:$0x0] =	wrdreg $0xFFFFFFFF;
	(pc) =	sbr.abs _section_cstart, $3  }
0xc0: {  	[dreg:$0x1] =	wrdreg $0xFFFFFFFF  }
0xc1: {  	_ =	task.clear_ibuf [dreg:s7], $0x2FFFF;
	_ =	strace $0x9FFFFFFF  }
0xc2: {  	(tm) =	ssettm $0x7FFFFFFF  }
0xc3: {  	_ =	shalt  }
tec
execute0_lowered:
.L_overlay_start_1:
0x0: {  	(tag) =	ssettag $0x1  }
0x1: {  	s0 =	rddreg [dreg:$0x0]  }
0x2: {  	s1 =	rddreg [dreg:$0x1];
	s3 =	srdreg.scid  }
0x3: {  	s5 =	stileid.u32;
	s2 =	simm.s32 $0x0;
	s18 =	simm.s32 $0x1  }
0x4: {  	s4 =	sand.u32 $0x1, s3;
	s23 =	sshll.u32 s5, $0x1;
	s3 =	sadd.s32 $0x349A00, s0  }
0x5: {  	[smem:$0x7FF] =	sst s2;
	s6 =	sadd.s32 $0x349800, s0;
	s25 =	sadd.s32 $0x1200, s0  }
0x6: {  	s7 =	sadd.s32 $0xA00, s0;
	_ =	strace $0x8000004A;
	[dreg:$0x3] =	wrdreg s6  }
0x7: {  	s31 =	sadd.s32 $0xE00, s0;
	s8 =	sor.u32 s4, s23;
	[dreg:$0x4] =	wrdreg s7  }
0x8: {  	s4 =	ssub.s32 $0x2, s4;
	s6 =	sadd.s32 $0x349D00, s0;
	[dreg:$0xa] =	wrdreg s31  }
0x9: {  	s24 =	sshll.u32 s8, $0x5;
	s26 =	sshll.u32 s8, $0xE;
	s9 =	sshrl.u32 s4, $0x1  }
0xa: {  	p0 =	sne.s32 s8, $0x0;
	s8 =	simm.s32 $0x2;
	s28 =	sadd.s32 s1, s26  }
0xb: {  	s5 =	sadd.s32 s24, s0;
	s29 =	sadd.s32 s25, s26;
	[dreg:$0x6] =	wrdreg s28  }
0xc: {  	s7 =	sor.u32 $0x2000, s26;
	s5 =	sadd.s32 $0x600, s5;
	[dreg:$0x7] =	wrdreg s29  }
0xd: {  	v2 =	vlaneseq.u32;
	s9 =	ssub.s32 s4, s9;
	s1 =	sadd.s32 s1, s7;
	[dreg:$0x5] =	wrdreg s5  }
0xe: {  	vm0 =	vmmov $0xffff;
	v1 =	vshrl.u32 v2, $0x3;
	v0 =	vand.u32 $0x7, v2;
	s4 =	sadd.s32 $0x349B00, s0;
	s30 =	sadd.s32 s25, s7;
	[dreg:$0x8] =	wrdreg s1  }
0xf: {  	v2 =	vor.u32 $0x8, v2;
	v1 =	vmul.u32 $0x8, v1;
	vm1 =	vmmov @!p0 $0xffff;
	s7 =	smax.u32 s9, $0x1;
	[dreg:$0x9] =	wrdreg s30;
	s5 =	sadd.s32 $0x349C00, s0  }
.LBB2_1:
0x10: {  	s19 =	rddreg [dreg:$0x5]  }
0x11: {  	[tilespmem:s2], [sflag:$0x2] =	stream.linear.gather [hbm4b:s19+s2], $0x100, $0x38;
	[tilespmem:$0x10200] =	vst v63  }
0x12: {  	_ =	swait.ge [sflag:s8], $0x100  }
0x13: {  	[sflag:s8] =	ssyncset.done $0x0  }
0x14: {  	[sflag:s8] =	ssyncadd.s32 $0xFFFFFF00  }
0x15: {  	v3 =	vld [tilespmem:$0x0];
	_ =	sdelay $0x4  }
0x16: {  	v4 =	vshll.u32 v3, $0x3  }
0x17: {  	v3 =	vand.u32 $0x7, v3;
	v4 =	vand.u32 $0xFFFFFFC0, v4  }
0x18: {  	v3 =	vor.u32 v3, v4  }
0x19: {  	v4 =	vperm.xlane v3, v0;
	_ =	sdelay $0x1  }
0x1a: {  	v4 =	vadd.s32 v1, v4;
	_ =	sdelay $0x3  }
0x1b: {  	s22 =	simm.s32 $0x200  }
0x1c: {  	[tilespmem:s22], [sflag:$0x1] =	stream.indirect_vreg.gather [hbm4b:s3+s2], $0x80, v4, vm0, $0xb8;
	[tilespmem:$0x10200] =	vst v63  }
0x1d: {  	s0 =	simm.s32 $0xA00;
	v3 =	vperm.xlane v3, v2  }
0x1e: {  	[tilespmem:s0], [sflag:$0x1] =	stream.indirect_vreg.gather [hbm4b:s4+s2], $0x80, v4, vm0, $0xb8;
	[tilespmem:$0x10200] =	vst v63  }
0x1f: {  	s20 =	simm.s32 $0x1200;
	v3 =	vadd.s32 v1, v3  }
0x20: {  	[tilespmem:s20], [sflag:$0x1] =	stream.indirect_vreg.gather [hbm4b:s5+s2], $0x80, v4, vm0, $0xb8;
	[tilespmem:$0x10200] =	vst v63  }
0x21: {  	s21 =	simm.s32 $0x1A00  }
0x22: {  	[tilespmem:s21], [sflag:$0x1] =	stream.indirect_vreg.gather [hbm4b:s6+s2], $0x80, v4, vm0, $0xb8;
	[tilespmem:$0x10200] =	vst v63  }
0x23: {  	s23 =	simm.s32 $0x2200  }
0x24: {  	[tilespmem:s23], [sflag:$0x1] =	stream.indirect_vreg.gather [hbm4b:s3+s2], $0x80, v3, vm0, $0xb8;
	[tilespmem:$0x10200] =	vst v63  }
0x25: {  	s24 =	simm.s32 $0x2A00  }
0x26: {  	[tilespmem:s24], [sflag:$0x1] =	stream.indirect_vreg.gather [hbm4b:s4+s2], $0x80, v3, vm0, $0xb8;
	[tilespmem:$0x10200] =	vst v63  }
0x27: {  	s25 =	simm.s32 $0x3200  }
0x28: {  	[tilespmem:s25], [sflag:$0x1] =	stream.indirect_vreg.gather [hbm4b:s5+s2], $0x80, v3, vm0, $0xb8;
	[tilespmem:$0x10200] =	vst v63  }
0x29: {  	s26 =	simm.s32 $0x3A00  }
0x2a: {  	[tilespmem:s26], [sflag:$0x1] =	stream.indirect_vreg.gather [hbm4b:s6+s2], $0x80, v3, vm0, $0xb8;
	[tilespmem:$0x10200] =	vst v63  }
0x2b: {  	v3 =	vld [tilespmem:$0x10];
	_ =	sdelay $0x4  }
0x2c: {  	v49 =	vshll.u32 v3, $0x3  }
0x2d: {  	v3 =	vand.u32 $0x7, v3;
	v4 =	vand.u32 $0xFFFFFFC0, v49  }
0x2e: {  	v3 =	vor.u32 v3, v4  }
0x2f: {  	v4 =	vperm.xlane v3, v0;
	_ =	sdelay $0x1  }
0x30: {  	v4 =	vadd.s32 v1, v4;
	_ =	sdelay $0x3  }
0x31: {  	s28 =	simm.s32 $0x4200  }
0x32: {  	[tilespmem:s28], [sflag:$0x1] =	stream.indirect_vreg.gather [hbm4b:s3+s2], $0x80, v4, vm0, $0xb8;
	[tilespmem:$0x10200] =	vst v63  }
0x33: {  	s29 =	simm.s32 $0x4A00;
	v3 =	vperm.xlane v3, v2  }
0x34: {  	[tilespmem:s29], [sflag:$0x1] =	stream.indirect_vreg.gather [hbm4b:s4+s2], $0x80, v4, vm0, $0xb8;
	[tilespmem:$0x10200] =	vst v63  }
0x35: {  	s30 =	simm.s32 $0x5200;
	v3 =	vadd.s32 v1, v3  }
0x36: {  	[tilespmem:s30], [sflag:$0x1] =	stream.indirect_vreg.gather [hbm4b:s5+s2], $0x80, v4, vm0, $0xb8;
	[tilespmem:$0x10200] =	vst v63  }
0x37: {  	s31 =	simm.s32 $0x5A00  }
0x38: {  	[tilespmem:s31], [sflag:$0x1] =	stream.indirect_vreg.gather [hbm4b:s6+s2], $0x80, v4, vm0, $0xb8;
	[tilespmem:$0x10200] =	vst v63  }
0x39: {  	s1 =	simm.s32 $0x6200  }
0x3a: {  	[tilespmem:s1], [sflag:$0x1] =	stream.indirect_vreg.gather [hbm4b:s3+s2], $0x80, v3, vm0, $0xb8;
	[tilespmem:$0x10200] =	vst v63  }
0x3b: {  	s9 =	simm.s32 $0x6A00  }
0x3c: {  	[tilespmem:s9], [sflag:$0x1] =	stream.indirect_vreg.gather [hbm4b:s4+s2], $0x80, v3, vm0, $0xb8;
	[tilespmem:$0x10200] =	vst v63  }
0x3d: {  	s1 =	simm.s32 $0x7200  }
0x3e: {  	[tilespmem:s1], [sflag:$0x1] =	stream.indirect_vreg.gather [hbm4b:s5+s2], $0x80, v3, vm0, $0xb8;
	[tilespmem:$0x10200] =	vst v63  }
0x3f: {  	s19 =	simm.s32 $0x7A00  }
0x40: {  	[tilespmem:s19], [sflag:$0x1] =	stream.indirect_vreg.gather [hbm4b:s6+s2], $0x80, v3, vm0, $0xb8;
	[tilespmem:$0x10200] =	vst v63  }
0x41: {  	v3 =	vld [tilespmem:$0x20];
	_ =	sdelay $0x4  }
0x42: {  	v50 =	vshll.u32 v3, $0x3  }
0x43: {  	v3 =	vand.u32 $0x7, v3;
	v4 =	vand.u32 $0xFFFFFFC0, v50  }
0x44: {  	v3 =	vor.u32 v3, v4  }
0x45: {  	v4 =	vperm.xlane v3, v0;
	_ =	sdelay $0x1  }
0x46: {  	v4 =	vadd.s32 v1, v4;
	_ =	sdelay $0x3  }
0x47: {  	s20 =	simm.s32 $0x8200  }
0x48: {  	[tilespmem:s20], [sflag:$0x1] =	stream.indirect_vreg.gather [hbm4b:s3+s2], $0x80, v4, vm0, $0xb8;
	[tilespmem:$0x10200] =	vst v63  }
0x49: {  	s21 =	simm.s32 $0x8A00;
	v3 =	vperm.xlane v3, v2  }
0x4a: {  	[tilespmem:s21], [sflag:$0x1] =	stream.indirect_vreg.gather [hbm4b:s4+s2], $0x80, v4, vm0, $0xb8;
	[tilespmem:$0x10200] =	vst v63  }
0x4b: {  	s23 =	simm.s32 $0x9200;
	v3 =	vadd.s32 v1, v3  }
0x4c: {  	[tilespmem:s23], [sflag:$0x1] =	stream.indirect_vreg.gather [hbm4b:s5+s2], $0x80, v4, vm0, $0xb8;
	[tilespmem:$0x10200] =	vst v63  }
0x4d: {  	s24 =	simm.s32 $0x9A00  }
0x4e: {  	[tilespmem:s24], [sflag:$0x1] =	stream.indirect_vreg.gather [hbm4b:s6+s2], $0x80, v4, vm0, $0xb8;
	[tilespmem:$0x10200] =	vst v63  }
0x4f: {  	s25 =	simm.s32 $0xA200  }
0x50: {  	[tilespmem:s25], [sflag:$0x1] =	stream.indirect_vreg.gather [hbm4b:s3+s2], $0x80, v3, vm0, $0xb8;
	[tilespmem:$0x10200] =	vst v63  }
0x51: {  	s26 =	simm.s32 $0xAA00  }
0x52: {  	[tilespmem:s26], [sflag:$0x1] =	stream.indirect_vreg.gather [hbm4b:s4+s2], $0x80, v3, vm0, $0xb8;
	[tilespmem:$0x10200] =	vst v63  }
0x53: {  	s28 =	simm.s32 $0xB200  }
0x54: {  	[tilespmem:s28], [sflag:$0x1] =	stream.indirect_vreg.gather [hbm4b:s5+s2], $0x80, v3, vm0, $0xb8;
	[tilespmem:$0x10200] =	vst v63  }
0x55: {  	s29 =	simm.s32 $0xBA00  }
0x56: {  	[tilespmem:s29], [sflag:$0x1] =	stream.indirect_vreg.gather [hbm4b:s6+s2], $0x80, v3, vm0, $0xb8;
	[tilespmem:$0x10200] =	vst v63  }
0x57: {  	v3 =	vld [tilespmem:$0x30];
	_ =	sdelay $0x4  }
0x58: {  	v51 =	vshll.u32 v3, $0x3  }
0x59: {  	v3 =	vand.u32 $0x7, v3;
	v4 =	vand.u32 $0xFFFFFFC0, v51  }
0x5a: {  	v3 =	vor.u32 v3, v4  }
0x5b: {  	v4 =	vperm.xlane v3, v0;
	_ =	sdelay $0x1  }
0x5c: {  	v4 =	vadd.s32 v1, v4;
	_ =	sdelay $0x3  }
0x5d: {  	s31 =	simm.s32 $0xC200  }
0x5e: {  	[tilespmem:s31], [sflag:$0x1] =	stream.indirect_vreg.gather [hbm4b:s3+s2], $0x80, v4, vm0, $0xb8;
	[tilespmem:$0x10200] =	vst v63  }
0x5f: {  	s0 =	simm.s32 $0xCA00;
	v3 =	vperm.xlane v3, v2  }
0x60: {  	[tilespmem:s0], [sflag:$0x1] =	stream.indirect_vreg.gather [hbm4b:s4+s2], $0x80, v4, vm0, $0xb8;
	[tilespmem:$0x10200] =	vst v63  }
0x61: {  	s1 =	simm.s32 $0xD200;
	v3 =	vadd.s32 v1, v3  }
0x62: {  	[tilespmem:s1], [sflag:$0x1] =	stream.indirect_vreg.gather [hbm4b:s5+s2], $0x80, v4, vm0, $0xb8;
	[tilespmem:$0x10200] =	vst v63  }
0x63: {  	s9 =	simm.s32 $0xDA00  }
0x64: {  	[tilespmem:s9], [sflag:$0x1] =	stream.indirect_vreg.gather [hbm4b:s6+s2], $0x80, v4, vm0, $0xb8;
	[tilespmem:$0x10200] =	vst v63  }
0x65: {  	s20 =	simm.s32 $0xE200  }
0x66: {  	[tilespmem:s20], [sflag:$0x1] =	stream.indirect_vreg.gather [hbm4b:s3+s2], $0x80, v3, vm0, $0xb8;
	[tilespmem:$0x10200] =	vst v63  }
0x67: {  	s21 =	simm.s32 $0xEA00  }
0x68: {  	[tilespmem:s21], [sflag:$0x1] =	stream.indirect_vreg.gather [hbm4b:s4+s2], $0x80, v3, vm0, $0xb8;
	[tilespmem:$0x10200] =	vst v63  }
0x69: {  	s25 =	simm.s32 $0xF200  }
0x6a: {  	[tilespmem:s25], [sflag:$0x1] =	stream.indirect_vreg.gather [hbm4b:s5+s2], $0x80, v3, vm0, $0xb8;
	[tilespmem:$0x10200] =	vst v63  }
0x6b: {  	s28 =	simm.s32 $0xFA00  }
0x6c: {  	[tilespmem:s28], [sflag:$0x1] =	stream.indirect_vreg.gather [hbm4b:s6+s2], $0x80, v3, vm0, $0xb8;
	[tilespmem:$0x10200] =	vst v63  }
0x6d: {  	_ =	swait.ge [sflag:s18], $0x10000  }
0x6e: {  	[sflag:s18] =	ssyncset.done $0x0  }
0x6f: {  	s29 =	rddreg [dreg:$0x6];
	[sflag:s18] =	ssyncadd.s32 $0xFFFF0000  }
0x70: {  	[hbm4b:s29+s2] =	stream.linear.scatter [tilespmem:s22], [sflag:$0x2], $0x10000, $0x38;
	[tilespmem:$0x10200] =	vst v63  }
0x71: {  	_ =	swait.ge [sflag:s8], $0x10000  }
0x72: {  	[sflag:s8] =	ssyncset.done $0x0  }
0x73: {  	[sflag:s8] =	ssyncadd.s32 $0xFFFF0000  }
0x74: {  	v3 =	vld [tilespmem:$0x80];
	_ =	sdelay $0x4  }
0x75: {  	v52 =	vshll.u32 v3, $0x3  }
0x76: {  	v3 =	vand.u32 $0x7, v3;
	v4 =	vand.u32 $0xFFFFFFC0, v52  }
0x77: {  	v3 =	vor.u32 v3, v4  }
0x78: {  	v4 =	vperm.xlane v3, v0;
	_ =	sdelay $0x1  }
0x79: {  	v4 =	vadd.s32 v1, v4;
	_ =	sdelay $0x4  }
0x7a: {  	[tilespmem:s22], [sflag:$0x1] =	stream.indirect_vreg.gather [hbm4b:s3+s2], $0x80, v4, vm0, $0xb8;
	[tilespmem:$0x10200] =	vst v63  }
0x7b: {  	s14 =	simm.s32 $0xA00;
	v3 =	vperm.xlane v3, v2  }
0x7c: {  	[tilespmem:s14], [sflag:$0x1] =	stream.indirect_vreg.gather [hbm4b:s4+s2], $0x80, v4, vm0, $0xb8;
	[tilespmem:$0x10200] =	vst v63  }
0x7d: {  	s10 =	simm.s32 $0x1200;
	v3 =	vadd.s32 v1, v3  }
0x7e: {  	[tilespmem:s10], [sflag:$0x1] =	stream.indirect_vreg.gather [hbm4b:s5+s2], $0x80, v4, vm0, $0xb8;
	[tilespmem:$0x10200] =	vst v63  }
0x7f: {  	s11 =	simm.s32 $0x1A00  }
0x80: {  	[tilespmem:s11], [sflag:$0x1] =	stream.indirect_vreg.gather [hbm4b:s6+s2], $0x80, v4, vm0, $0xb8;
	[tilespmem:$0x10200] =	vst v63  }
0x81: {  	s12 =	simm.s32 $0x2200  }
0x82: {  	[tilespmem:s12], [sflag:$0x1] =	stream.indirect_vreg.gather [hbm4b:s3+s2], $0x80, v3, vm0, $0xb8;
	[tilespmem:$0x10200] =	vst v63  }
0x83: {  	s1 =	simm.s32 $0x2A00  }
0x84: {  	[tilespmem:s1], [sflag:$0x1] =	stream.indirect_vreg.gather [hbm4b:s4+s2], $0x80, v3, vm0, $0xb8;
	[tilespmem:$0x10200] =	vst v63  }
0x85: {  	s14 =	simm.s32 $0x3200  }
0x86: {  	[tilespmem:s14], [sflag:$0x1] =	stream.indirect_vreg.gather [hbm4b:s5+s2], $0x80, v3, vm0, $0xb8;
	[tilespmem:$0x10200] =	vst v63  }
0x87: {  	s17 =	simm.s32 $0x3A00  }
0x88: {  	[tilespmem:s17], [sflag:$0x1] =	stream.indirect_vreg.gather [hbm4b:s6+s2], $0x80, v3, vm0, $0xb8;
	[tilespmem:$0x10200] =	vst v63  }
0x89: {  	v3 =	vld [tilespmem:$0x90];
	_ =	sdelay $0x4  }
0x8a: {  	v53 =	vshll.u32 v3, $0x3  }
0x8b: {  	v3 =	vand.u32 $0x7, v3;
	v4 =	vand.u32 $0xFFFFFFC0, v53  }
0x8c: {  	v3 =	vor.u32 v3, v4  }
0x8d: {  	v4 =	vperm.xlane v3, v0;
	_ =	sdelay $0x1  }
0x8e: {  	v4 =	vadd.s32 v1, v4;
	_ =	sdelay $0x3  }
0x8f: {  	s20 =	simm.s32 $0x4200  }
0x90: {  	[tilespmem:s20], [sflag:$0x1] =	stream.indirect_vreg.gather [hbm4b:s3+s2], $0x80, v4, vm0, $0xb8;
	[tilespmem:$0x10200] =	vst v63  }
0x91: {  	s21 =	simm.s32 $0x4A00;
	v3 =	vperm.xlane v3, v2  }
0x92: {  	[tilespmem:s21], [sflag:$0x1] =	stream.indirect_vreg.gather [hbm4b:s4+s2], $0x80, v4, vm0, $0xb8;
	[tilespmem:$0x10200] =	vst v63  }
0x93: {  	s15 =	simm.s32 $0x5200;
	v3 =	vadd.s32 v1, v3  }
0x94: {  	[tilespmem:s15], [sflag:$0x1] =	stream.indirect_vreg.gather [hbm4b:s5+s2], $0x80, v4, vm0, $0xb8;
	[tilespmem:$0x10200] =	vst v63  }
0x95: {  	s16 =	simm.s32 $0x5A00  }
0x96: {  	[tilespmem:s16], [sflag:$0x1] =	stream.indirect_vreg.gather [hbm4b:s6+s2], $0x80, v4, vm0, $0xb8;
	[tilespmem:$0x10200] =	vst v63  }
0x97: {  	s13 =	simm.s32 $0x6200  }
0x98: {  	[tilespmem:s13], [sflag:$0x1] =	stream.indirect_vreg.gather [hbm4b:s3+s2], $0x80, v3, vm0, $0xb8;
	[tilespmem:$0x10200] =	vst v63  }
0x99: {  	s0 =	simm.s32 $0x6A00  }
0x9a: {  	[tilespmem:s0], [sflag:$0x1] =	stream.indirect_vreg.gather [hbm4b:s4+s2], $0x80, v3, vm0, $0xb8;
	[tilespmem:$0x10200] =	vst v63  }
0x9b: {  	s13 =	simm.s32 $0x7200  }
0x9c: {  	[tilespmem:s13], [sflag:$0x1] =	stream.indirect_vreg.gather [hbm4b:s5+s2], $0x80, v3, vm0, $0xb8;
	[tilespmem:$0x10200] =	vst v63  }
0x9d: {  	s15 =	simm.s32 $0x7A00  }
0x9e: {  	[tilespmem:s15], [sflag:$0x1] =	stream.indirect_vreg.gather [hbm4b:s6+s2], $0x80, v3, vm0, $0xb8;
	[tilespmem:$0x10200] =	vst v63  }
0x9f: {  	v3 =	vld [tilespmem:$0xA0];
	_ =	sdelay $0x4  }
0xa0: {  	v54 =	vshll.u32 v3, $0x3  }
0xa1: {  	v3 =	vand.u32 $0x7, v3;
	v4 =	vand.u32 $0xFFFFFFC0, v54  }
0xa2: {  	v3 =	vor.u32 v3, v4  }
0xa3: {  	v4 =	vperm.xlane v3, v0;
	_ =	sdelay $0x1  }
0xa4: {  	v4 =	vadd.s32 v1, v4;
	_ =	sdelay $0x3  }
0xa5: {  	s16 =	simm.s32 $0x8200  }
0xa6: {  	[tilespmem:s16], [sflag:$0x1] =	stream.indirect_vreg.gather [hbm4b:s3+s2], $0x80, v4, vm0, $0xb8;
	[tilespmem:$0x10200] =	vst v63  }
0xa7: {  	s17 =	simm.s32 $0x8A00;
	v3 =	vperm.xlane v3, v2  }
0xa8: {  	[tilespmem:s17], [sflag:$0x1] =	stream.indirect_vreg.gather [hbm4b:s4+s2], $0x80, v4, vm0, $0xb8;
	[tilespmem:$0x10200] =	vst v63  }
0xa9: {  	s9 =	simm.s32 $0x9200;
	v3 =	vadd.s32 v1, v3  }
0xaa: {  	[tilespmem:s9], [sflag:$0x1] =	stream.indirect_vreg.gather [hbm4b:s5+s2], $0x80, v4, vm0, $0xb8;
	[tilespmem:$0x10200] =	vst v63  }
0xab: {  	s10 =	simm.s32 $0x9A00  }
0xac: {  	[tilespmem:s10], [sflag:$0x1] =	stream.indirect_vreg.gather [hbm4b:s6+s2], $0x80, v4, vm0, $0xb8;
	[tilespmem:$0x10200] =	vst v63  }
0xad: {  	s11 =	simm.s32 $0xA200  }
0xae: {  	[tilespmem:s11], [sflag:$0x1] =	stream.indirect_vreg.gather [hbm4b:s3+s2], $0x80, v3, vm0, $0xb8;
	[tilespmem:$0x10200] =	vst v63  }
0xaf: {  	s12 =	simm.s32 $0xAA00  }
0xb0: {  	[tilespmem:s12], [sflag:$0x1] =	stream.indirect_vreg.gather [hbm4b:s4+s2], $0x80, v3, vm0, $0xb8;
	[tilespmem:$0x10200] =	vst v63  }
0xb1: {  	s30 =	simm.s32 $0xB200  }
0xb2: {  	[tilespmem:s30], [sflag:$0x1] =	stream.indirect_vreg.gather [hbm4b:s5+s2], $0x80, v3, vm0, $0xb8;
	[tilespmem:$0x10200] =	vst v63  }
0xb3: {  	s23 =	simm.s32 $0xBA00  }
0xb4: {  	[tilespmem:s23], [sflag:$0x1] =	stream.indirect_vreg.gather [hbm4b:s6+s2], $0x80, v3, vm0, $0xb8;
	[tilespmem:$0x10200] =	vst v63  }
0xb5: {  	v3 =	vld [tilespmem:$0xB0];
	_ =	sdelay $0x4  }
0xb6: {  	v55 =	vshll.u32 v3, $0x3  }
0xb7: {  	v3 =	vand.u32 $0x7, v3;
	v4 =	vand.u32 $0xFFFFFFC0, v55  }
0xb8: {  	v3 =	vor.u32 v3, v4  }
0xb9: {  	v4 =	vperm.xlane v3, v0;
	_ =	sdelay $0x1  }
0xba: {  	v4 =	vadd.s32 v1, v4;
	_ =	sdelay $0x3  }
0xbb: {  	s24 =	simm.s32 $0xC200  }
0xbc: {  	[tilespmem:s24], [sflag:$0x1] =	stream.indirect_vreg.gather [hbm4b:s3+s2], $0x80, v4, vm0, $0xb8;
	[tilespmem:$0x10200] =	vst v63  }
0xbd: {  	s26 =	simm.s32 $0xCA00;
	v3 =	vperm.xlane v3, v2  }
0xbe: {  	[tilespmem:s26], [sflag:$0x1] =	stream.indirect_vreg.gather [hbm4b:s4+s2], $0x80, v4, vm0, $0xb8;
	[tilespmem:$0x10200] =	vst v63  }
0xbf: {  	s31 =	simm.s32 $0xD200;
	v3 =	vadd.s32 v1, v3  }
0xc0: {  	[tilespmem:s31], [sflag:$0x1] =	stream.indirect_vreg.gather [hbm4b:s5+s2], $0x80, v4, vm0, $0xb8;
	[tilespmem:$0x10200] =	vst v63  }
0xc1: {  	s31 =	simm.s32 $0xDA00  }
0xc2: {  	[tilespmem:s31], [sflag:$0x1] =	stream.indirect_vreg.gather [hbm4b:s6+s2], $0x80, v4, vm0, $0xb8;
	[tilespmem:$0x10200] =	vst v63  }
0xc3: {  	s23 =	simm.s32 $0xE200  }
0xc4: {  	[tilespmem:s23], [sflag:$0x1] =	stream.indirect_vreg.gather [hbm4b:s3+s2], $0x80, v3, vm0, $0xb8;
	[tilespmem:$0x10200] =	vst v63  }
0xc5: {  	s24 =	simm.s32 $0xEA00  }
0xc6: {  	[tilespmem:s24], [sflag:$0x1] =	stream.indirect_vreg.gather [hbm4b:s4+s2], $0x80, v3, vm0, $0xb8;
	[tilespmem:$0x10200] =	vst v63  }
0xc7: {  	s31 =	simm.s32 $0xF200  }
0xc8: {  	[tilespmem:s31], [sflag:$0x1] =	stream.indirect_vreg.gather [hbm4b:s5+s2], $0x80, v3, vm0, $0xb8;
	[tilespmem:$0x10200] =	vst v63  }
0xc9: {  	s25 =	simm.s32 $0xFA00  }
0xca: {  	[tilespmem:s25], [sflag:$0x1] =	stream.indirect_vreg.gather [hbm4b:s6+s2], $0x80, v3, vm0, $0xb8;
	[tilespmem:$0x10200] =	vst v63  }
0xcb: {  	_ =	swait.ge [sflag:s18], $0x10000  }
0xcc: {  	[sflag:s18] =	ssyncset.done $0x0  }
0xcd: {  	s25 =	rddreg [dreg:$0x7];
	[sflag:s18] =	ssyncadd.s32 $0xFFFF0000  }
0xce: {  	[hbm4b:s25+s2] =	stream.linear.scatter [tilespmem:s22], [sflag:$0x2], $0x10000, $0x38;
	[tilespmem:$0x10200] =	vst v63  }
0xcf: {  	_ =	swait.ge [sflag:s8], $0x10000  }
0xd0: {  	[sflag:s8] =	ssyncset.done $0x0  }
0xd1: {  	[sflag:s8] =	ssyncadd.s32 $0xFFFF0000  }
0xd2: {  	v3 =	vld [tilespmem:$0x40];
	_ =	sdelay $0x4  }
0xd3: {  	v56 =	vshll.u32 v3, $0x3  }
0xd4: {  	v3 =	vand.u32 $0x7, v3;
	v4 =	vand.u32 $0xFFFFFFC0, v56  }
0xd5: {  	v3 =	vor.u32 v3, v4  }
0xd6: {  	v4 =	vperm.xlane v3, v0;
	_ =	sdelay $0x1  }
0xd7: {  	v4 =	vadd.s32 v1, v4;
	_ =	sdelay $0x4  }
0xd8: {  	[tilespmem:s22], [sflag:$0x1] =	stream.indirect_vreg.gather [hbm4b:s3+s2], $0x80, v4, vm0, $0xb8;
	[tilespmem:$0x10200] =	vst v63  }
0xd9: {  	s25 =	simm.s32 $0xA00;
	v3 =	vperm.xlane v3, v2  }
0xda: {  	[tilespmem:s25], [sflag:$0x1] =	stream.indirect_vreg.gather [hbm4b:s4+s2], $0x80, v4, vm0, $0xb8;
	[tilespmem:$0x10200] =	vst v63  }
0xdb: {  	s28 =	simm.s32 $0x1200;
	v3 =	vadd.s32 v1, v3  }
0xdc: {  	[tilespmem:s28], [sflag:$0x1] =	stream.indirect_vreg.gather [hbm4b:s5+s2], $0x80, v4, vm0, $0xb8;
	[tilespmem:$0x10200] =	vst v63  }
0xdd: {  	s25 =	simm.s32 $0x1A00  }
0xde: {  	[tilespmem:s25], [sflag:$0x1] =	stream.indirect_vreg.gather [hbm4b:s6+s2], $0x80, v4, vm0, $0xb8;
	[tilespmem:$0x10200] =	vst v63  }
0xdf: {  	s28 =	simm.s32 $0x2200  }
0xe0: {  	[tilespmem:s28], [sflag:$0x1] =	stream.indirect_vreg.gather [hbm4b:s3+s2], $0x80, v3, vm0, $0xb8;
	[tilespmem:$0x10200] =	vst v63  }
0xe1: {  	_ = 	snop  }
0xe2: {  	[tilespmem:s1], [sflag:$0x1] =	stream.indirect_vreg.gather [hbm4b:s4+s2], $0x80, v3, vm0, $0xb8;
	[tilespmem:$0x10200] =	vst v63  }
0xe3: {  	_ = 	snop  }
0xe4: {  	[tilespmem:s14], [sflag:$0x1] =	stream.indirect_vreg.gather [hbm4b:s5+s2], $0x80, v3, vm0, $0xb8;
	[tilespmem:$0x10200] =	vst v63  }
0xe5: {  	s25 =	simm.s32 $0x3A00  }
0xe6: {  	[tilespmem:s25], [sflag:$0x1] =	stream.indirect_vreg.gather [hbm4b:s6+s2], $0x80, v3, vm0, $0xb8;
	[tilespmem:$0x10200] =	vst v63  }
0xe7: {  	v3 =	vld [tilespmem:$0x50];
	_ =	sdelay $0x4  }
0xe8: {  	v57 =	vshll.u32 v3, $0x3  }
0xe9: {  	v3 =	vand.u32 $0x7, v3;
	v4 =	vand.u32 $0xFFFFFFC0, v57  }
0xea: {  	v3 =	vor.u32 v3, v4  }
0xeb: {  	v4 =	vperm.xlane v3, v0;
	_ =	sdelay $0x1  }
0xec: {  	v4 =	vadd.s32 v1, v4;
	_ =	sdelay $0x4  }
0xed: {  	[tilespmem:s20], [sflag:$0x1] =	stream.indirect_vreg.gather [hbm4b:s3+s2], $0x80, v4, vm0, $0xb8;
	[tilespmem:$0x10200] =	vst v63  }
0xee: {  	v3 =	vperm.xlane v3, v2  }
0xef: {  	[tilespmem:s21], [sflag:$0x1] =	stream.indirect_vreg.gather [hbm4b:s4+s2], $0x80, v4, vm0, $0xb8;
	[tilespmem:$0x10200] =	vst v63  }
0xf0: {  	s19 =	simm.s32 $0x5200;
	v3 =	vadd.s32 v1, v3  }
0xf1: {  	[tilespmem:s19], [sflag:$0x1] =	stream.indirect_vreg.gather [hbm4b:s5+s2], $0x80, v4, vm0, $0xb8;
	[tilespmem:$0x10200] =	vst v63  }
0xf2: {  	s25 =	simm.s32 $0x5A00  }
0xf3: {  	[tilespmem:s25], [sflag:$0x1] =	stream.indirect_vreg.gather [hbm4b:s6+s2], $0x80, v4, vm0, $0xb8;
	[tilespmem:$0x10200] =	vst v63  }
0xf4: {  	s29 =	simm.s32 $0x6200  }
0xf5: {  	[tilespmem:s29], [sflag:$0x1] =	stream.indirect_vreg.gather [hbm4b:s3+s2], $0x80, v3, vm0, $0xb8;
	[tilespmem:$0x10200] =	vst v63  }
0xf6: {  	_ = 	snop  }
0xf7: {  	[tilespmem:s0], [sflag:$0x1] =	stream.indirect_vreg.gather [hbm4b:s4+s2], $0x80, v3, vm0, $0xb8;
	[tilespmem:$0x10200] =	vst v63  }
0xf8: {  	_ = 	snop  }
0xf9: {  	[tilespmem:s13], [sflag:$0x1] =	stream.indirect_vreg.gather [hbm4b:s5+s2], $0x80, v3, vm0, $0xb8;
	[tilespmem:$0x10200] =	vst v63  }
0xfa: {  	_ = 	snop  }
0xfb: {  	[tilespmem:s15], [sflag:$0x1] =	stream.indirect_vreg.gather [hbm4b:s6+s2], $0x80, v3, vm0, $0xb8;
	[tilespmem:$0x10200] =	vst v63  }
0xfc: {  	v3 =	vld [tilespmem:$0x60];
	_ =	sdelay $0x4  }
0xfd: {  	v58 =	vshll.u32 v3, $0x3  }
0xfe: {  	v3 =	vand.u32 $0x7, v3;
	v4 =	vand.u32 $0xFFFFFFC0, v58  }
0xff: {  	v3 =	vor.u32 v3, v4  }
0x100: {  	v4 =	vperm.xlane v3, v0;
	_ =	sdelay $0x1  }
0x101: {  	v4 =	vadd.s32 v1, v4;
	_ =	sdelay $0x4  }
0x102: {  	[tilespmem:s16], [sflag:$0x1] =	stream.indirect_vreg.gather [hbm4b:s3+s2], $0x80, v4, vm0, $0xb8;
	[tilespmem:$0x10200] =	vst v63  }
0x103: {  	v3 =	vperm.xlane v3, v2  }
0x104: {  	[tilespmem:s17], [sflag:$0x1] =	stream.indirect_vreg.gather [hbm4b:s4+s2], $0x80, v4, vm0, $0xb8;
	[tilespmem:$0x10200] =	vst v63  }
0x105: {  	v3 =	vadd.s32 v1, v3  }
0x106: {  	[tilespmem:s9], [sflag:$0x1] =	stream.indirect_vreg.gather [hbm4b:s5+s2], $0x80, v4, vm0, $0xb8;
	[tilespmem:$0x10200] =	vst v63  }
0x107: {  	_ = 	snop  }
0x108: {  	[tilespmem:s10], [sflag:$0x1] =	stream.indirect_vreg.gather [hbm4b:s6+s2], $0x80, v4, vm0, $0xb8;
	[tilespmem:$0x10200] =	vst v63  }
0x109: {  	_ = 	snop  }
0x10a: {  	[tilespmem:s11], [sflag:$0x1] =	stream.indirect_vreg.gather [hbm4b:s3+s2], $0x80, v3, vm0, $0xb8;
	[tilespmem:$0x10200] =	vst v63  }
0x10b: {  	_ = 	snop  }
0x10c: {  	[tilespmem:s12], [sflag:$0x1] =	stream.indirect_vreg.gather [hbm4b:s4+s2], $0x80, v3, vm0, $0xb8;
	[tilespmem:$0x10200] =	vst v63  }
0x10d: {  	s30 =	simm.s32 $0xB200  }
0x10e: {  	[tilespmem:s30], [sflag:$0x1] =	stream.indirect_vreg.gather [hbm4b:s5+s2], $0x80, v3, vm0, $0xb8;
	[tilespmem:$0x10200] =	vst v63  }
0x10f: {  	s19 =	simm.s32 $0xBA00  }
0x110: {  	[tilespmem:s19], [sflag:$0x1] =	stream.indirect_vreg.gather [hbm4b:s6+s2], $0x80, v3, vm0, $0xb8;
	[tilespmem:$0x10200] =	vst v63  }
0x111: {  	v3 =	vld [tilespmem:$0x70];
	_ =	sdelay $0x4  }
0x112: {  	v59 =	vshll.u32 v3, $0x3  }
0x113: {  	v3 =	vand.u32 $0x7, v3;
	v4 =	vand.u32 $0xFFFFFFC0, v59  }
0x114: {  	v3 =	vor.u32 v3, v4  }
0x115: {  	v4 =	vperm.xlane v3, v0;
	_ =	sdelay $0x1  }
0x116: {  	v4 =	vadd.s32 v1, v4;
	_ =	sdelay $0x3  }
0x117: {  	s30 =	simm.s32 $0xC200  }
0x118: {  	[tilespmem:s30], [sflag:$0x1] =	stream.indirect_vreg.gather [hbm4b:s3+s2], $0x80, v4, vm0, $0xb8;
	[tilespmem:$0x10200] =	vst v63  }
0x119: {  	s19 =	simm.s32 $0xCA00;
	v3 =	vperm.xlane v3, v2  }
0x11a: {  	[tilespmem:s19], [sflag:$0x1] =	stream.indirect_vreg.gather [hbm4b:s4+s2], $0x80, v4, vm0, $0xb8;
	[tilespmem:$0x10200] =	vst v63  }
0x11b: {  	s26 =	simm.s32 $0xD200;
	v3 =	vadd.s32 v1, v3  }
0x11c: {  	[tilespmem:s26], [sflag:$0x1] =	stream.indirect_vreg.gather [hbm4b:s5+s2], $0x80, v4, vm0, $0xb8;
	[tilespmem:$0x10200] =	vst v63  }
0x11d: {  	s26 =	simm.s32 $0xDA00  }
0x11e: {  	[tilespmem:s26], [sflag:$0x1] =	stream.indirect_vreg.gather [hbm4b:s6+s2], $0x80, v4, vm0, $0xb8;
	[tilespmem:$0x10200] =	vst v63  }
0x11f: {  	s23 =	simm.s32 $0xE200  }
0x120: {  	[tilespmem:s23], [sflag:$0x1] =	stream.indirect_vreg.gather [hbm4b:s3+s2], $0x80, v3, vm0, $0xb8;
	[tilespmem:$0x10200] =	vst v63  }
0x121: {  	s24 =	simm.s32 $0xEA00  }
0x122: {  	[tilespmem:s24], [sflag:$0x1] =	stream.indirect_vreg.gather [hbm4b:s4+s2], $0x80, v3, vm0, $0xb8;
	[tilespmem:$0x10200] =	vst v63  }
0x123: {  	s31 =	simm.s32 $0xF200  }
0x124: {  	[tilespmem:s31], [sflag:$0x1] =	stream.indirect_vreg.gather [hbm4b:s5+s2], $0x80, v3, vm0, $0xb8;
	[tilespmem:$0x10200] =	vst v63  }
0x125: {  	s31 =	simm.s32 $0xFA00  }
0x126: {  	[tilespmem:s31], [sflag:$0x1] =	stream.indirect_vreg.gather [hbm4b:s6+s2], $0x80, v3, vm0, $0xb8;
	[tilespmem:$0x10200] =	vst v63  }
0x127: {  	_ =	swait.ge [sflag:s18], $0x10000  }
0x128: {  	[sflag:s18] =	ssyncset.done $0x0  }
0x129: {  	s19 =	rddreg [dreg:$0x8];
	[sflag:s18] =	ssyncadd.s32 $0xFFFF0000  }
0x12a: {  	[hbm4b:s19+s2] =	stream.linear.scatter [tilespmem:s22], [sflag:$0x2], $0x10000, $0x38;
	[tilespmem:$0x10200] =	vst v63  }
0x12b: {  	_ =	swait.ge [sflag:s8], $0x10000  }
0x12c: {  	[sflag:s8] =	ssyncset.done $0x0  }
0x12d: {  	[sflag:s8] =	ssyncadd.s32 $0xFFFF0000  }
0x12e: {  	v3 =	vld [tilespmem:$0xC0];
	_ =	sdelay $0x4  }
0x12f: {  	v60 =	vshll.u32 v3, $0x3  }
0x130: {  	v3 =	vand.u32 $0x7, v3;
	v4 =	vand.u32 $0xFFFFFFC0, v60  }
0x131: {  	v3 =	vor.u32 v3, v4  }
0x132: {  	v4 =	vperm.xlane v3, v0;
	_ =	sdelay $0x1  }
0x133: {  	v4 =	vadd.s32 v1, v4;
	_ =	sdelay $0x4  }
0x134: {  	[tilespmem:s22], [sflag:$0x1] =	stream.indirect_vreg.gather [hbm4b:s3+s2], $0x80, v4, vm0, $0xb8;
	[tilespmem:$0x10200] =	vst v63  }
0x135: {  	s19 =	simm.s32 $0xA00;
	v3 =	vperm.xlane v3, v2  }
0x136: {  	[tilespmem:s19], [sflag:$0x1] =	stream.indirect_vreg.gather [hbm4b:s4+s2], $0x80, v4, vm0, $0xb8;
	[tilespmem:$0x10200] =	vst v63  }
0x137: {  	v3 =	vadd.s32 v1, v3;
	s19 =	simm.s32 $0x1200  }
0x138: {  	[tilespmem:s19], [sflag:$0x1] =	stream.indirect_vreg.gather [hbm4b:s5+s2], $0x80, v4, vm0, $0xb8;
	[tilespmem:$0x10200] =	vst v63  }
0x139: {  	s19 =	simm.s32 $0x1A00  }
0x13a: {  	[tilespmem:s19], [sflag:$0x1] =	stream.indirect_vreg.gather [hbm4b:s6+s2], $0x80, v4, vm0, $0xb8;
	[tilespmem:$0x10200] =	vst v63  }
0x13b: {  	s19 =	simm.s32 $0x2200  }
0x13c: {  	[tilespmem:s19], [sflag:$0x1] =	stream.indirect_vreg.gather [hbm4b:s3+s2], $0x80, v3, vm0, $0xb8;
	[tilespmem:$0x10200] =	vst v63  }
0x13d: {  	s28 =	simm.s32 $0x2A00  }
0x13e: {  	[tilespmem:s28], [sflag:$0x1] =	stream.indirect_vreg.gather [hbm4b:s4+s2], $0x80, v3, vm0, $0xb8;
	[tilespmem:$0x10200] =	vst v63  }
0x13f: {  	s14 =	simm.s32 $0x3200  }
0x140: {  	[tilespmem:s14], [sflag:$0x1] =	stream.indirect_vreg.gather [hbm4b:s5+s2], $0x80, v3, vm0, $0xb8;
	[tilespmem:$0x10200] =	vst v63  }
0x141: {  	s19 =	simm.s32 $0x3A00  }
0x142: {  	[tilespmem:s19], [sflag:$0x1] =	stream.indirect_vreg.gather [hbm4b:s6+s2], $0x80, v3, vm0, $0xb8;
	[tilespmem:$0x10200] =	vst v63  }
0x143: {  	v3 =	vld [tilespmem:$0xD0];
	_ =	sdelay $0x4  }
0x144: {  	v61 =	vshll.u32 v3, $0x3  }
0x145: {  	v3 =	vand.u32 $0x7, v3;
	v4 =	vand.u32 $0xFFFFFFC0, v61  }
0x146: {  	v3 =	vor.u32 v3, v4  }
0x147: {  	v4 =	vperm.xlane v3, v0;
	_ =	sdelay $0x1  }
0x148: {  	v4 =	vadd.s32 v1, v4;
	_ =	sdelay $0x3  }
0x149: {  	s20 =	simm.s32 $0x4200  }
0x14a: {  	[tilespmem:s20], [sflag:$0x1] =	stream.indirect_vreg.gather [hbm4b:s3+s2], $0x80, v4, vm0, $0xb8;
	[tilespmem:$0x10200] =	vst v63  }
0x14b: {  	s21 =	simm.s32 $0x4A00;
	v3 =	vperm.xlane v3, v2  }
0x14c: {  	[tilespmem:s21], [sflag:$0x1] =	stream.indirect_vreg.gather [hbm4b:s4+s2], $0x80, v4, vm0, $0xb8;
	[tilespmem:$0x10200] =	vst v63  }
0x14d: {  	v3 =	vadd.s32 v1, v3;
	s20 =	simm.s32 $0x5200  }
0x14e: {  	[tilespmem:s20], [sflag:$0x1] =	stream.indirect_vreg.gather [hbm4b:s5+s2], $0x80, v4, vm0, $0xb8;
	[tilespmem:$0x10200] =	vst v63  }
0x14f: {  	s21 =	simm.s32 $0x5A00  }
0x150: {  	[tilespmem:s21], [sflag:$0x1] =	stream.indirect_vreg.gather [hbm4b:s6+s2], $0x80, v4, vm0, $0xb8;
	[tilespmem:$0x10200] =	vst v63  }
0x151: {  	s25 =	simm.s32 $0x6200  }
0x152: {  	[tilespmem:s25], [sflag:$0x1] =	stream.indirect_vreg.gather [hbm4b:s3+s2], $0x80, v3, vm0, $0xb8;
	[tilespmem:$0x10200] =	vst v63  }
0x153: {  	s0 =	simm.s32 $0x6A00  }
0x154: {  	[tilespmem:s0], [sflag:$0x1] =	stream.indirect_vreg.gather [hbm4b:s4+s2], $0x80, v3, vm0, $0xb8;
	[tilespmem:$0x10200] =	vst v63  }
0x155: {  	s1 =	simm.s32 $0x7200  }
0x156: {  	[tilespmem:s1], [sflag:$0x1] =	stream.indirect_vreg.gather [hbm4b:s5+s2], $0x80, v3, vm0, $0xb8;
	[tilespmem:$0x10200] =	vst v63  }
0x157: {  	s13 =	simm.s32 $0x7A00  }
0x158: {  	[tilespmem:s13], [sflag:$0x1] =	stream.indirect_vreg.gather [hbm4b:s6+s2], $0x80, v3, vm0, $0xb8;
	[tilespmem:$0x10200] =	vst v63  }
0x159: {  	v3 =	vld [tilespmem:$0xE0];
	_ =	sdelay $0x4  }
0x15a: {  	v62 =	vshll.u32 v3, $0x3  }
0x15b: {  	v3 =	vand.u32 $0x7, v3;
	v4 =	vand.u32 $0xFFFFFFC0, v62  }
0x15c: {  	v3 =	vor.u32 v3, v4  }
0x15d: {  	v4 =	vperm.xlane v3, v0;
	_ =	sdelay $0x1  }
0x15e: {  	v4 =	vadd.s32 v1, v4;
	_ =	sdelay $0x3  }
0x15f: {  	s15 =	simm.s32 $0x8200  }
0x160: {  	[tilespmem:s15], [sflag:$0x1] =	stream.indirect_vreg.gather [hbm4b:s3+s2], $0x80, v4, vm0, $0xb8;
	[tilespmem:$0x10200] =	vst v63  }
0x161: {  	s16 =	simm.s32 $0x8A00;
	v3 =	vperm.xlane v3, v2  }
0x162: {  	[tilespmem:s16], [sflag:$0x1] =	stream.indirect_vreg.gather [hbm4b:s4+s2], $0x80, v4, vm0, $0xb8;
	[tilespmem:$0x10200] =	vst v63  }
0x163: {  	s9 =	simm.s32 $0x9200;
	v3 =	vadd.s32 v1, v3  }
0x164: {  	[tilespmem:s9], [sflag:$0x1] =	stream.indirect_vreg.gather [hbm4b:s5+s2], $0x80, v4, vm0, $0xb8;
	[tilespmem:$0x10200] =	vst v63  }
0x165: {  	s10 =	simm.s32 $0x9A00  }
0x166: {  	[tilespmem:s10], [sflag:$0x1] =	stream.indirect_vreg.gather [hbm4b:s6+s2], $0x80, v4, vm0, $0xb8;
	[tilespmem:$0x10200] =	vst v63  }
0x167: {  	s11 =	simm.s32 $0xA200  }
0x168: {  	[tilespmem:s11], [sflag:$0x1] =	stream.indirect_vreg.gather [hbm4b:s3+s2], $0x80, v3, vm0, $0xb8;
	[tilespmem:$0x10200] =	vst v63  }
0x169: {  	s12 =	simm.s32 $0xAA00  }
0x16a: {  	[tilespmem:s12], [sflag:$0x1] =	stream.indirect_vreg.gather [hbm4b:s4+s2], $0x80, v3, vm0, $0xb8;
	[tilespmem:$0x10200] =	vst v63  }
0x16b: {  	s29 =	simm.s32 $0xB200  }
0x16c: {  	[tilespmem:s29], [sflag:$0x1] =	stream.indirect_vreg.gather [hbm4b:s5+s2], $0x80, v3, vm0, $0xb8;
	[tilespmem:$0x10200] =	vst v63  }
0x16d: {  	s25 =	simm.s32 $0xBA00  }
0x16e: {  	[tilespmem:s25], [sflag:$0x1] =	stream.indirect_vreg.gather [hbm4b:s6+s2], $0x80, v3, vm0, $0xb8;
	[tilespmem:$0x10200] =	vst v63  }
0x16f: {  	v3 =	vld [tilespmem:$0xF0];
	_ =	sdelay $0x4  }
0x170: {  	v63 =	vshll.u32 v3, $0x3  }
0x171: {  	v3 =	vand.u32 $0x7, v3;
	v4 =	vand.u32 $0xFFFFFFC0, v63  }
0x172: {  	v3 =	vor.u32 v3, v4  }
0x173: {  	v4 =	vperm.xlane v3, v0;
	_ =	sdelay $0x1  }
0x174: {  	v4 =	vadd.s32 v1, v4;
	_ =	sdelay $0x3  }
0x175: {  	s28 =	simm.s32 $0xC200  }
0x176: {  	[tilespmem:s28], [sflag:$0x1] =	stream.indirect_vreg.gather [hbm4b:s3+s2], $0x80, v4, vm0, $0xb8;
	[tilespmem:$0x10200] =	vst v63  }
0x177: {  	s29 =	simm.s32 $0xCA00;
	v3 =	vperm.xlane v3, v2  }
0x178: {  	[tilespmem:s29], [sflag:$0x1] =	stream.indirect_vreg.gather [hbm4b:s4+s2], $0x80, v4, vm0, $0xb8;
	[tilespmem:$0x10200] =	vst v63  }
0x179: {  	s30 =	simm.s32 $0xD200;
	v3 =	vadd.s32 v1, v3  }
0x17a: {  	[tilespmem:s30], [sflag:$0x1] =	stream.indirect_vreg.gather [hbm4b:s5+s2], $0x80, v4, vm0, $0xb8;
	[tilespmem:$0x10200] =	vst v63  }
0x17b: {  	s26 =	simm.s32 $0xDA00  }
0x17c: {  	[tilespmem:s26], [sflag:$0x1] =	stream.indirect_vreg.gather [hbm4b:s6+s2], $0x80, v4, vm0, $0xb8;
	[tilespmem:$0x10200] =	vst v63  }
0x17d: {  	s17 =	simm.s32 $0xE200  }
0x17e: {  	[tilespmem:s17], [sflag:$0x1] =	stream.indirect_vreg.gather [hbm4b:s3+s2], $0x80, v3, vm0, $0xb8;
	[tilespmem:$0x10200] =	vst v63  }
0x17f: {  	s23 =	simm.s32 $0xEA00  }
0x180: {  	[tilespmem:s23], [sflag:$0x1] =	stream.indirect_vreg.gather [hbm4b:s4+s2], $0x80, v3, vm0, $0xb8;
	[tilespmem:$0x10200] =	vst v63  }
0x181: {  	s24 =	simm.s32 $0xF200  }
0x182: {  	[tilespmem:s24], [sflag:$0x1] =	stream.indirect_vreg.gather [hbm4b:s5+s2], $0x80, v3, vm0, $0xb8;
	[tilespmem:$0x10200] =	vst v63  }
0x183: {  	s31 =	simm.s32 $0xFA00  }
0x184: {  	[tilespmem:s31], [sflag:$0x1] =	stream.indirect_vreg.gather [hbm4b:s6+s2], $0x80, v3, vm0, $0xb8;
	[tilespmem:$0x10200] =	vst v63  }
0x185: {  	_ =	swait.ge [sflag:s18], $0x10000  }
0x186: {  	[sflag:s18] =	ssyncset.done $0x0  }
0x187: {  	s31 =	rddreg [dreg:$0x9];
	[sflag:s18] =	ssyncadd.s32 $0xFFFF0000  }
0x188: {  	[hbm4b:s31+s2] =	stream.linear.scatter [tilespmem:s22], [sflag:$0x2], $0x10000, $0x38;
	[tilespmem:$0x10200] =	vst v63  }
0x189: {  	_ =	swait.ge [sflag:s8], $0x10000  }
0x18a: {  	s20 =	simm.s32 @!p0 $0x0;
	[sflag:s8] =	ssyncset.done $0x0  }
0x18b: {  	s21 =	simm.s32 @!p0 $0x100;
	s19 =	rddreg [dreg:$0x3];
	[sflag:s8] =	ssyncadd.s32 $0xFFFF0000  }
0x18c: {  	[tilespmem:s21], [sflag:$0x2] =	stream.linear.gather @!p0 [hbm4b:s19+s20], $0x100, $0x38;
	[tilespmem:$0x10200] =	vst v63  }
0x18d: {  	s19 =	simm.s32 @!p0 $0x2  }
0x18e: {  	_ =	swait.ge @!p0 [sflag:s19], $0x100  }
0x18f: {  	[sflag:s19] =	ssyncset.done @!p0 $0x0  }
0x190: {  	[sflag:s19] =	ssyncadd.s32 @!p0 $0xFFFFFF00  }
0x191: {  	v3 =	vld.msk @!p0 [tilespmem:$0x100], $0xff;
	_ =	sdelay $0x4  }
0x192: {  	v4 =	vshll.u32 @!p0 v3, $0x3  }
0x193: {  	v5 =	vlaneseq.u32 @!p0;
	v3 =	vand.u32 @!p0 $0x7, v3;
	v4 =	vand.u32 @!p0 $0xFFFFFFC0, v4  }
0x194: {  	v3 =	vor.u32 @!p0 v3, v4;
	v4 =	vand.u32 @!p0 $0x7, v5;
	v5 =	vshrl.u32 @!p0 v5, $0x3  }
0x195: {  	v3 =	vperm.xlane @!p0 v3, v4;
	v5 =	vmul.u32 @!p0 $0x8, v5;
	_ =	sdelay $0x1  }
0x196: {  	v3 =	vadd.s32 @!p0 v5, v3;
	_ =	sdelay $0x3  }
0x197: {  	s21 =	simm.s32 @!p0 $0x200  }
0x198: {  	[tilespmem:s21], [sflag:$0x1] =	stream.indirect_vreg.gather @!p0 [hbm4b:s3+s20], $0x80, v3, vm1, $0xb8;
	[tilespmem:$0x10200] =	vst v63  }
0x199: {  	s22 =	simm.s32 @!p0 $0xA00  }
0x19a: {  	[tilespmem:s22], [sflag:$0x1] =	stream.indirect_vreg.gather @!p0 [hbm4b:s4+s20], $0x80, v3, vm1, $0xb8;
	[tilespmem:$0x10200] =	vst v63  }
0x19b: {  	s23 =	simm.s32 @!p0 $0x1200  }
0x19c: {  	[tilespmem:s23], [sflag:$0x1] =	stream.indirect_vreg.gather @!p0 [hbm4b:s5+s20], $0x80, v3, vm1, $0xb8;
	[tilespmem:$0x10200] =	vst v63  }
0x19d: {  	s25 =	simm.s32 @!p0 $0x1;
	s24 =	simm.s32 @!p0 $0x1A00  }
0x19e: {  	[tilespmem:s24], [sflag:$0x1] =	stream.indirect_vreg.gather @!p0 [hbm4b:s6+s20], $0x80, v3, vm1, $0xb8;
	[tilespmem:$0x10200] =	vst v63  }
0x19f: {  	_ =	swait.ge @!p0 [sflag:s25], $0x2000  }
0x1a0: {  	[sflag:s25] =	ssyncset.done @!p0 $0x0  }
0x1a1: {  	s26 =	rddreg [dreg:$0x4];
	[sflag:s25] =	ssyncadd.s32 @!p0 $0xFFFFE000  }
0x1a2: {  	[hbm4b:s26+s20] =	stream.linear.scatter @!p0 [tilespmem:s21], [sflag:$0x2], $0x2000, $0x38;
	[tilespmem:$0x10200] =	vst v63  }
0x1a3: {  	_ =	swait.ge @!p0 [sflag:s19], $0x2000  }
0x1a4: {  	[sflag:s19] =	ssyncset.done @!p0 $0x0  }
0x1a5: {  	[sflag:s19] =	ssyncadd.s32 @!p0 $0xFFFFE000  }
0x1a6: {  	v3 =	vld.msk @!p0 [tilespmem:$0x180], $0xff;
	_ =	sdelay $0x4  }
0x1a7: {  	v6 =	vshll.u32 @!p0 v3, $0x3  }
0x1a8: {  	v3 =	vand.u32 @!p0 $0x7, v3;
	v6 =	vand.u32 @!p0 $0xFFFFFFC0, v6  }
0x1a9: {  	v3 =	vor.u32 @!p0 v3, v6  }
0x1aa: {  	v3 =	vperm.xlane @!p0 v3, v4;
	_ =	sdelay $0x1  }
0x1ab: {  	v3 =	vadd.s32 @!p0 v5, v3;
	_ =	sdelay $0x4  }
0x1ac: {  	[tilespmem:s21], [sflag:$0x1] =	stream.indirect_vreg.gather @!p0 [hbm4b:s3+s20], $0x80, v3, vm1, $0xb8;
	[tilespmem:$0x10200] =	vst v63  }
0x1ad: {  	_ = 	snop  }
0x1ae: {  	[tilespmem:s22], [sflag:$0x1] =	stream.indirect_vreg.gather @!p0 [hbm4b:s4+s20], $0x80, v3, vm1, $0xb8;
	[tilespmem:$0x10200] =	vst v63  }
0x1af: {  	_ = 	snop  }
0x1b0: {  	[tilespmem:s23], [sflag:$0x1] =	stream.indirect_vreg.gather @!p0 [hbm4b:s5+s20], $0x80, v3, vm1, $0xb8;
	[tilespmem:$0x10200] =	vst v63  }
0x1b1: {  	_ = 	snop  }
0x1b2: {  	[tilespmem:s24], [sflag:$0x1] =	stream.indirect_vreg.gather @!p0 [hbm4b:s6+s20], $0x80, v3, vm1, $0xb8;
	[tilespmem:$0x10200] =	vst v63  }
0x1b3: {  	s7 =	sadd.s32 $0xFFFFFFFF, s7;
	_ =	swait.ge @!p0 [sflag:s25], $0x2000  }
0x1b4: {  	p1 =	sne.s32 s7, $0x0;
	[sflag:s25] =	ssyncset.done @!p0 $0x0  }
.Ltmp0:
0x1b5: {  	s22 =	rddreg [dreg:$0xa];
	[sflag:s25] =	ssyncadd.s32 @!p0 $0xFFFFE000;
	(pc) =	sbr.rel @p1 .LBB2_1-.Ltmp0, $4  }
0x1b6: {  	[hbm4b:s22+s20] =	stream.linear.scatter @!p0 [tilespmem:s21], [sflag:$0x2], $0x2000, $0x38;
	[tilespmem:$0x10200] =	vst v63  }
0x1b7: {  	_ =	swait.ge @!p0 [sflag:s19], $0x2000  }
0x1b8: {  	[sflag:s19] =	ssyncset.done @!p0 $0x0  }
0x1b9: {  	[sflag:s19] =	ssyncadd.s32 @!p0 $0xFFFFE000  }
0x1ba: {  	_ =	sfence.sel $0x180000  }
0x1bb: {  	[bflag:$0x0] =	sbarrier.arrive $0xFFFF  }
0x1bc: {  	_ =	strace $0x9000004A  }
0x1bd: {  	s0 =	stileid.u32;
	[bflag:$0x2] =	sbarrier.arrive $0xFFFF  }
0x1be: {  	p0 =	sne.s32 s0, $0x0;
	s0 =	rddreg [dreg:$0x2]  }
0x1bf: {  	s0 =	sadd.s32 @!p0 $0x100000, s0  }
0x1c0: {  	[sflag:s0] =	ssyncadd.tile.s32 @!p0 $0x1;
	_ =	shalt  }
.Lfunc_end2:
_tile_overlayer_lowered:
.L_overlay_start_2:
0x1c1: {  	(tag) =	ssettag $0x2  }
0x1c2: {  	s0 =	rddreg [dreg:$0x0];
	s2 =	stileid.u32  }
0x1c3: {  	s1 =	rddreg [dreg:$0x1];
	p0 =	sne.s32 s2, $0x0  }
0x1c4: {  	s3 =	rddreg [dreg:$0x2];
	[bflag:$0x3] =	sbarrier.arrive $0xFFFF;
	s2 =	simm.s32 @!p0 $0x1C02  }
0x1c5: {  	[timem:s3], [sflag:s2] =	dma.local @!p0 [hbm:s0], s1  }
0x1c6: {  	s0 =	simm.s32 @!p0 $0x2  }
0x1c7: {  	_ =	swait.ge @!p0 [sflag:s0], s1  }
0x1c8: {  	s1 =	ssub.s32 @!p0 $0x0, s1;
	[sflag:s0] =	ssyncset.done @!p0 $0x0  }
0x1c9: {  	[sflag:s0] =	ssyncadd.s32 @!p0 s1  }
0x1ca: {  	[bflag:$0x3] =	sbarrier.arrive $0xFFFF  }
0x1cb: {  	_ =	shalt  }

// kernel: kernel.7.cloned.1.call-start
scs
__scs_entry_jumppad:
0x0: {  	(pc) =	sbr.rel $0x88, $3  }
0x1: {  	(tag) =	ssettag $0x0;
	lr =	simm.s32 $0x1  }
0x2: {  	[smem:$0x3F9A] =	sst lr;
	_ =	strace $0xD0000000  }
0x3: {  	_ = 	snop  }
0x4: {  	_ = 	snop  }
0x5: {  	_ = 	snop  }
0x6: {  	_ = 	snop  }
0x7: {  	_ = 	snop  }
__scs_overlays_trampoline_lowered:
0x8: {  	[smem:$0x3FA9] =	sst s0  }
0x9: {  	[smem:$0x3FAA] =	sst s1  }
0xa: {  	[smem:$0x3FAB] =	sst s2  }
0xb: {  	[smem:$0x3FAC] =	sst s3  }
0xc: {  	[smem:$0x3FAD] =	sst s4  }
0xd: {  	[smem:$0x3FAE] =	sst s5  }
0xe: {  	[smem:$0x3FAF] =	sst s6  }
0xf: {  	[smem:$0x3FB0] =	sst s7  }
0x10: {  	[smem:$0x3FB1] =	sst s8  }
0x11: {  	[smem:$0x3FB2] =	sst s9;
	s0 =	simm.s32 @!p0 $0x0  }
0x12: {  	s1 =	sld [smem:$0x3F98];
	s0 =	simm.s32 @p0 $0x1  }
0x13: {  	[smem:$0x3FB3] =	sst s0;
	s0 =	simm.s32 @!p1 $0x0  }
0x14: {  	s2 =	sld [smem:$0x3F97];
	s0 =	simm.s32 @p1 $0x1  }
0x15: {  	[smem:$0x3FB4] =	sst s0;
	s0 =	simm.s32 @!p2 $0x0  }
0x16: {  	s3 =	sld [smem:$0x3FDB];
	s0 =	simm.s32 @p2 $0x1  }
0x17: {  	s4 =	simm.s32 $0x1BF5;
	[smem:$0x3FB6] =	sst s0  }
0x18: {  	s0 =	sld [smem:$0x3F99];
	_ =	swait.ge [sflag:s4], $0x0  }
0x19: {  	s7 =	sld [smem:$0x3F9A]  }
0x1a: {  	s8 =	sadd.s32 $0xFFFFE003, lr  }
0x1b: {  	s9 =	sadd.s32 $0xFFFFFEF7, lr;
	s5 =	simm.s32 $0xFFFFFFFF;
	p2 =	slt.u32 s8, $0xFFFFF086  }
0x1c: {  	p1 =	slt.u32 s9, $0xF7A;
	s5 =	simm.s32 @!p2 $0x0  }
0x1d: {  	s5 =	simm.s32 @p1 $0x1;
	p0 =	seq.s32 s7, s2  }
0x1e: {  	s7 =	smul.u32 @!p0 $0xF7A, s2;
	p2 =	seq.s32 @!p0 s5, $0x0  }
0x1f: {  	s9 =	smul.u32 $0xF7A, s1;
	s8 =	simm.s32 @!p0 $0x1BF5;
	p2 =	por !p2, p0  }
0x20: {  	[sflag:s8] =	ssyncset.s32 @!p0 $0xFFFFF086;
	s6 =	sadd.s32 @!p0 s3, s7;
	s7 =	simm.s32 @!p0 $0x108  }
0x21: {  	s3 =	sadd.s32 s3, s9;
	s6 =	sadd.s32 @!p0 $0x88, s6;
	s7 =	simm.s32 @p2 $0x1082  }
0x22: {  	[simem:s7], [sflag:s8] =	dma.local @!p0 [hbm:s6], $0xF7A  }
0x23: {  	s9 =	sor.u32 $0xD0000000, s2;
	s6 =	simm.s32 $0x108;
	_ =	swait.ge @!p0 [sflag:s8], $0x0  }
0x24: {  	s3 =	sadd.s32 $0x88, s3;
	s6 =	simm.s32 @!p1 $0x1082;
	[sflag:s4] =	ssyncset.s32 $0xFFFFF086  }
0x25: {  	[simem:s6], [sflag:s4] =	dma.local [hbm:s3], $0xF7A  }
0x26: {  	[smem:$0x3F9A] =	sst s1;
	(tag) =	ssettag s2;
	_ =	strace s9  }
0x27: {  	s1 =	sld [smem:$0x3FAA]  }
0x28: {  	s2 =	sld [smem:$0x3FAB]  }
0x29: {  	s4 =	sld [smem:$0x3FAD]  }
0x2a: {  	p0 =	seq.s32 s5, $0x0;
	s5 =	sld [smem:$0x3FAE]  }
0x2b: {  	s6 =	sld [smem:$0x3FAF]  }
0x2c: {  	s7 =	sld [smem:$0x3FB0]  }
0x2d: {  	s3 =	simm.s32 $0x108;
	s8 =	sld [smem:$0x3FB1]  }
0x2e: {  	s3 =	simm.s32 @!p0 $0x1082;
	s9 =	sld [smem:$0x3FB2]  }
0x2f: {  	lr =	sadd.s32 s0, s3;
	s0 =	sld [smem:$0x3FA9]  }
0x30: {  	s3 =	sld [smem:$0x3FAC]  }
0x31: {  	[smem:$0x3FB5] =	sst s10  }
0x32: {  	s10 =	sld [smem:$0x3FB3];
	_ =	sdelay $0x3  }
0x33: {  	p0 =	seq.s32 s10, $0x1;
	s10 =	sld [smem:$0x3FB5];
	_ =	sdelay $0x3  }
0x34: {  	[smem:$0x3FB5] =	sst s10  }
0x35: {  	s10 =	sld [smem:$0x3FB4];
	_ =	sdelay $0x3  }
0x36: {  	p1 =	seq.s32 s10, $0x1;
	s10 =	sld [smem:$0x3FB5];
	_ =	sdelay $0x3  }
0x37: {  	[smem:$0x3FB5] =	sst s10  }
0x38: {  	s10 =	sld [smem:$0x3FB6]  }
0x39: {  	_ = 	snop;
	(pc) =	sbr.ind lr, $3  }
0x3a: {  	_ = 	snop  }
0x3b: {  	_ = 	snop  }
0x3c: {  	p2 =	seq.s32 s10, $0x1;
	s10 =	sld [smem:$0x3FB5]  }
0x3d: {  	_ =	shalt  }
0x3e: {  	_ =	shalt  }
0x3f: {  	_ =	shalt  }
0x40: {  	_ =	shalt  }
0x41: {  	_ =	shalt  }
0x42: {  	_ =	shalt  }
0x43: {  	_ =	shalt  }
0x44: {  	_ =	shalt  }
0x45: {  	_ =	shalt  }
0x46: {  	_ =	shalt  }
0x47: {  	_ =	shalt  }
0x48: {  	_ =	shalt  }
0x49: {  	_ =	shalt  }
0x4a: {  	_ =	shalt  }
0x4b: {  	_ =	shalt  }
0x4c: {  	_ =	shalt  }
0x4d: {  	_ =	shalt  }
0x4e: {  	_ =	shalt  }
0x4f: {  	_ =	shalt  }
0x50: {  	_ =	shalt  }
0x51: {  	_ =	shalt  }
0x52: {  	_ =	shalt  }
0x53: {  	_ =	shalt  }
0x54: {  	_ =	shalt  }
0x55: {  	_ =	shalt  }
0x56: {  	_ =	shalt  }
0x57: {  	_ =	shalt  }
0x58: {  	_ =	shalt  }
0x59: {  	_ =	shalt  }
0x5a: {  	_ =	shalt  }
0x5b: {  	_ =	shalt  }
0x5c: {  	_ =	shalt  }
0x5d: {  	_ =	shalt  }
0x5e: {  	_ =	shalt  }
0x5f: {  	_ =	shalt  }
0x60: {  	_ =	shalt  }
0x61: {  	_ =	shalt  }
0x62: {  	_ =	shalt  }
0x63: {  	_ =	shalt  }
0x64: {  	_ =	shalt  }
0x65: {  	_ =	shalt  }
0x66: {  	_ =	shalt  }
0x67: {  	_ =	shalt  }
0x68: {  	_ =	shalt  }
0x69: {  	_ =	shalt  }
0x6a: {  	_ =	shalt  }
0x6b: {  	_ =	shalt  }
0x6c: {  	_ =	shalt  }
0x6d: {  	_ =	shalt  }
0x6e: {  	_ =	shalt  }
0x6f: {  	_ =	shalt  }
0x70: {  	_ =	shalt  }
0x71: {  	_ =	shalt  }
0x72: {  	_ =	shalt  }
0x73: {  	_ =	shalt  }
0x74: {  	_ =	shalt  }
0x75: {  	_ =	shalt  }
0x76: {  	_ =	shalt  }
0x77: {  	_ =	shalt  }
0x78: {  	_ =	shalt  }
0x79: {  	_ =	shalt  }
0x7a: {  	_ =	shalt  }
0x7b: {  	_ =	shalt  }
0x7c: {  	_ =	shalt  }
0x7d: {  	_ =	shalt  }
0x7e: {  	_ =	shalt  }
0x7f: {  	_ =	shalt  }
0x80: {  	_ =	shalt  }
0x81: {  	_ =	shalt  }
0x82: {  	_ =	shalt  }
0x83: {  	_ =	shalt  }
0x84: {  	_ =	shalt  }
0x85: {  	_ =	shalt  }
0x86: {  	_ =	shalt  }
0x87: {  	_ =	shalt  }
.Lfunc_end0:
.L_simem_size_0:
called_computation_lowered:
.L_overlay_start_0:
0x88: {  	s2 =	sld [smem:$0x3FD9]  }
0x89: {  	s3 =	sld [smem:$0x3FFE];
	_ =	sdelay $0x1  }
0x8a: {  	s1 =	srdreg.scid  }
0x8b: {  	s0 =	sand.u32 $0x1, s1  }
0x8c: {  	s17 =	sshll.u32 s0, $0xA;
	s2 =	sadd.s32 s3, s2  }
0x8d: {  	s2 =	sadd.s32 s2, s17  }
0x8e: {  	[smem:$0x3FC1] =	sst s2  }
0x8f: {  	_ = 	snop  }
0x90: {  	s2 =	sld [smem:$0x3FC9]  }
0x91: {  	s18 =	sld [smem:$0x3FD0];
	(tm) =	ssettm $0x1  }
0x92: {  	s4 =	sld [smem:$0x3FFB];
	_ =	sdelay $0x3  }
0x93: {  	_ =	strace s4  }
0x94: {  	s4 =	sld [smem:$0x3FFC];
	_ =	sdelay $0x3  }
0x95: {  	_ =	strace s4  }
0x96: {  	s4 =	sld [smem:$0x3FFD];
	_ =	sdelay $0x3  }
0x97: {  	_ =	strace s4  }
0x98: {  	_ =	strace $0x8FFFFFFF  }
0x99: {  	s19 =	sld [smem:$0x3FDB];
	_ =	sdelay $0x1  }
0x9a: {  	s5 =	simm.s32 $_scs_section_size  }
0x9b: {  	s6 =	simm.s32 $_size__tile_overlayer_lowered;
	s7 =	simm.s32 $_tile_overlayer_lowered  }
0x9c: {  	s22 =	simm.s32 $0x1BFF;
	s21 =	sshll.u32 s7, $0x1;
	s4 =	sadd.s32 s5, s19  }
0x9d: {  	s8 =	simm.s32 $0x0;
	s20 =	sshll.u32 s6, $0x1;
	s6 =	sadd.s32 s21, s4  }
0x9e: {  	[timem:s8], [sflag:s22] =	dma.local [hbm:s6], s20  }
0x9f: {  	_ =	swait.ge [sflag:s22], s20  }
0xa0: {  	s5 =	ssub.s32 $0x0, s20;
	[sflag:s22] =	ssyncset.done $0x0  }
0xa1: {  	[sflag:s22] =	ssyncadd.s32 s5;
	_ =	sdelay $0x1  }
0xa2: {  	s23 =	simm.s32 $0x1B8B  }
0xa3: {  	_ =	swait.ge [sflag:s23], $0x1  }
0xa4: {  	[sflag:s23] =	ssyncset.done $0x0  }
0xa5: {  	s25 =	simm.s32 $0x1B8E;
	s24 =	sld [smem:$0x3FFE];
	[sflag:s23] =	ssyncadd.s32 $0xFFFFFFFF  }
0xa6: {  	s26 =	simm.s32 $execute0_lowered;
	[smem:$0x3FD2] =	sst s25  }
0xa7: {  	s6 =	sshll.u32 s26, $0x1;
	_ =	strace $0x80000046;
	[dreg:$0x1] =	wrdreg $0xFFFFFFFF  }
0xa8: {  	s28 =	simm.s32 $_size_execute0_lowered;
	s4 =	sadd.s32 s4, s6;
	[dreg:$0x0] =	wrdreg $0x0  }
0xa9: {  	s6 =	sshll.u32 s28, $0x1;
	[dreg:$0x2] =	wrdreg s4  }
0xaa: {  	[dreg:$0x3] =	wrdreg s6  }
0xab: {  	[dreg:$0x4] =	wrdreg $0xC0  }
0xac: {  	_ =	task [dreg:s8], $0x5FFFF  }
0xad: {  	[dreg:$0x1] =	wrdreg $0xFFFFFFFF  }
0xae: {  	[dreg:$0x0] =	wrdreg $0x60  }
0xaf: {  	[dreg:$0x2] =	wrdreg s2  }
0xb0: {  	[dreg:$0x3] =	wrdreg s24  }
0xb1: {  	[dreg:$0x4] =	wrdreg s18  }
0xb2: {  	[dreg:$0x5] =	wrdreg $0x9  }
0xb3: {  	_ =	task.clear_ibuf [dreg:s8], $0x6FFFF;
	_ =	strace $0x90000046  }
0xb4: {  	s29 =	simm.s32 $0x9;
	_ =	strace $0x80000048  }
0xb5: {  	_ =	swait.ge [sflag:s29], $0x1  }
0xb6: {  	[sflag:s29] =	ssyncadd.s32 $0xFFFFFFFF  }
0xb7: {  	_ =	strace $0x90000048  }
0xb8: {  	_ =	sfence  }
0xb9: {  	s30 =	sld [smem:$0x0];
	_ =	sdelay $0x2  }
0xba: {  	s31 =	sshll.u32 s1, $0xD;
	s1 =	sshrl.u32 s1, $0x2  }
0xbb: {  	s3 =	sand.u32 $0x4000, s31;
	s1 =	sadd.s32 s1, s30  }
0xbc: {  	s0 =	sor.u32 s3, s0;
	s1 =	sshll.u32 s1, $0x11  }
0xbd: {  	s0 =	sor.u32 s1, s0  }
0xbe: {  	s0 =	sadd.s32 $0x8F2B, s0  }
0xbf: {  	[sflag:s0] =	ssyncadd.remote.s32 $0x1  }
0xc0: {  	_ =	sfence.sel $0xFFFF  }
0xc1: {  	[dreg:$0x0] =	wrdreg $0xFFFFFFFF;
	(pc) =	sbr.abs _section_cstart, $3  }
0xc2: {  	[dreg:$0x1] =	wrdreg $0xFFFFFFFF  }
0xc3: {  	_ =	task.clear_ibuf [dreg:s8], $0x2FFFF;
	_ =	strace $0x9FFFFFFF  }
0xc4: {  	(tm) =	ssettm $0x7FFFFFFF  }
0xc5: {  	_ =	shalt  }
tec
execute0_lowered:
.L_overlay_start_1:
0x0: {  	(tag) =	ssettag $0x1  }
0x1: {  	s0 =	srdreg.scid;
	s9 =	stileid.u32  }
0x2: {  	s0 =	sand.u32 $0x1, s0;
	s1 =	sshll.u32 s9, $0x1  }
0x3: {  	s10 =	rddreg [dreg:$0x1];
	s1 =	sor.u32 s0, s1  }
0x4: {  	s4 =	rddreg [dreg:$0x2];
	s3 =	smul.u32 $0x148, s1  }
0x5: {  	s2 =	simm.s32 $0x0;
	s24 =	rddreg [dreg:$0x0];
	s1 =	smul.u32 $0xA400, s1  }
0x6: {  	[smem:$0x7FF] =	sst s2;
	s5 =	sadd.s32 $0x1800, s10;
	s15 =	smul.u32 $0x290, s9  }
0x7: {  	s9 =	simm.s32 $0x2;
	s6 =	ssub.s32 $0x2, s0;
	s1 =	sadd.s32 s5, s1  }
0x8: {  	s0 =	smul.u32 $0x148, s0;
	s25 =	sadd.s32 $0x20, s3;
	[dreg:$0x6] =	wrdreg s1  }
0x9: {  	s7 =	sshrl.u32 s6, $0x1;
	s26 =	sadd.s32 $0x40, s3;
	[dreg:$0x5] =	wrdreg s25  }
0xa: {  	s6 =	ssub.s32 s6, s7;
	s29 =	sadd.s32 $0x60, s3;
	[dreg:$0x7] =	wrdreg s26  }
0xb: {  	s0 =	sadd.s32 s0, s15;
	s31 =	sadd.s32 $0x80, s3;
	[dreg:$0x9] =	wrdreg s29  }
0xc: {  	s15 =	simm.s32 $0xCA00;
	s12 =	sadd.s32 $0xC0, s3;
	[dreg:$0xb] =	wrdreg s31  }
0xd: {  	s8 =	sshrl.u32 s3, $0x3;
	s14 =	sadd.s32 $0xE0, s3;
	[dreg:$0xf] =	wrdreg s12  }
0xe: {  	s18 =	sadd.s32 $0x100, s3;
	s19 =	sadd.s32 $0x120, s3;
	[dreg:$0x11] =	wrdreg s14  }
0xf: {  	s22 =	sshll.u32 s3, $0x7;
	s0 =	sand.u32 $0x7FF0, s0;
	[dreg:$0x13] =	wrdreg s18  }
0x10: {  	s23 =	smax.u32 s6, $0x1;
	s4 =	sadd.s32 s4, s8;
	[dreg:$0x15] =	wrdreg s19  }
0x11: {  	s28 =	sshll.u32 s25, $0x7;
	s8 =	sadd.s32 $0xA0, s3;
	[dreg:$0x4] =	wrdreg s4  }
0x12: {  	s17 =	sshll.u32 s14, $0x7;
	s1 =	sadd.s32 s5, s28;
	[dreg:$0xd] =	wrdreg s8  }
0x13: {  	s30 =	sshll.u32 s26, $0x7;
	s7 =	sadd.s32 s5, s17;
	[dreg:$0x8] =	wrdreg s1  }
0x14: {  	s4 =	sshll.u32 s29, $0x7;
	s1 =	sadd.s32 s5, s30;
	[dreg:$0x14] =	wrdreg s7  }
0x15: {  	s16 =	sshll.u32 s12, $0x7;
	[dreg:$0xa] =	wrdreg s1;
	s1 =	sadd.s32 s5, s4  }
0x16: {  	s11 =	sshll.u32 s31, $0x7;
	s4 =	sadd.s32 s5, s16;
	[dreg:$0xc] =	wrdreg s1  }
0x17: {  	s13 =	sshll.u32 s8, $0x7;
	s1 =	sadd.s32 s5, s11;
	[dreg:$0x12] =	wrdreg s4  }
0x18: {  	s20 =	sshll.u32 s18, $0x7;
	[dreg:$0xe] =	wrdreg s1;
	s1 =	sadd.s32 s5, s13  }
0x19: {  	s21 =	sshll.u32 s19, $0x7;
	[dreg:$0x10] =	wrdreg s1;
	s1 =	sadd.s32 s5, s20  }
0x1a: {  	s6 =	simm.s32 $0x3;
	[dreg:$0x16] =	wrdreg s1;
	s1 =	sadd.s32 s5, s21  }
0x1b: {  	s25 =	smin.u32 s0, $0x27A0;
	s26 =	sadd.s32 $0xC00, s10;
	[dreg:$0x17] =	wrdreg s1  }
0x1c: {  	s0 =	sadd.s32 $0x100, s24;
	_ =	strace $0x80000047;
	[dreg:$0x19] =	wrdreg s23  }
0x1d: {  	s28 =	sadd.s32 $0x1200, s10;
	s29 =	sadd.s32 $0xA100, s3;
	[dreg:$0x1b] =	wrdreg s26  }
0x1e: {  	s31 =	sadd.s32 $0xA100, s25;
	s8 =	simm.s32 $0x7800;
	[dreg:$0x1c] =	wrdreg s28  }
0x1f: {  	s10 =	simm.s32 $0xA100;
	s30 =	sadd.s32 $0x7800, s25;
	[dreg:$0x1e] =	wrdreg s3  }
0x20: {  	v2 =	vlaneseq.u32;
	v3 =	vimm.f32 $0.0e+00;
	vm0 =	vmmov $0xffff;
	s4 =	sadd.s32 $0x300, s24;
	s1 =	sadd.s32 s5, s22;
	[dreg:$0x1d] =	wrdreg s29  }
0x21: {  	v4 =	vand.u32 $0x7, v2;
	v5 =	vshrl.u32 v2, $0x3;
	v6 =	vor.u32 $0x8, v2;
	s11 =	simm.s32 $0x1;
	s1 =	sadd.s32 $0xA000, s1;
	[dreg:$0x1a] =	wrdreg s25  }
0x22: {  	v5 =	vmul.u32 $0x8, v5;
	v1 =	vmov s31;
	v0 =	vmov s30;
	s3 =	simm.s32 $0x0;
	[dreg:$0x18] =	wrdreg s1;
	s1 =	sadd.s32 $0x200, s24  }
.LBB2_1:
0x23: {  	s17 =	rddreg [dreg:$0x1b]  }
0x24: {  	[tilespmem:s2], [sflag:$0x3] =	stream.linear.gather [hbm4b:s17+s2], $0x2800, $0x38;
	[tilespmem:$0x1CA00] =	vst v63  }
0x25: {  	_ =	swait.ge [sflag:s6], $0x2800  }
0x26: {  	[sflag:s6] =	ssyncset.done $0x0  }
0x27: {  	[sflag:s6] =	ssyncadd.s32 $0xFFFFD800  }
0x28: {  	s19 =	simm.s32 $0x2800;
	s29 =	rddreg [dreg:$0x1]  }
0x29: {  	[tilespmem:s19], [sflag:$0x3] =	stream.linear.gather [hbm4b:s29+s2], $0x2800, $0x38;
	[tilespmem:$0x1CA00] =	vst v63  }
0x2a: {  	_ =	swait.ge [sflag:s6], $0x2800  }
0x2b: {  	[sflag:s6] =	ssyncset.done $0x0  }
0x2c: {  	s31 =	simm.s32 $0x5000;
	s30 =	rddreg [dreg:$0x1c];
	[sflag:s6] =	ssyncadd.s32 $0xFFFFD800  }
0x2d: {  	[tilespmem:s31], [sflag:$0x3] =	stream.linear.gather [hbm4b:s30+s2], $0x2800, $0x38;
	[tilespmem:$0x1CA00] =	vst v63  }
0x2e: {  	_ =	swait.ge [sflag:s6], $0x2800  }
0x2f: {  	[sflag:s6] =	ssyncset.done $0x0  }
0x30: {  	s19 =	simm.s32 $0x0;
	s17 =	rddreg [dreg:$0x1a];
	[sflag:s6] =	ssyncadd.s32 $0xFFFFD800  }
.LBB2_2:
0x31: {  	p0 =	sne.s32 s19, $0x540  }
.Ltmp0:
0x32: {  	_ = 	snop;
	(pc) =	sbr.rel @p0 .LBB2_2-.Ltmp0, $4  }
0x33: {  	v7 =	vor.u32 s17, v2  }
0x34: {  	s21 =	sshra.s32 s19, $0x2;
	v7 =	vand.u32 $0xFFF, v7  }
0x35: {  	[tilespmem:v0+s21+$0x0 ss:$0x1] =	vst.idx.msk $0xffff, v7  }
0x36: {  	s17 =	sadd.s32 $0x10, s17;
	s19 =	sadd.s32 $0x40, s19;
	[tilespmem:v1+s21+$0x0 ss:$0x1] =	vst.idx.msk $0xffff, v3  }
0x37: {  	[dreg:$0x1f] =	wrdreg s3;
	s17 =	simm.s32 $0x0  }
.LBB2_4:
0x38: {  	s19 =	sshra.s32 s17, $0x2  }
0x39: {  	v7 =	vld [tilespmem:s19+$0x2800];
	_ =	sdelay $0x2  }
0x3a: {  	v8 =	vld [tilespmem:s19+$0x0];
	_ =	sdelay $0x4  }
0x3b: {  	[tilespmem:v7+s8+$0x0] =	vst.idx.msk $0xffff, v8  }
0x3c: {  	v8 =	vld [tilespmem:s19+$0x5000];
	_ =	sdelay $0x4  }
0x3d: {  	[tilespmem:v7+s10+$0x0] =	vst.idx.msk $0xffff, v8  }
0x3e: {  	v7 =	vld [tilespmem:s19+$0x2810];
	_ =	sdelay $0x2  }
0x3f: {  	v8 =	vld [tilespmem:s19+$0x10];
	_ =	sdelay $0x4  }
0x40: {  	[tilespmem:v7+s8+$0x0] =	vst.idx.msk $0xffff, v8  }
0x41: {  	v8 =	vld [tilespmem:s19+$0x5010];
	_ =	sdelay $0x4  }
0x42: {  	[tilespmem:v7+s10+$0x0] =	vst.idx.msk $0xffff, v8  }
0x43: {  	v7 =	vld [tilespmem:s19+$0x2820];
	_ =	sdelay $0x2  }
0x44: {  	v8 =	vld [tilespmem:s19+$0x20];
	_ =	sdelay $0x4  }
0x45: {  	[tilespmem:v7+s8+$0x0] =	vst.idx.msk $0xffff, v8  }
0x46: {  	v8 =	vld [tilespmem:s19+$0x5020];
	_ =	sdelay $0x4  }
0x47: {  	[tilespmem:v7+s10+$0x0] =	vst.idx.msk $0xffff, v8  }
0x48: {  	v7 =	vld [tilespmem:s19+$0x2830];
	_ =	sdelay $0x2  }
0x49: {  	v8 =	vld [tilespmem:s19+$0x30];
	_ =	sdelay $0x4  }
0x4a: {  	[tilespmem:v7+s8+$0x0] =	vst.idx.msk $0xffff, v8  }
0x4b: {  	p0 =	sne.s32 s17, $0x9F00;
	v8 =	vld [tilespmem:s19+$0x5030]  }
.Ltmp1:
0x4c: {  	_ = 	snop;
	(pc) =	sbr.rel @p0 .LBB2_4-.Ltmp1, $2  }
0x4d: {  	_ =	sdelay $0x2  }
0x4e: {  	s17 =	sadd.s32 $0x100, s17;
	[tilespmem:v7+s10+$0x0] =	vst.idx.msk $0xffff, v8  }
0x4f: {  	s17 =	rddreg [dreg:$0x4]  }
0x50: {  	s19 =	rddreg [dreg:$0x1d]  }
0x51: {  	[hbm4b:s17+s2] =	stream.linear.scatter [tilespmem:s19], [sflag:$0x3], $0x148, $0x38;
	[tilespmem:$0x1CA00] =	vst v63  }
0x52: {  	_ =	swait.ge [sflag:s6], $0x148  }
0x53: {  	[sflag:s6] =	ssyncset.done $0x0  }
0x54: {  	s3 =	rddreg [dreg:$0x1e];
	[sflag:s6] =	ssyncadd.s32 $0xFFFFFEB8  }
0x55: {  	v7 =	vld [tilespmem:s3+$0x7800];
	_ =	sdelay $0x4  }
0x56: {  	v8 =	vshll.u32 v7, $0x3  }
0x57: {  	v7 =	vand.u32 $0x7, v7;
	v8 =	vand.u32 $0xFFFFFFC0, v8  }
0x58: {  	v7 =	vor.u32 v7, v8  }
0x59: {  	v8 =	vperm.xlane v7, v4;
	_ =	sdelay $0x1  }
0x5a: {  	v8 =	vadd.s32 v5, v8;
	_ =	sdelay $0x4  }
0x5b: {  	[tilespmem:s15], [sflag:$0x1] =	stream.indirect_vreg.gather [hbm4b:s24+s2], $0x80, v8, vm0, $0xb8;
	[tilespmem:$0x1CA00] =	vst v63  }
0x5c: {  	s5 =	simm.s32 $0xD200;
	v7 =	vperm.xlane v7, v6  }
0x5d: {  	[tilespmem:s5], [sflag:$0x1] =	stream.indirect_vreg.gather [hbm4b:s0+s2], $0x80, v8, vm0, $0xb8;
	[tilespmem:$0x1CA00] =	vst v63  }
0x5e: {  	s26 =	simm.s32 $0xDA00;
	v7 =	vadd.s32 v5, v7  }
0x5f: {  	[tilespmem:s26], [sflag:$0x1] =	stream.indirect_vreg.gather [hbm4b:s1+s2], $0x80, v8, vm0, $0xb8;
	[tilespmem:$0x1CA00] =	vst v63  }
0x60: {  	s28 =	simm.s32 $0xE200  }
0x61: {  	[tilespmem:s28], [sflag:$0x1] =	stream.indirect_vreg.gather [hbm4b:s4+s2], $0x80, v8, vm0, $0xb8;
	[tilespmem:$0x1CA00] =	vst v63  }
0x62: {  	s29 =	simm.s32 $0xEA00  }
0x63: {  	[tilespmem:s29], [sflag:$0x1] =	stream.indirect_vreg.gather [hbm4b:s24+s2], $0x80, v7, vm0, $0xb8;
	[tilespmem:$0x1CA00] =	vst v63  }
0x64: {  	s30 =	simm.s32 $0xF200  }
0x65: {  	[tilespmem:s30], [sflag:$0x1] =	stream.indirect_vreg.gather [hbm4b:s0+s2], $0x80, v7, vm0, $0xb8;
	[tilespmem:$0x1CA00] =	vst v63  }
0x66: {  	s31 =	simm.s32 $0xFA00  }
0x67: {  	[tilespmem:s31], [sflag:$0x1] =	stream.indirect_vreg.gather [hbm4b:s1+s2], $0x80, v7, vm0, $0xb8;
	[tilespmem:$0x1CA00] =	vst v63  }
0x68: {  	s7 =	smov.u32 s3;
	s5 =	simm.s32 $0x10200  }
0x69: {  	[tilespmem:s5], [sflag:$0x1] =	stream.indirect_vreg.gather [hbm4b:s4+s2], $0x80, v7, vm0, $0xb8;
	[tilespmem:$0x1CA00] =	vst v63  }
0x6a: {  	v7 =	vld [tilespmem:s7+$0x7810];
	_ =	sdelay $0x4  }
0x6b: {  	v8 =	vshll.u32 v7, $0x3  }
0x6c: {  	v7 =	vand.u32 $0x7, v7;
	v8 =	vand.u32 $0xFFFFFFC0, v8  }
0x6d: {  	v7 =	vor.u32 v7, v8  }
0x6e: {  	v8 =	vperm.xlane v7, v4;
	_ =	sdelay $0x1  }
0x6f: {  	v8 =	vadd.s32 v5, v8;
	_ =	sdelay $0x3  }
0x70: {  	s7 =	simm.s32 $0x10A00  }
0x71: {  	[tilespmem:s7], [sflag:$0x1] =	stream.indirect_vreg.gather [hbm4b:s24+s2], $0x80, v8, vm0, $0xb8;
	[tilespmem:$0x1CA00] =	vst v63  }
0x72: {  	s13 =	simm.s32 $0x11200;
	v7 =	vperm.xlane v7, v6  }
0x73: {  	[tilespmem:s13], [sflag:$0x1] =	stream.indirect_vreg.gather [hbm4b:s0+s2], $0x80, v8, vm0, $0xb8;
	[tilespmem:$0x1CA00] =	vst v63  }
0x74: {  	s16 =	simm.s32 $0x11A00;
	v7 =	vadd.s32 v5, v7  }
0x75: {  	[tilespmem:s16], [sflag:$0x1] =	stream.indirect_vreg.gather [hbm4b:s1+s2], $0x80, v8, vm0, $0xb8;
	[tilespmem:$0x1CA00] =	vst v63  }
0x76: {  	s17 =	simm.s32 $0x12200  }
0x77: {  	[tilespmem:s17], [sflag:$0x1] =	stream.indirect_vreg.gather [hbm4b:s4+s2], $0x80, v8, vm0, $0xb8;
	[tilespmem:$0x1CA00] =	vst v63  }
0x78: {  	s18 =	simm.s32 $0x12A00  }
0x79: {  	[tilespmem:s18], [sflag:$0x1] =	stream.indirect_vreg.gather [hbm4b:s24+s2], $0x80, v7, vm0, $0xb8;
	[tilespmem:$0x1CA00] =	vst v63  }
0x7a: {  	s19 =	simm.s32 $0x13200  }
0x7b: {  	[tilespmem:s19], [sflag:$0x1] =	stream.indirect_vreg.gather [hbm4b:s0+s2], $0x80, v7, vm0, $0xb8;
	[tilespmem:$0x1CA00] =	vst v63  }
0x7c: {  	s21 =	simm.s32 $0x13A00  }
0x7d: {  	[tilespmem:s21], [sflag:$0x1] =	stream.indirect_vreg.gather [hbm4b:s1+s2], $0x80, v7, vm0, $0xb8;
	[tilespmem:$0x1CA00] =	vst v63  }
0x7e: {  	s23 =	simm.s32 $0x14200  }
0x7f: {  	[tilespmem:s23], [sflag:$0x1] =	stream.indirect_vreg.gather [hbm4b:s4+s2], $0x80, v7, vm0, $0xb8;
	[tilespmem:$0x1CA00] =	vst v63  }
0x80: {  	_ =	swait.ge [sflag:s11], $0x8000  }
0x81: {  	[sflag:s11] =	ssyncset.done $0x0  }
0x82: {  	s17 =	rddreg [dreg:$0x5];
	[sflag:s11] =	ssyncadd.s32 $0xFFFF8000  }
0x83: {  	v7 =	vld [tilespmem:s17+$0x7800];
	_ =	sdelay $0x4  }
0x84: {  	v8 =	vshll.u32 v7, $0x3  }
0x85: {  	v7 =	vand.u32 $0x7, v7;
	v8 =	vand.u32 $0xFFFFFFC0, v8  }
0x86: {  	v7 =	vor.u32 v7, v8  }
0x87: {  	v8 =	vperm.xlane v7, v4;
	_ =	sdelay $0x1  }
0x88: {  	v8 =	vadd.s32 v5, v8;
	_ =	sdelay $0x3  }
0x89: {  	s19 =	simm.s32 $0x14A00  }
0x8a: {  	[tilespmem:s19], [sflag:$0x2] =	stream.indirect_vreg.gather [hbm4b:s24+s2], $0x80, v8, vm0, $0xb8;
	[tilespmem:$0x1CA00] =	vst v63  }
0x8b: {  	s25 =	simm.s32 $0x15200;
	v7 =	vperm.xlane v7, v6  }
0x8c: {  	[tilespmem:s25], [sflag:$0x2] =	stream.indirect_vreg.gather [hbm4b:s0+s2], $0x80, v8, vm0, $0xb8;
	[tilespmem:$0x1CA00] =	vst v63  }
0x8d: {  	s31 =	simm.s32 $0x15A00;
	v7 =	vadd.s32 v5, v7  }
0x8e: {  	[tilespmem:s31], [sflag:$0x2] =	stream.indirect_vreg.gather [hbm4b:s1+s2], $0x80, v8, vm0, $0xb8;
	[tilespmem:$0x1CA00] =	vst v63  }
0x8f: {  	s3 =	simm.s32 $0x16200  }
0x90: {  	[tilespmem:s3], [sflag:$0x2] =	stream.indirect_vreg.gather [hbm4b:s4+s2], $0x80, v8, vm0, $0xb8;
	[tilespmem:$0x1CA00] =	vst v63  }
0x91: {  	s5 =	simm.s32 $0x16A00  }
0x92: {  	[tilespmem:s5], [sflag:$0x2] =	stream.indirect_vreg.gather [hbm4b:s24+s2], $0x80, v7, vm0, $0xb8;
	[tilespmem:$0x1CA00] =	vst v63  }
0x93: {  	s13 =	simm.s32 $0x17200  }
0x94: {  	[tilespmem:s13], [sflag:$0x2] =	stream.indirect_vreg.gather [hbm4b:s0+s2], $0x80, v7, vm0, $0xb8;
	[tilespmem:$0x1CA00] =	vst v63  }
0x95: {  	s21 =	simm.s32 $0x17A00  }
0x96: {  	[tilespmem:s21], [sflag:$0x2] =	stream.indirect_vreg.gather [hbm4b:s1+s2], $0x80, v7, vm0, $0xb8;
	[tilespmem:$0x1CA00] =	vst v63  }
0x97: {  	s23 =	simm.s32 $0x18200  }
0x98: {  	[tilespmem:s23], [sflag:$0x2] =	stream.indirect_vreg.gather [hbm4b:s4+s2], $0x80, v7, vm0, $0xb8;
	[tilespmem:$0x1CA00] =	vst v63  }
0x99: {  	v7 =	vld [tilespmem:s17+$0x7810];
	_ =	sdelay $0x4  }
0x9a: {  	v8 =	vshll.u32 v7, $0x3  }
0x9b: {  	v7 =	vand.u32 $0x7, v7;
	v8 =	vand.u32 $0xFFFFFFC0, v8  }
0x9c: {  	v7 =	vor.u32 v7, v8  }
0x9d: {  	v8 =	vperm.xlane v7, v4;
	_ =	sdelay $0x1  }
0x9e: {  	v8 =	vadd.s32 v5, v8;
	_ =	sdelay $0x3  }
0x9f: {  	s25 =	simm.s32 $0x18A00  }
0xa0: {  	[tilespmem:s25], [sflag:$0x2] =	stream.indirect_vreg.gather [hbm4b:s24+s2], $0x80, v8, vm0, $0xb8;
	[tilespmem:$0x1CA00] =	vst v63  }
0xa1: {  	s31 =	simm.s32 $0x19200;
	v7 =	vperm.xlane v7, v6  }
0xa2: {  	[tilespmem:s31], [sflag:$0x2] =	stream.indirect_vreg.gather [hbm4b:s0+s2], $0x80, v8, vm0, $0xb8;
	[tilespmem:$0x1CA00] =	vst v63  }
0xa3: {  	s3 =	simm.s32 $0x19A00;
	v7 =	vadd.s32 v5, v7  }
0xa4: {  	[tilespmem:s3], [sflag:$0x2] =	stream.indirect_vreg.gather [hbm4b:s1+s2], $0x80, v8, vm0, $0xb8;
	[tilespmem:$0x1CA00] =	vst v63  }
0xa5: {  	s5 =	simm.s32 $0x1A200  }
0xa6: {  	[tilespmem:s5], [sflag:$0x2] =	stream.indirect_vreg.gather [hbm4b:s4+s2], $0x80, v8, vm0, $0xb8;
	[tilespmem:$0x1CA00] =	vst v63  }
0xa7: {  	s13 =	simm.s32 $0x1AA00  }
0xa8: {  	[tilespmem:s13], [sflag:$0x2] =	stream.indirect_vreg.gather [hbm4b:s24+s2], $0x80, v7, vm0, $0xb8;
	[tilespmem:$0x1CA00] =	vst v63  }
0xa9: {  	s17 =	simm.s32 $0x1B200  }
0xaa: {  	[tilespmem:s17], [sflag:$0x2] =	stream.indirect_vreg.gather [hbm4b:s0+s2], $0x80, v7, vm0, $0xb8;
	[tilespmem:$0x1CA00] =	vst v63  }
0xab: {  	s21 =	simm.s32 $0x1BA00  }
0xac: {  	[tilespmem:s21], [sflag:$0x2] =	stream.indirect_vreg.gather [hbm4b:s1+s2], $0x80, v7, vm0, $0xb8;
	[tilespmem:$0x1CA00] =	vst v63  }
0xad: {  	s31 =	simm.s32 $0x1C200  }
0xae: {  	[tilespmem:s31], [sflag:$0x2] =	stream.indirect_vreg.gather [hbm4b:s4+s2], $0x80, v7, vm0, $0xb8;
	[tilespmem:$0x1CA00] =	vst v63  }
0xaf: {  	s3 =	rddreg [dreg:$0x6]  }
0xb0: {  	[hbm4b:s3+s2] =	stream.linear.scatter [tilespmem:s15], [sflag:$0x3], $0x8000, $0x38;
	[tilespmem:$0x1CA00] =	vst v63  }
0xb1: {  	_ =	swait.ge [sflag:s6], $0x8000  }
0xb2: {  	[sflag:s6] =	ssyncset.done $0x0  }
0xb3: {  	[sflag:s6] =	ssyncadd.s32 $0xFFFF8000  }
0xb4: {  	_ =	swait.ge [sflag:s9], $0x8000  }
0xb5: {  	[sflag:s9] =	ssyncset.done $0x0  }
0xb6: {  	s5 =	rddreg [dreg:$0x7];
	[sflag:s9] =	ssyncadd.s32 $0xFFFF8000  }
0xb7: {  	v7 =	vld [tilespmem:s5+$0x7800];
	_ =	sdelay $0x4  }
0xb8: {  	v8 =	vshll.u32 v7, $0x3  }
0xb9: {  	v7 =	vand.u32 $0x7, v7;
	v8 =	vand.u32 $0xFFFFFFC0, v8  }
0xba: {  	v7 =	vor.u32 v7, v8  }
0xbb: {  	v8 =	vperm.xlane v7, v4;
	_ =	sdelay $0x1  }
0xbc: {  	v8 =	vadd.s32 v5, v8;
	_ =	sdelay $0x4  }
0xbd: {  	[tilespmem:s15], [sflag:$0x1] =	stream.indirect_vreg.gather [hbm4b:s24+s2], $0x80, v8, vm0, $0xb8;
	[tilespmem:$0x1CA00] =	vst v63  }
0xbe: {  	s13 =	simm.s32 $0xD200;
	v7 =	vperm.xlane v7, v6  }
0xbf: {  	[tilespmem:s13], [sflag:$0x1] =	stream.indirect_vreg.gather [hbm4b:s0+s2], $0x80, v8, vm0, $0xb8;
	[tilespmem:$0x1CA00] =	vst v63  }
0xc0: {  	s7 =	simm.s32 $0xDA00;
	v7 =	vadd.s32 v5, v7  }
0xc1: {  	[tilespmem:s7], [sflag:$0x1] =	stream.indirect_vreg.gather [hbm4b:s1+s2], $0x80, v8, vm0, $0xb8;
	[tilespmem:$0x1CA00] =	vst v63  }
0xc2: {  	s14 =	simm.s32 $0xE200  }
0xc3: {  	[tilespmem:s14], [sflag:$0x1] =	stream.indirect_vreg.gather [hbm4b:s4+s2], $0x80, v8, vm0, $0xb8;
	[tilespmem:$0x1CA00] =	vst v63  }
0xc4: {  	s20 =	simm.s32 $0xEA00  }
0xc5: {  	[tilespmem:s20], [sflag:$0x1] =	stream.indirect_vreg.gather [hbm4b:s24+s2], $0x80, v7, vm0, $0xb8;
	[tilespmem:$0x1CA00] =	vst v63  }
0xc6: {  	s12 =	simm.s32 $0xF200  }
0xc7: {  	[tilespmem:s12], [sflag:$0x1] =	stream.indirect_vreg.gather [hbm4b:s0+s2], $0x80, v7, vm0, $0xb8;
	[tilespmem:$0x1CA00] =	vst v63  }
0xc8: {  	s22 =	simm.s32 $0xFA00  }
0xc9: {  	[tilespmem:s22], [sflag:$0x1] =	stream.indirect_vreg.gather [hbm4b:s1+s2], $0x80, v7, vm0, $0xb8;
	[tilespmem:$0x1CA00] =	vst v63  }
0xca: {  	s30 =	simm.s32 $0x10200  }
0xcb: {  	[tilespmem:s30], [sflag:$0x1] =	stream.indirect_vreg.gather [hbm4b:s4+s2], $0x80, v7, vm0, $0xb8;
	[tilespmem:$0x1CA00] =	vst v63  }
0xcc: {  	v7 =	vld [tilespmem:s5+$0x7810];
	_ =	sdelay $0x4  }
0xcd: {  	v8 =	vshll.u32 v7, $0x3  }
0xce: {  	v7 =	vand.u32 $0x7, v7;
	v8 =	vand.u32 $0xFFFFFFC0, v8  }
0xcf: {  	v7 =	vor.u32 v7, v8  }
0xd0: {  	v8 =	vperm.xlane v7, v4;
	_ =	sdelay $0x1  }
0xd1: {  	v8 =	vadd.s32 v5, v8;
	_ =	sdelay $0x3  }
0xd2: {  	s31 =	simm.s32 $0x10A00  }
0xd3: {  	[tilespmem:s31], [sflag:$0x1] =	stream.indirect_vreg.gather [hbm4b:s24+s2], $0x80, v8, vm0, $0xb8;
	[tilespmem:$0x1CA00] =	vst v63  }
0xd4: {  	s3 =	simm.s32 $0x11200;
	v7 =	vperm.xlane v7, v6  }
0xd5: {  	[tilespmem:s3], [sflag:$0x1] =	stream.indirect_vreg.gather [hbm4b:s0+s2], $0x80, v8, vm0, $0xb8;
	[tilespmem:$0x1CA00] =	vst v63  }
0xd6: {  	s26 =	simm.s32 $0x11A00;
	v7 =	vadd.s32 v5, v7  }
0xd7: {  	[tilespmem:s26], [sflag:$0x1] =	stream.indirect_vreg.gather [hbm4b:s1+s2], $0x80, v8, vm0, $0xb8;
	[tilespmem:$0x1CA00] =	vst v63  }
0xd8: {  	s28 =	simm.s32 $0x12200  }
0xd9: {  	[tilespmem:s28], [sflag:$0x1] =	stream.indirect_vreg.gather [hbm4b:s4+s2], $0x80, v8, vm0, $0xb8;
	[tilespmem:$0x1CA00] =	vst v63  }
0xda: {  	s29 =	simm.s32 $0x12A00  }
0xdb: {  	[tilespmem:s29], [sflag:$0x1] =	stream.indirect_vreg.gather [hbm4b:s24+s2], $0x80, v7, vm0, $0xb8;
	[tilespmem:$0x1CA00] =	vst v63  }
0xdc: {  	s12 =	simm.s32 $0x13200  }
0xdd: {  	[tilespmem:s12], [sflag:$0x1] =	stream.indirect_vreg.gather [hbm4b:s0+s2], $0x80, v7, vm0, $0xb8;
	[tilespmem:$0x1CA00] =	vst v63  }
0xde: {  	s30 =	simm.s32 $0x13A00  }
0xdf: {  	[tilespmem:s30], [sflag:$0x1] =	stream.indirect_vreg.gather [hbm4b:s1+s2], $0x80, v7, vm0, $0xb8;
	[tilespmem:$0x1CA00] =	vst v63  }
0xe0: {  	s5 =	simm.s32 $0x14200  }
0xe1: {  	[tilespmem:s5], [sflag:$0x1] =	stream.indirect_vreg.gather [hbm4b:s4+s2], $0x80, v7, vm0, $0xb8;
	[tilespmem:$0x1CA00] =	vst v63  }
0xe2: {  	s28 =	rddreg [dreg:$0x8]  }
0xe3: {  	[hbm4b:s28+s2] =	stream.linear.scatter [tilespmem:s19], [sflag:$0x3], $0x8000, $0x38;
	[tilespmem:$0x1CA00] =	vst v63  }
0xe4: {  	_ =	swait.ge [sflag:s6], $0x8000  }
0xe5: {  	[sflag:s6] =	ssyncset.done $0x0  }
0xe6: {  	[sflag:s6] =	ssyncadd.s32 $0xFFFF8000  }
0xe7: {  	_ =	swait.ge [sflag:s11], $0x8000  }
0xe8: {  	[sflag:s11] =	ssyncset.done $0x0  }
0xe9: {  	s29 =	rddreg [dreg:$0x9];
	[sflag:s11] =	ssyncadd.s32 $0xFFFF8000  }
0xea: {  	v7 =	vld [tilespmem:s29+$0x7800];
	_ =	sdelay $0x4  }
0xeb: {  	v8 =	vshll.u32 v7, $0x3  }
0xec: {  	v7 =	vand.u32 $0x7, v7;
	v8 =	vand.u32 $0xFFFFFFC0, v8  }
0xed: {  	v7 =	vor.u32 v7, v8  }
0xee: {  	v8 =	vperm.xlane v7, v4;
	_ =	sdelay $0x1  }
0xef: {  	v8 =	vadd.s32 v5, v8;
	_ =	sdelay $0x4  }
0xf0: {  	[tilespmem:s19], [sflag:$0x2] =	stream.indirect_vreg.gather [hbm4b:s24+s2], $0x80, v8, vm0, $0xb8;
	[tilespmem:$0x1CA00] =	vst v63  }
0xf1: {  	s16 =	simm.s32 $0x15200;
	v7 =	vperm.xlane v7, v6  }
0xf2: {  	[tilespmem:s16], [sflag:$0x2] =	stream.indirect_vreg.gather [hbm4b:s0+s2], $0x80, v8, vm0, $0xb8;
	[tilespmem:$0x1CA00] =	vst v63  }
0xf3: {  	s14 =	simm.s32 $0x15A00;
	v7 =	vadd.s32 v5, v7  }
0xf4: {  	[tilespmem:s14], [sflag:$0x2] =	stream.indirect_vreg.gather [hbm4b:s1+s2], $0x80, v8, vm0, $0xb8;
	[tilespmem:$0x1CA00] =	vst v63  }
0xf5: {  	s16 =	simm.s32 $0x16200  }
0xf6: {  	[tilespmem:s16], [sflag:$0x2] =	stream.indirect_vreg.gather [hbm4b:s4+s2], $0x80, v8, vm0, $0xb8;
	[tilespmem:$0x1CA00] =	vst v63  }
0xf7: {  	s18 =	simm.s32 $0x16A00  }
0xf8: {  	[tilespmem:s18], [sflag:$0x2] =	stream.indirect_vreg.gather [hbm4b:s24+s2], $0x80, v7, vm0, $0xb8;
	[tilespmem:$0x1CA00] =	vst v63  }
0xf9: {  	s18 =	simm.s32 $0x17200  }
0xfa: {  	[tilespmem:s18], [sflag:$0x2] =	stream.indirect_vreg.gather [hbm4b:s0+s2], $0x80, v7, vm0, $0xb8;
	[tilespmem:$0x1CA00] =	vst v63  }
0xfb: {  	s20 =	simm.s32 $0x17A00  }
0xfc: {  	[tilespmem:s20], [sflag:$0x2] =	stream.indirect_vreg.gather [hbm4b:s1+s2], $0x80, v7, vm0, $0xb8;
	[tilespmem:$0x1CA00] =	vst v63  }
0xfd: {  	s22 =	simm.s32 $0x18200  }
0xfe: {  	[tilespmem:s22], [sflag:$0x2] =	stream.indirect_vreg.gather [hbm4b:s4+s2], $0x80, v7, vm0, $0xb8;
	[tilespmem:$0x1CA00] =	vst v63  }
0xff: {  	v7 =	vld [tilespmem:s29+$0x7810];
	_ =	sdelay $0x4  }
0x100: {  	v8 =	vshll.u32 v7, $0x3  }
0x101: {  	v7 =	vand.u32 $0x7, v7;
	v8 =	vand.u32 $0xFFFFFFC0, v8  }
0x102: {  	v7 =	vor.u32 v7, v8  }
0x103: {  	v8 =	vperm.xlane v7, v4;
	_ =	sdelay $0x1  }
0x104: {  	v8 =	vadd.s32 v5, v8;
	_ =	sdelay $0x3  }
0x105: {  	s23 =	simm.s32 $0x18A00  }
0x106: {  	[tilespmem:s23], [sflag:$0x2] =	stream.indirect_vreg.gather [hbm4b:s24+s2], $0x80, v8, vm0, $0xb8;
	[tilespmem:$0x1CA00] =	vst v63  }
0x107: {  	s25 =	simm.s32 $0x19200;
	v7 =	vperm.xlane v7, v6  }
0x108: {  	[tilespmem:s25], [sflag:$0x2] =	stream.indirect_vreg.gather [hbm4b:s0+s2], $0x80, v8, vm0, $0xb8;
	[tilespmem:$0x1CA00] =	vst v63  }
0x109: {  	v7 =	vadd.s32 v5, v7;
	s23 =	simm.s32 $0x19A00  }
0x10a: {  	[tilespmem:s23], [sflag:$0x2] =	stream.indirect_vreg.gather [hbm4b:s1+s2], $0x80, v8, vm0, $0xb8;
	[tilespmem:$0x1CA00] =	vst v63  }
0x10b: {  	s25 =	simm.s32 $0x1A200  }
0x10c: {  	[tilespmem:s25], [sflag:$0x2] =	stream.indirect_vreg.gather [hbm4b:s4+s2], $0x80, v8, vm0, $0xb8;
	[tilespmem:$0x1CA00] =	vst v63  }
0x10d: {  	s26 =	simm.s32 $0x1AA00  }
0x10e: {  	[tilespmem:s26], [sflag:$0x2] =	stream.indirect_vreg.gather [hbm4b:s24+s2], $0x80, v7, vm0, $0xb8;
	[tilespmem:$0x1CA00] =	vst v63  }
0x10f: {  	s28 =	simm.s32 $0x1B200  }
0x110: {  	[tilespmem:s28], [sflag:$0x2] =	stream.indirect_vreg.gather [hbm4b:s0+s2], $0x80, v7, vm0, $0xb8;
	[tilespmem:$0x1CA00] =	vst v63  }
0x111: {  	s29 =	simm.s32 $0x1BA00  }
0x112: {  	[tilespmem:s29], [sflag:$0x2] =	stream.indirect_vreg.gather [hbm4b:s1+s2], $0x80, v7, vm0, $0xb8;
	[tilespmem:$0x1CA00] =	vst v63  }
0x113: {  	s17 =	simm.s32 $0x1C200  }
0x114: {  	[tilespmem:s17], [sflag:$0x2] =	stream.indirect_vreg.gather [hbm4b:s4+s2], $0x80, v7, vm0, $0xb8;
	[tilespmem:$0x1CA00] =	vst v63  }
0x115: {  	s17 =	rddreg [dreg:$0xa]  }
0x116: {  	[hbm4b:s17+s2] =	stream.linear.scatter [tilespmem:s15], [sflag:$0x3], $0x8000, $0x38;
	[tilespmem:$0x1CA00] =	vst v63  }
0x117: {  	_ =	swait.ge [sflag:s6], $0x8000  }
0x118: {  	[sflag:s6] =	ssyncset.done $0x0  }
0x119: {  	[sflag:s6] =	ssyncadd.s32 $0xFFFF8000  }
0x11a: {  	_ =	swait.ge [sflag:s9], $0x8000  }
0x11b: {  	[sflag:s9] =	ssyncset.done $0x0  }
0x11c: {  	s17 =	rddreg [dreg:$0xb];
	[sflag:s9] =	ssyncadd.s32 $0xFFFF8000  }
0x11d: {  	v7 =	vld [tilespmem:s17+$0x7800];
	_ =	sdelay $0x4  }
0x11e: {  	v8 =	vshll.u32 v7, $0x3  }
0x11f: {  	v7 =	vand.u32 $0x7, v7;
	v8 =	vand.u32 $0xFFFFFFC0, v8  }
0x120: {  	v7 =	vor.u32 v7, v8  }
0x121: {  	v8 =	vperm.xlane v7, v4;
	_ =	sdelay $0x1  }
0x122: {  	v8 =	vadd.s32 v5, v8;
	_ =	sdelay $0x4  }
0x123: {  	[tilespmem:s15], [sflag:$0x1] =	stream.indirect_vreg.gather [hbm4b:s24+s2], $0x80, v8, vm0, $0xb8;
	[tilespmem:$0x1CA00] =	vst v63  }
0x124: {  	v7 =	vperm.xlane v7, v6  }
0x125: {  	[tilespmem:s13], [sflag:$0x1] =	stream.indirect_vreg.gather [hbm4b:s0+s2], $0x80, v8, vm0, $0xb8;
	[tilespmem:$0x1CA00] =	vst v63  }
0x126: {  	v7 =	vadd.s32 v5, v7  }
0x127: {  	[tilespmem:s7], [sflag:$0x1] =	stream.indirect_vreg.gather [hbm4b:s1+s2], $0x80, v8, vm0, $0xb8;
	[tilespmem:$0x1CA00] =	vst v63  }
0x128: {  	s21 =	simm.s32 $0xE200  }
0x129: {  	[tilespmem:s21], [sflag:$0x1] =	stream.indirect_vreg.gather [hbm4b:s4+s2], $0x80, v8, vm0, $0xb8;
	[tilespmem:$0x1CA00] =	vst v63  }
0x12a: {  	s7 =	simm.s32 $0xEA00  }
0x12b: {  	[tilespmem:s7], [sflag:$0x1] =	stream.indirect_vreg.gather [hbm4b:s24+s2], $0x80, v7, vm0, $0xb8;
	[tilespmem:$0x1CA00] =	vst v63  }
0x12c: {  	s7 =	simm.s32 $0xF200  }
0x12d: {  	[tilespmem:s7], [sflag:$0x1] =	stream.indirect_vreg.gather [hbm4b:s0+s2], $0x80, v7, vm0, $0xb8;
	[tilespmem:$0x1CA00] =	vst v63  }
0x12e: {  	s7 =	simm.s32 $0xFA00  }
0x12f: {  	[tilespmem:s7], [sflag:$0x1] =	stream.indirect_vreg.gather [hbm4b:s1+s2], $0x80, v7, vm0, $0xb8;
	[tilespmem:$0x1CA00] =	vst v63  }
0x130: {  	s7 =	simm.s32 $0x10200  }
0x131: {  	[tilespmem:s7], [sflag:$0x1] =	stream.indirect_vreg.gather [hbm4b:s4+s2], $0x80, v7, vm0, $0xb8;
	[tilespmem:$0x1CA00] =	vst v63  }
0x132: {  	v7 =	vld [tilespmem:s17+$0x7810];
	_ =	sdelay $0x4  }
0x133: {  	v8 =	vshll.u32 v7, $0x3  }
0x134: {  	v7 =	vand.u32 $0x7, v7;
	v8 =	vand.u32 $0xFFFFFFC0, v8  }
0x135: {  	v7 =	vor.u32 v7, v8  }
0x136: {  	v8 =	vperm.xlane v7, v4;
	_ =	sdelay $0x1  }
0x137: {  	v8 =	vadd.s32 v5, v8;
	_ =	sdelay $0x4  }
0x138: {  	[tilespmem:s31], [sflag:$0x1] =	stream.indirect_vreg.gather [hbm4b:s24+s2], $0x80, v8, vm0, $0xb8;
	[tilespmem:$0x1CA00] =	vst v63  }
0x139: {  	v7 =	vperm.xlane v7, v6  }
0x13a: {  	[tilespmem:s3], [sflag:$0x1] =	stream.indirect_vreg.gather [hbm4b:s0+s2], $0x80, v8, vm0, $0xb8;
	[tilespmem:$0x1CA00] =	vst v63  }
0x13b: {  	s7 =	simm.s32 $0x11A00;
	v7 =	vadd.s32 v5, v7  }
0x13c: {  	[tilespmem:s7], [sflag:$0x1] =	stream.indirect_vreg.gather [hbm4b:s1+s2], $0x80, v8, vm0, $0xb8;
	[tilespmem:$0x1CA00] =	vst v63  }
0x13d: {  	s17 =	simm.s32 $0x12200  }
0x13e: {  	[tilespmem:s17], [sflag:$0x1] =	stream.indirect_vreg.gather [hbm4b:s4+s2], $0x80, v8, vm0, $0xb8;
	[tilespmem:$0x1CA00] =	vst v63  }
0x13f: {  	s31 =	simm.s32 $0x12A00  }
0x140: {  	[tilespmem:s31], [sflag:$0x1] =	stream.indirect_vreg.gather [hbm4b:s24+s2], $0x80, v7, vm0, $0xb8;
	[tilespmem:$0x1CA00] =	vst v63  }
0x141: {  	_ = 	snop  }
0x142: {  	[tilespmem:s12], [sflag:$0x1] =	stream.indirect_vreg.gather [hbm4b:s0+s2], $0x80, v7, vm0, $0xb8;
	[tilespmem:$0x1CA00] =	vst v63  }
0x143: {  	_ = 	snop  }
0x144: {  	[tilespmem:s30], [sflag:$0x1] =	stream.indirect_vreg.gather [hbm4b:s1+s2], $0x80, v7, vm0, $0xb8;
	[tilespmem:$0x1CA00] =	vst v63  }
0x145: {  	_ = 	snop  }
0x146: {  	[tilespmem:s5], [sflag:$0x1] =	stream.indirect_vreg.gather [hbm4b:s4+s2], $0x80, v7, vm0, $0xb8;
	[tilespmem:$0x1CA00] =	vst v63  }
0x147: {  	s5 =	rddreg [dreg:$0xc]  }
0x148: {  	[hbm4b:s5+s2] =	stream.linear.scatter [tilespmem:s19], [sflag:$0x3], $0x8000, $0x38;
	[tilespmem:$0x1CA00] =	vst v63  }
0x149: {  	_ =	swait.ge [sflag:s6], $0x8000  }
0x14a: {  	[sflag:s6] =	ssyncset.done $0x0  }
0x14b: {  	[sflag:s6] =	ssyncadd.s32 $0xFFFF8000  }
0x14c: {  	_ =	swait.ge [sflag:s11], $0x8000  }
0x14d: {  	[sflag:s11] =	ssyncset.done $0x0  }
0x14e: {  	s7 =	rddreg [dreg:$0xd];
	[sflag:s11] =	ssyncadd.s32 $0xFFFF8000  }
0x14f: {  	v7 =	vld [tilespmem:s7+$0x7800];
	_ =	sdelay $0x4  }
0x150: {  	v8 =	vshll.u32 v7, $0x3  }
0x151: {  	v7 =	vand.u32 $0x7, v7;
	v8 =	vand.u32 $0xFFFFFFC0, v8  }
0x152: {  	v7 =	vor.u32 v7, v8  }
0x153: {  	v8 =	vperm.xlane v7, v4;
	_ =	sdelay $0x1  }
0x154: {  	v8 =	vadd.s32 v5, v8;
	_ =	sdelay $0x4  }
0x155: {  	[tilespmem:s19], [sflag:$0x2] =	stream.indirect_vreg.gather [hbm4b:s24+s2], $0x80, v8, vm0, $0xb8;
	[tilespmem:$0x1CA00] =	vst v63  }
0x156: {  	s12 =	simm.s32 $0x15200;
	v7 =	vperm.xlane v7, v6  }
0x157: {  	[tilespmem:s12], [sflag:$0x2] =	stream.indirect_vreg.gather [hbm4b:s0+s2], $0x80, v8, vm0, $0xb8;
	[tilespmem:$0x1CA00] =	vst v63  }
0x158: {  	v7 =	vadd.s32 v5, v7  }
0x159: {  	[tilespmem:s14], [sflag:$0x2] =	stream.indirect_vreg.gather [hbm4b:s1+s2], $0x80, v8, vm0, $0xb8;
	[tilespmem:$0x1CA00] =	vst v63  }
0x15a: {  	_ = 	snop  }
0x15b: {  	[tilespmem:s16], [sflag:$0x2] =	stream.indirect_vreg.gather [hbm4b:s4+s2], $0x80, v8, vm0, $0xb8;
	[tilespmem:$0x1CA00] =	vst v63  }
0x15c: {  	s16 =	simm.s32 $0x16A00  }
0x15d: {  	[tilespmem:s16], [sflag:$0x2] =	stream.indirect_vreg.gather [hbm4b:s24+s2], $0x80, v7, vm0, $0xb8;
	[tilespmem:$0x1CA00] =	vst v63  }
0x15e: {  	_ = 	snop  }
0x15f: {  	[tilespmem:s18], [sflag:$0x2] =	stream.indirect_vreg.gather [hbm4b:s0+s2], $0x80, v7, vm0, $0xb8;
	[tilespmem:$0x1CA00] =	vst v63  }
0x160: {  	_ = 	snop  }
0x161: {  	[tilespmem:s20], [sflag:$0x2] =	stream.indirect_vreg.gather [hbm4b:s1+s2], $0x80, v7, vm0, $0xb8;
	[tilespmem:$0x1CA00] =	vst v63  }
0x162: {  	_ = 	snop  }
0x163: {  	[tilespmem:s22], [sflag:$0x2] =	stream.indirect_vreg.gather [hbm4b:s4+s2], $0x80, v7, vm0, $0xb8;
	[tilespmem:$0x1CA00] =	vst v63  }
0x164: {  	v7 =	vld [tilespmem:s7+$0x7810];
	_ =	sdelay $0x4  }
0x165: {  	v8 =	vshll.u32 v7, $0x3  }
0x166: {  	v7 =	vand.u32 $0x7, v7;
	v8 =	vand.u32 $0xFFFFFFC0, v8  }
0x167: {  	v7 =	vor.u32 v7, v8  }
0x168: {  	v8 =	vperm.xlane v7, v4;
	_ =	sdelay $0x1  }
0x169: {  	v8 =	vadd.s32 v5, v8;
	_ =	sdelay $0x3  }
0x16a: {  	s20 =	simm.s32 $0x18A00  }
0x16b: {  	[tilespmem:s20], [sflag:$0x2] =	stream.indirect_vreg.gather [hbm4b:s24+s2], $0x80, v8, vm0, $0xb8;
	[tilespmem:$0x1CA00] =	vst v63  }
0x16c: {  	s22 =	simm.s32 $0x19200;
	v7 =	vperm.xlane v7, v6  }
0x16d: {  	[tilespmem:s22], [sflag:$0x2] =	stream.indirect_vreg.gather [hbm4b:s0+s2], $0x80, v8, vm0, $0xb8;
	[tilespmem:$0x1CA00] =	vst v63  }
0x16e: {  	v7 =	vadd.s32 v5, v7  }
0x16f: {  	[tilespmem:s23], [sflag:$0x2] =	stream.indirect_vreg.gather [hbm4b:s1+s2], $0x80, v8, vm0, $0xb8;
	[tilespmem:$0x1CA00] =	vst v63  }
0x170: {  	_ = 	snop  }
0x171: {  	[tilespmem:s25], [sflag:$0x2] =	stream.indirect_vreg.gather [hbm4b:s4+s2], $0x80, v8, vm0, $0xb8;
	[tilespmem:$0x1CA00] =	vst v63  }
0x172: {  	_ = 	snop  }
0x173: {  	[tilespmem:s26], [sflag:$0x2] =	stream.indirect_vreg.gather [hbm4b:s24+s2], $0x80, v7, vm0, $0xb8;
	[tilespmem:$0x1CA00] =	vst v63  }
0x174: {  	_ = 	snop  }
0x175: {  	[tilespmem:s28], [sflag:$0x2] =	stream.indirect_vreg.gather [hbm4b:s0+s2], $0x80, v7, vm0, $0xb8;
	[tilespmem:$0x1CA00] =	vst v63  }
0x176: {  	_ = 	snop  }
0x177: {  	[tilespmem:s29], [sflag:$0x2] =	stream.indirect_vreg.gather [hbm4b:s1+s2], $0x80, v7, vm0, $0xb8;
	[tilespmem:$0x1CA00] =	vst v63  }
0x178: {  	s7 =	simm.s32 $0x1C200  }
0x179: {  	[tilespmem:s7], [sflag:$0x2] =	stream.indirect_vreg.gather [hbm4b:s4+s2], $0x80, v7, vm0, $0xb8;
	[tilespmem:$0x1CA00] =	vst v63  }
0x17a: {  	s25 =	rddreg [dreg:$0xe]  }
0x17b: {  	[hbm4b:s25+s2] =	stream.linear.scatter [tilespmem:s15], [sflag:$0x3], $0x8000, $0x38;
	[tilespmem:$0x1CA00] =	vst v63  }
0x17c: {  	_ =	swait.ge [sflag:s6], $0x8000  }
0x17d: {  	[sflag:s6] =	ssyncset.done $0x0  }
0x17e: {  	[sflag:s6] =	ssyncadd.s32 $0xFFFF8000  }
0x17f: {  	_ =	swait.ge [sflag:s9], $0x8000  }
0x180: {  	[sflag:s9] =	ssyncset.done $0x0  }
0x181: {  	s26 =	rddreg [dreg:$0xf];
	[sflag:s9] =	ssyncadd.s32 $0xFFFF8000  }
0x182: {  	v7 =	vld [tilespmem:s26+$0x7800];
	_ =	sdelay $0x4  }
0x183: {  	v8 =	vshll.u32 v7, $0x3  }
0x184: {  	v7 =	vand.u32 $0x7, v7;
	v8 =	vand.u32 $0xFFFFFFC0, v8  }
0x185: {  	v7 =	vor.u32 v7, v8  }
0x186: {  	v8 =	vperm.xlane v7, v4;
	_ =	sdelay $0x1  }
0x187: {  	v8 =	vadd.s32 v5, v8;
	_ =	sdelay $0x4  }
0x188: {  	[tilespmem:s15], [sflag:$0x1] =	stream.indirect_vreg.gather [hbm4b:s24+s2], $0x80, v8, vm0, $0xb8;
	[tilespmem:$0x1CA00] =	vst v63  }
0x189: {  	s13 =	simm.s32 $0xD200;
	v7 =	vperm.xlane v7, v6  }
0x18a: {  	[tilespmem:s13], [sflag:$0x1] =	stream.indirect_vreg.gather [hbm4b:s0+s2], $0x80, v8, vm0, $0xb8;
	[tilespmem:$0x1CA00] =	vst v63  }
0x18b: {  	s28 =	simm.s32 $0xDA00;
	v7 =	vadd.s32 v5, v7  }
0x18c: {  	[tilespmem:s28], [sflag:$0x1] =	stream.indirect_vreg.gather [hbm4b:s1+s2], $0x80, v8, vm0, $0xb8;
	[tilespmem:$0x1CA00] =	vst v63  }
0x18d: {  	s21 =	simm.s32 $0xE200  }
0x18e: {  	[tilespmem:s21], [sflag:$0x1] =	stream.indirect_vreg.gather [hbm4b:s4+s2], $0x80, v8, vm0, $0xb8;
	[tilespmem:$0x1CA00] =	vst v63  }
0x18f: {  	s29 =	simm.s32 $0xEA00  }
0x190: {  	[tilespmem:s29], [sflag:$0x1] =	stream.indirect_vreg.gather [hbm4b:s24+s2], $0x80, v7, vm0, $0xb8;
	[tilespmem:$0x1CA00] =	vst v63  }
0x191: {  	s13 =	simm.s32 $0xF200  }
0x192: {  	[tilespmem:s13], [sflag:$0x1] =	stream.indirect_vreg.gather [hbm4b:s0+s2], $0x80, v7, vm0, $0xb8;
	[tilespmem:$0x1CA00] =	vst v63  }
0x193: {  	s21 =	simm.s32 $0xFA00  }
0x194: {  	[tilespmem:s21], [sflag:$0x1] =	stream.indirect_vreg.gather [hbm4b:s1+s2], $0x80, v7, vm0, $0xb8;
	[tilespmem:$0x1CA00] =	vst v63  }
0x195: {  	s25 =	simm.s32 $0x10200  }
0x196: {  	[tilespmem:s25], [sflag:$0x1] =	stream.indirect_vreg.gather [hbm4b:s4+s2], $0x80, v7, vm0, $0xb8;
	[tilespmem:$0x1CA00] =	vst v63  }
0x197: {  	v7 =	vld [tilespmem:s26+$0x7810];
	_ =	sdelay $0x4  }
0x198: {  	v8 =	vshll.u32 v7, $0x3  }
0x199: {  	v7 =	vand.u32 $0x7, v7;
	v8 =	vand.u32 $0xFFFFFFC0, v8  }
0x19a: {  	v7 =	vor.u32 v7, v8  }
0x19b: {  	v8 =	vperm.xlane v7, v4;
	_ =	sdelay $0x1  }
0x19c: {  	v8 =	vadd.s32 v5, v8;
	_ =	sdelay $0x3  }
0x19d: {  	s26 =	simm.s32 $0x10A00  }
0x19e: {  	[tilespmem:s26], [sflag:$0x1] =	stream.indirect_vreg.gather [hbm4b:s24+s2], $0x80, v8, vm0, $0xb8;
	[tilespmem:$0x1CA00] =	vst v63  }
0x19f: {  	s28 =	simm.s32 $0x11200;
	v7 =	vperm.xlane v7, v6  }
0x1a0: {  	[tilespmem:s28], [sflag:$0x1] =	stream.indirect_vreg.gather [hbm4b:s0+s2], $0x80, v8, vm0, $0xb8;
	[tilespmem:$0x1CA00] =	vst v63  }
0x1a1: {  	s29 =	simm.s32 $0x11A00;
	v7 =	vadd.s32 v5, v7  }
0x1a2: {  	[tilespmem:s29], [sflag:$0x1] =	stream.indirect_vreg.gather [hbm4b:s1+s2], $0x80, v8, vm0, $0xb8;
	[tilespmem:$0x1CA00] =	vst v63  }
0x1a3: {  	s13 =	simm.s32 $0x12200  }
0x1a4: {  	[tilespmem:s13], [sflag:$0x1] =	stream.indirect_vreg.gather [hbm4b:s4+s2], $0x80, v8, vm0, $0xb8;
	[tilespmem:$0x1CA00] =	vst v63  }
0x1a5: {  	s17 =	simm.s32 $0x12A00  }
0x1a6: {  	[tilespmem:s17], [sflag:$0x1] =	stream.indirect_vreg.gather [hbm4b:s24+s2], $0x80, v7, vm0, $0xb8;
	[tilespmem:$0x1CA00] =	vst v63  }
0x1a7: {  	s31 =	simm.s32 $0x13200  }
0x1a8: {  	[tilespmem:s31], [sflag:$0x1] =	stream.indirect_vreg.gather [hbm4b:s0+s2], $0x80, v7, vm0, $0xb8;
	[tilespmem:$0x1CA00] =	vst v63  }
0x1a9: {  	s30 =	simm.s32 $0x13A00  }
0x1aa: {  	[tilespmem:s30], [sflag:$0x1] =	stream.indirect_vreg.gather [hbm4b:s1+s2], $0x80, v7, vm0, $0xb8;
	[tilespmem:$0x1CA00] =	vst v63  }
0x1ab: {  	s26 =	simm.s32 $0x14200  }
0x1ac: {  	[tilespmem:s26], [sflag:$0x1] =	stream.indirect_vreg.gather [hbm4b:s4+s2], $0x80, v7, vm0, $0xb8;
	[tilespmem:$0x1CA00] =	vst v63  }
0x1ad: {  	s28 =	rddreg [dreg:$0x10]  }
0x1ae: {  	[hbm4b:s28+s2] =	stream.linear.scatter [tilespmem:s19], [sflag:$0x3], $0x8000, $0x38;
	[tilespmem:$0x1CA00] =	vst v63  }
0x1af: {  	_ =	swait.ge [sflag:s6], $0x8000  }
0x1b0: {  	[sflag:s6] =	ssyncset.done $0x0  }
0x1b1: {  	[sflag:s6] =	ssyncadd.s32 $0xFFFF8000  }
0x1b2: {  	_ =	swait.ge [sflag:s11], $0x8000  }
0x1b3: {  	[sflag:s11] =	ssyncset.done $0x0  }
0x1b4: {  	s29 =	rddreg [dreg:$0x11];
	[sflag:s11] =	ssyncadd.s32 $0xFFFF8000  }
0x1b5: {  	v7 =	vld [tilespmem:s29+$0x7800];
	_ =	sdelay $0x4  }
0x1b6: {  	v8 =	vshll.u32 v7, $0x3  }
0x1b7: {  	v7 =	vand.u32 $0x7, v7;
	v8 =	vand.u32 $0xFFFFFFC0, v8  }
0x1b8: {  	v7 =	vor.u32 v7, v8  }
0x1b9: {  	v8 =	vperm.xlane v7, v4;
	_ =	sdelay $0x1  }
0x1ba: {  	v8 =	vadd.s32 v5, v8;
	_ =	sdelay $0x4  }
0x1bb: {  	[tilespmem:s19], [sflag:$0x2] =	stream.indirect_vreg.gather [hbm4b:s24+s2], $0x80, v8, vm0, $0xb8;
	[tilespmem:$0x1CA00] =	vst v63  }
0x1bc: {  	s31 =	simm.s32 $0x15200;
	v7 =	vperm.xlane v7, v6  }
0x1bd: {  	[tilespmem:s31], [sflag:$0x2] =	stream.indirect_vreg.gather [hbm4b:s0+s2], $0x80, v8, vm0, $0xb8;
	[tilespmem:$0x1CA00] =	vst v63  }
0x1be: {  	s3 =	simm.s32 $0x15A00;
	v7 =	vadd.s32 v5, v7  }
0x1bf: {  	[tilespmem:s3], [sflag:$0x2] =	stream.indirect_vreg.gather [hbm4b:s1+s2], $0x80, v8, vm0, $0xb8;
	[tilespmem:$0x1CA00] =	vst v63  }
0x1c0: {  	s5 =	simm.s32 $0x16200  }
0x1c1: {  	[tilespmem:s5], [sflag:$0x2] =	stream.indirect_vreg.gather [hbm4b:s4+s2], $0x80, v8, vm0, $0xb8;
	[tilespmem:$0x1CA00] =	vst v63  }
0x1c2: {  	s5 =	simm.s32 $0x16A00  }
0x1c3: {  	[tilespmem:s5], [sflag:$0x2] =	stream.indirect_vreg.gather [hbm4b:s24+s2], $0x80, v7, vm0, $0xb8;
	[tilespmem:$0x1CA00] =	vst v63  }
0x1c4: {  	s12 =	simm.s32 $0x17200  }
0x1c5: {  	[tilespmem:s12], [sflag:$0x2] =	stream.indirect_vreg.gather [hbm4b:s0+s2], $0x80, v7, vm0, $0xb8;
	[tilespmem:$0x1CA00] =	vst v63  }
0x1c6: {  	s14 =	simm.s32 $0x17A00  }
0x1c7: {  	[tilespmem:s14], [sflag:$0x2] =	stream.indirect_vreg.gather [hbm4b:s1+s2], $0x80, v7, vm0, $0xb8;
	[tilespmem:$0x1CA00] =	vst v63  }
0x1c8: {  	s7 =	simm.s32 $0x18200  }
0x1c9: {  	[tilespmem:s7], [sflag:$0x2] =	stream.indirect_vreg.gather [hbm4b:s4+s2], $0x80, v7, vm0, $0xb8;
	[tilespmem:$0x1CA00] =	vst v63  }
0x1ca: {  	v7 =	vld [tilespmem:s29+$0x7810];
	_ =	sdelay $0x4  }
0x1cb: {  	v8 =	vshll.u32 v7, $0x3  }
0x1cc: {  	v7 =	vand.u32 $0x7, v7;
	v8 =	vand.u32 $0xFFFFFFC0, v8  }
0x1cd: {  	v7 =	vor.u32 v7, v8  }
0x1ce: {  	v8 =	vperm.xlane v7, v4;
	_ =	sdelay $0x1  }
0x1cf: {  	v8 =	vadd.s32 v5, v8;
	_ =	sdelay $0x3  }
0x1d0: {  	s29 =	simm.s32 $0x18A00  }
0x1d1: {  	[tilespmem:s29], [sflag:$0x2] =	stream.indirect_vreg.gather [hbm4b:s24+s2], $0x80, v8, vm0, $0xb8;
	[tilespmem:$0x1CA00] =	vst v63  }
0x1d2: {  	s31 =	simm.s32 $0x19200;
	v7 =	vperm.xlane v7, v6  }
0x1d3: {  	[tilespmem:s31], [sflag:$0x2] =	stream.indirect_vreg.gather [hbm4b:s0+s2], $0x80, v8, vm0, $0xb8;
	[tilespmem:$0x1CA00] =	vst v63  }
0x1d4: {  	s16 =	simm.s32 $0x19A00;
	v7 =	vadd.s32 v5, v7  }
0x1d5: {  	[tilespmem:s16], [sflag:$0x2] =	stream.indirect_vreg.gather [hbm4b:s1+s2], $0x80, v8, vm0, $0xb8;
	[tilespmem:$0x1CA00] =	vst v63  }
0x1d6: {  	s18 =	simm.s32 $0x1A200  }
0x1d7: {  	[tilespmem:s18], [sflag:$0x2] =	stream.indirect_vreg.gather [hbm4b:s4+s2], $0x80, v8, vm0, $0xb8;
	[tilespmem:$0x1CA00] =	vst v63  }
0x1d8: {  	s20 =	simm.s32 $0x1AA00  }
0x1d9: {  	[tilespmem:s20], [sflag:$0x2] =	stream.indirect_vreg.gather [hbm4b:s24+s2], $0x80, v7, vm0, $0xb8;
	[tilespmem:$0x1CA00] =	vst v63  }
0x1da: {  	s22 =	simm.s32 $0x1B200  }
0x1db: {  	[tilespmem:s22], [sflag:$0x2] =	stream.indirect_vreg.gather [hbm4b:s0+s2], $0x80, v7, vm0, $0xb8;
	[tilespmem:$0x1CA00] =	vst v63  }
0x1dc: {  	s23 =	simm.s32 $0x1BA00  }
0x1dd: {  	[tilespmem:s23], [sflag:$0x2] =	stream.indirect_vreg.gather [hbm4b:s1+s2], $0x80, v7, vm0, $0xb8;
	[tilespmem:$0x1CA00] =	vst v63  }
0x1de: {  	s5 =	simm.s32 $0x1C200  }
0x1df: {  	[tilespmem:s5], [sflag:$0x2] =	stream.indirect_vreg.gather [hbm4b:s4+s2], $0x80, v7, vm0, $0xb8;
	[tilespmem:$0x1CA00] =	vst v63  }
0x1e0: {  	s7 =	rddreg [dreg:$0x12]  }
0x1e1: {  	[hbm4b:s7+s2] =	stream.linear.scatter [tilespmem:s15], [sflag:$0x3], $0x8000, $0x38;
	[tilespmem:$0x1CA00] =	vst v63  }
0x1e2: {  	_ =	swait.ge [sflag:s6], $0x8000  }
0x1e3: {  	[sflag:s6] =	ssyncset.done $0x0  }
0x1e4: {  	[sflag:s6] =	ssyncadd.s32 $0xFFFF8000  }
0x1e5: {  	_ =	swait.ge [sflag:s9], $0x8000  }
0x1e6: {  	[sflag:s9] =	ssyncset.done $0x0  }
0x1e7: {  	s17 =	rddreg [dreg:$0x13];
	[sflag:s9] =	ssyncadd.s32 $0xFFFF8000  }
0x1e8: {  	v7 =	vld [tilespmem:s17+$0x7800];
	_ =	sdelay $0x4  }
0x1e9: {  	v8 =	vshll.u32 v7, $0x3  }
0x1ea: {  	v7 =	vand.u32 $0x7, v7;
	v8 =	vand.u32 $0xFFFFFFC0, v8  }
0x1eb: {  	v7 =	vor.u32 v7, v8  }
0x1ec: {  	v8 =	vperm.xlane v7, v4;
	_ =	sdelay $0x1  }
0x1ed: {  	v8 =	vadd.s32 v5, v8;
	_ =	sdelay $0x4  }
0x1ee: {  	[tilespmem:s15], [sflag:$0x1] =	stream.indirect_vreg.gather [hbm4b:s24+s2], $0x80, v8, vm0, $0xb8;
	[tilespmem:$0x1CA00] =	vst v63  }
0x1ef: {  	s22 =	simm.s32 $0xD200;
	v7 =	vperm.xlane v7, v6  }
0x1f0: {  	[tilespmem:s22], [sflag:$0x1] =	stream.indirect_vreg.gather [hbm4b:s0+s2], $0x80, v8, vm0, $0xb8;
	[tilespmem:$0x1CA00] =	vst v63  }
0x1f1: {  	s5 =	simm.s32 $0xDA00;
	v7 =	vadd.s32 v5, v7  }
0x1f2: {  	[tilespmem:s5], [sflag:$0x1] =	stream.indirect_vreg.gather [hbm4b:s1+s2], $0x80, v8, vm0, $0xb8;
	[tilespmem:$0x1CA00] =	vst v63  }
0x1f3: {  	s7 =	simm.s32 $0xE200  }
0x1f4: {  	[tilespmem:s7], [sflag:$0x1] =	stream.indirect_vreg.gather [hbm4b:s4+s2], $0x80, v8, vm0, $0xb8;
	[tilespmem:$0x1CA00] =	vst v63  }
0x1f5: {  	s22 =	simm.s32 $0xEA00  }
0x1f6: {  	[tilespmem:s22], [sflag:$0x1] =	stream.indirect_vreg.gather [hbm4b:s24+s2], $0x80, v7, vm0, $0xb8;
	[tilespmem:$0x1CA00] =	vst v63  }
0x1f7: {  	s22 =	simm.s32 $0xF200  }
0x1f8: {  	[tilespmem:s22], [sflag:$0x1] =	stream.indirect_vreg.gather [hbm4b:s0+s2], $0x80, v7, vm0, $0xb8;
	[tilespmem:$0x1CA00] =	vst v63  }
0x1f9: {  	s22 =	simm.s32 $0xFA00  }
0x1fa: {  	[tilespmem:s22], [sflag:$0x1] =	stream.indirect_vreg.gather [hbm4b:s1+s2], $0x80, v7, vm0, $0xb8;
	[tilespmem:$0x1CA00] =	vst v63  }
0x1fb: {  	s22 =	simm.s32 $0x10200  }
0x1fc: {  	[tilespmem:s22], [sflag:$0x1] =	stream.indirect_vreg.gather [hbm4b:s4+s2], $0x80, v7, vm0, $0xb8;
	[tilespmem:$0x1CA00] =	vst v63  }
0x1fd: {  	v7 =	vld [tilespmem:s17+$0x7810];
	_ =	sdelay $0x4  }
0x1fe: {  	v8 =	vshll.u32 v7, $0x3  }
0x1ff: {  	v7 =	vand.u32 $0x7, v7;
	v8 =	vand.u32 $0xFFFFFFC0, v8  }
0x200: {  	v7 =	vor.u32 v7, v8  }
0x201: {  	v8 =	vperm.xlane v7, v4;
	_ =	sdelay $0x1  }
0x202: {  	v8 =	vadd.s32 v5, v8;
	_ =	sdelay $0x3  }
0x203: {  	s21 =	simm.s32 $0x10A00  }
0x204: {  	[tilespmem:s21], [sflag:$0x1] =	stream.indirect_vreg.gather [hbm4b:s24+s2], $0x80, v8, vm0, $0xb8;
	[tilespmem:$0x1CA00] =	vst v63  }
0x205: {  	s25 =	simm.s32 $0x11200;
	v7 =	vperm.xlane v7, v6  }
0x206: {  	[tilespmem:s25], [sflag:$0x1] =	stream.indirect_vreg.gather [hbm4b:s0+s2], $0x80, v8, vm0, $0xb8;
	[tilespmem:$0x1CA00] =	vst v63  }
0x207: {  	v7 =	vadd.s32 v5, v7;
	s25 =	simm.s32 $0x11A00  }
0x208: {  	[tilespmem:s25], [sflag:$0x1] =	stream.indirect_vreg.gather [hbm4b:s1+s2], $0x80, v8, vm0, $0xb8;
	[tilespmem:$0x1CA00] =	vst v63  }
0x209: {  	s21 =	simm.s32 $0x12200  }
0x20a: {  	[tilespmem:s21], [sflag:$0x1] =	stream.indirect_vreg.gather [hbm4b:s4+s2], $0x80, v8, vm0, $0xb8;
	[tilespmem:$0x1CA00] =	vst v63  }
0x20b: {  	s22 =	simm.s32 $0x12A00  }
0x20c: {  	[tilespmem:s22], [sflag:$0x1] =	stream.indirect_vreg.gather [hbm4b:s24+s2], $0x80, v7, vm0, $0xb8;
	[tilespmem:$0x1CA00] =	vst v63  }
0x20d: {  	s25 =	simm.s32 $0x13200  }
0x20e: {  	[tilespmem:s25], [sflag:$0x1] =	stream.indirect_vreg.gather [hbm4b:s0+s2], $0x80, v7, vm0, $0xb8;
	[tilespmem:$0x1CA00] =	vst v63  }
0x20f: {  	s13 =	simm.s32 $0x13A00  }
0x210: {  	[tilespmem:s13], [sflag:$0x1] =	stream.indirect_vreg.gather [hbm4b:s1+s2], $0x80, v7, vm0, $0xb8;
	[tilespmem:$0x1CA00] =	vst v63  }
0x211: {  	s21 =	simm.s32 $0x14200  }
0x212: {  	[tilespmem:s21], [sflag:$0x1] =	stream.indirect_vreg.gather [hbm4b:s4+s2], $0x80, v7, vm0, $0xb8;
	[tilespmem:$0x1CA00] =	vst v63  }
0x213: {  	s22 =	rddreg [dreg:$0x14]  }
0x214: {  	[hbm4b:s22+s2] =	stream.linear.scatter [tilespmem:s19], [sflag:$0x3], $0x8000, $0x38;
	[tilespmem:$0x1CA00] =	vst v63  }
0x215: {  	_ =	swait.ge [sflag:s6], $0x8000  }
0x216: {  	[sflag:s6] =	ssyncset.done $0x0  }
0x217: {  	[sflag:s6] =	ssyncadd.s32 $0xFFFF8000  }
0x218: {  	_ =	swait.ge [sflag:s11], $0x8000  }
0x219: {  	[sflag:s11] =	ssyncset.done $0x0  }
0x21a: {  	s25 =	rddreg [dreg:$0x15];
	[sflag:s11] =	ssyncadd.s32 $0xFFFF8000  }
0x21b: {  	v7 =	vld [tilespmem:s25+$0x7800];
	_ =	sdelay $0x4  }
0x21c: {  	v8 =	vshll.u32 v7, $0x3  }
0x21d: {  	v7 =	vand.u32 $0x7, v7;
	v8 =	vand.u32 $0xFFFFFFC0, v8  }
0x21e: {  	v7 =	vor.u32 v7, v8  }
0x21f: {  	v8 =	vperm.xlane v7, v4;
	_ =	sdelay $0x1  }
0x220: {  	v8 =	vadd.s32 v5, v8;
	_ =	sdelay $0x4  }
0x221: {  	[tilespmem:s19], [sflag:$0x2] =	stream.indirect_vreg.gather [hbm4b:s24+s2], $0x80, v8, vm0, $0xb8;
	[tilespmem:$0x1CA00] =	vst v63  }
0x222: {  	s28 =	simm.s32 $0x15200;
	v7 =	vperm.xlane v7, v6  }
0x223: {  	[tilespmem:s28], [sflag:$0x2] =	stream.indirect_vreg.gather [hbm4b:s0+s2], $0x80, v8, vm0, $0xb8;
	[tilespmem:$0x1CA00] =	vst v63  }
0x224: {  	s3 =	simm.s32 $0x15A00;
	v7 =	vadd.s32 v5, v7  }
0x225: {  	[tilespmem:s3], [sflag:$0x2] =	stream.indirect_vreg.gather [hbm4b:s1+s2], $0x80, v8, vm0, $0xb8;
	[tilespmem:$0x1CA00] =	vst v63  }
0x226: {  	s28 =	simm.s32 $0x16200  }
0x227: {  	[tilespmem:s28], [sflag:$0x2] =	stream.indirect_vreg.gather [hbm4b:s4+s2], $0x80, v8, vm0, $0xb8;
	[tilespmem:$0x1CA00] =	vst v63  }
0x228: {  	s26 =	simm.s32 $0x16A00  }
0x229: {  	[tilespmem:s26], [sflag:$0x2] =	stream.indirect_vreg.gather [hbm4b:s24+s2], $0x80, v7, vm0, $0xb8;
	[tilespmem:$0x1CA00] =	vst v63  }
0x22a: {  	s30 =	simm.s32 $0x17200  }
0x22b: {  	[tilespmem:s30], [sflag:$0x2] =	stream.indirect_vreg.gather [hbm4b:s0+s2], $0x80, v7, vm0, $0xb8;
	[tilespmem:$0x1CA00] =	vst v63  }
0x22c: {  	s12 =	simm.s32 $0x17A00  }
0x22d: {  	[tilespmem:s12], [sflag:$0x2] =	stream.indirect_vreg.gather [hbm4b:s1+s2], $0x80, v7, vm0, $0xb8;
	[tilespmem:$0x1CA00] =	vst v63  }
0x22e: {  	s13 =	simm.s32 $0x18200  }
0x22f: {  	[tilespmem:s13], [sflag:$0x2] =	stream.indirect_vreg.gather [hbm4b:s4+s2], $0x80, v7, vm0, $0xb8;
	[tilespmem:$0x1CA00] =	vst v63  }
0x230: {  	v7 =	vld [tilespmem:s25+$0x7810];
	_ =	sdelay $0x4  }
0x231: {  	v8 =	vshll.u32 v7, $0x3  }
0x232: {  	v7 =	vand.u32 $0x7, v7;
	v8 =	vand.u32 $0xFFFFFFC0, v8  }
0x233: {  	v7 =	vor.u32 v7, v8  }
0x234: {  	v8 =	vperm.xlane v7, v4;
	_ =	sdelay $0x1  }
0x235: {  	v8 =	vadd.s32 v5, v8;
	_ =	sdelay $0x3  }
0x236: {  	s29 =	simm.s32 $0x18A00  }
0x237: {  	[tilespmem:s29], [sflag:$0x2] =	stream.indirect_vreg.gather [hbm4b:s24+s2], $0x80, v8, vm0, $0xb8;
	[tilespmem:$0x1CA00] =	vst v63  }
0x238: {  	s21 =	simm.s32 $0x19200;
	v7 =	vperm.xlane v7, v6  }
0x239: {  	[tilespmem:s21], [sflag:$0x2] =	stream.indirect_vreg.gather [hbm4b:s0+s2], $0x80, v8, vm0, $0xb8;
	[tilespmem:$0x1CA00] =	vst v63  }
0x23a: {  	s14 =	simm.s32 $0x19A00;
	v7 =	vadd.s32 v5, v7  }
0x23b: {  	[tilespmem:s14], [sflag:$0x2] =	stream.indirect_vreg.gather [hbm4b:s1+s2], $0x80, v8, vm0, $0xb8;
	[tilespmem:$0x1CA00] =	vst v63  }
0x23c: {  	s16 =	simm.s32 $0x1A200  }
0x23d: {  	[tilespmem:s16], [sflag:$0x2] =	stream.indirect_vreg.gather [hbm4b:s4+s2], $0x80, v8, vm0, $0xb8;
	[tilespmem:$0x1CA00] =	vst v63  }
0x23e: {  	s18 =	simm.s32 $0x1AA00  }
0x23f: {  	[tilespmem:s18], [sflag:$0x2] =	stream.indirect_vreg.gather [hbm4b:s24+s2], $0x80, v7, vm0, $0xb8;
	[tilespmem:$0x1CA00] =	vst v63  }
0x240: {  	s20 =	simm.s32 $0x1B200  }
0x241: {  	[tilespmem:s20], [sflag:$0x2] =	stream.indirect_vreg.gather [hbm4b:s0+s2], $0x80, v7, vm0, $0xb8;
	[tilespmem:$0x1CA00] =	vst v63  }
0x242: {  	s31 =	simm.s32 $0x1BA00  }
0x243: {  	[tilespmem:s31], [sflag:$0x2] =	stream.indirect_vreg.gather [hbm4b:s1+s2], $0x80, v7, vm0, $0xb8;
	[tilespmem:$0x1CA00] =	vst v63  }
0x244: {  	s22 =	simm.s32 $0x1C200  }
0x245: {  	[tilespmem:s22], [sflag:$0x2] =	stream.indirect_vreg.gather [hbm4b:s4+s2], $0x80, v7, vm0, $0xb8;
	[tilespmem:$0x1CA00] =	vst v63  }
0x246: {  	s25 =	rddreg [dreg:$0x16]  }
0x247: {  	[hbm4b:s25+s2] =	stream.linear.scatter [tilespmem:s15], [sflag:$0x3], $0x8000, $0x38;
	[tilespmem:$0x1CA00] =	vst v63  }
0x248: {  	_ =	swait.ge [sflag:s6], $0x8000  }
0x249: {  	[sflag:s6] =	ssyncset.done $0x0  }
0x24a: {  	[sflag:s6] =	ssyncadd.s32 $0xFFFF8000  }
0x24b: {  	_ =	swait.ge [sflag:s9], $0x8000  }
0x24c: {  	[sflag:s9] =	ssyncset.done $0x0  }
0x24d: {  	s26 =	rddreg [dreg:$0x1e];
	[sflag:s9] =	ssyncadd.s32 $0xFFFF8000  }
0x24e: {  	v7 =	vld.msk [tilespmem:s26+$0x7940], $0xff;
	_ =	sdelay $0x4  }
0x24f: {  	v8 =	vshll.u32 v7, $0x3  }
0x250: {  	v7 =	vand.u32 $0x7, v7;
	v8 =	vand.u32 $0xFFFFFFC0, v8  }
0x251: {  	v7 =	vor.u32 v7, v8  }
0x252: {  	v7 =	vperm.xlane v7, v4;
	_ =	sdelay $0x1  }
0x253: {  	v7 =	vadd.s32 v5, v7;
	_ =	sdelay $0x4  }
0x254: {  	[tilespmem:s15], [sflag:$0x1] =	stream.indirect_vreg.gather [hbm4b:s24+s2], $0x80, v7, vm0, $0xb8;
	[tilespmem:$0x1CA00] =	vst v63  }
0x255: {  	s23 =	simm.s32 $0xD200  }
0x256: {  	[tilespmem:s23], [sflag:$0x1] =	stream.indirect_vreg.gather [hbm4b:s0+s2], $0x80, v7, vm0, $0xb8;
	[tilespmem:$0x1CA00] =	vst v63  }
0x257: {  	_ = 	snop  }
0x258: {  	[tilespmem:s5], [sflag:$0x1] =	stream.indirect_vreg.gather [hbm4b:s1+s2], $0x80, v7, vm0, $0xb8;
	[tilespmem:$0x1CA00] =	vst v63  }
0x259: {  	_ = 	snop  }
0x25a: {  	[tilespmem:s7], [sflag:$0x1] =	stream.indirect_vreg.gather [hbm4b:s4+s2], $0x80, v7, vm0, $0xb8;
	[tilespmem:$0x1CA00] =	vst v63  }
0x25b: {  	s28 =	rddreg [dreg:$0x17]  }
0x25c: {  	[hbm4b:s28+s2] =	stream.linear.scatter [tilespmem:s19], [sflag:$0x3], $0x8000, $0x38;
	[tilespmem:$0x1CA00] =	vst v63  }
0x25d: {  	_ =	swait.ge [sflag:s6], $0x8000  }
0x25e: {  	[sflag:s6] =	ssyncset.done $0x0  }
0x25f: {  	[sflag:s6] =	ssyncadd.s32 $0xFFFF8000  }
0x260: {  	_ =	swait.ge [sflag:s11], $0x2000  }
0x261: {  	[sflag:s11] =	ssyncset.done $0x0  }
0x262: {  	s29 =	rddreg [dreg:$0x18];
	[sflag:s11] =	ssyncadd.s32 $0xFFFFE000  }
0x263: {  	[hbm4b:s29+s2] =	stream.linear.scatter [tilespmem:s15], [sflag:$0x3], $0x2000, $0x38;
	[tilespmem:$0x1CA00] =	vst v63  }
0x264: {  	_ =	swait.ge [sflag:s6], $0x2000  }
0x265: {  	s30 =	rddreg [dreg:$0x1f]  }
0x266: {  	s31 =	rddreg [dreg:$0x19];
	s3 =	sadd.s32 $0x1, s30  }
0x267: {  	p0 =	sne.s32 s3, s31  }
.Ltmp2:
0x268: {  	_ = 	snop;
	(pc) =	sbr.rel @p0 .LBB2_1-.Ltmp2, $3  }
0x269: {  	_ =	sdelay $0x1  }
0x26a: {  	[sflag:s6] =	ssyncset.done $0x0  }
0x26b: {  	[sflag:s6] =	ssyncadd.s32 $0xFFFFE000  }
0x26c: {  	_ =	sfence.sel $0x180000  }
0x26d: {  	[bflag:$0x0] =	sbarrier.arrive $0xFFFF  }
0x26e: {  	_ =	strace $0x90000047  }
0x26f: {  	s0 =	stileid.u32;
	[bflag:$0x2] =	sbarrier.arrive $0xFFFF  }
0x270: {  	p0 =	sne.s32 s0, $0x0;
	s0 =	rddreg [dreg:$0x3]  }
0x271: {  	s0 =	sadd.s32 @!p0 $0x100000, s0  }
0x272: {  	[sflag:s0] =	ssyncadd.tile.s32 @!p0 $0x1;
	_ =	shalt  }
.Lfunc_end2:
_tile_overlayer_lowered:
.L_overlay_start_2:
0x273: {  	(tag) =	ssettag $0x2  }
0x274: {  	s0 =	rddreg [dreg:$0x0];
	s2 =	stileid.u32  }
0x275: {  	s1 =	rddreg [dreg:$0x1];
	p0 =	sne.s32 s2, $0x0  }
0x276: {  	s3 =	rddreg [dreg:$0x2];
	[bflag:$0x3] =	sbarrier.arrive $0xFFFF;
	s2 =	simm.s32 @!p0 $0x1C03  }
0x277: {  	[timem:s3], [sflag:s2] =	dma.local @!p0 [hbm:s0], s1  }
0x278: {  	s0 =	simm.s32 @!p0 $0x3  }
0x279: {  	_ =	swait.ge @!p0 [sflag:s0], s1  }
0x27a: {  	s1 =	ssub.s32 @!p0 $0x0, s1;
	[sflag:s0] =	ssyncset.done @!p0 $0x0  }
0x27b: {  	[sflag:s0] =	ssyncadd.s32 @!p0 s1  }
0x27c: {  	[bflag:$0x3] =	sbarrier.arrive $0xFFFF  }
0x27d: {  	_ =	shalt  }

</sc_bundles>
